<compile_context>
chip_gen: v7x
topology: tpu7x:2x2x1
jax: 0.10.2.dev20260603
libtpu: 0.0.44.dev20260713+nightly
codegen_flags: <defaults>
</compile_context>

<pallas_src>
import functools
import math

import jax
import jax.numpy as jnp
from jax import lax
from jax.experimental import pallas as pl
from jax.experimental.pallas import tpu as pltpu
from jax.experimental.pallas import tpu_sc as plsc

IMG_W = 1333.0
IMG_H = 800.0
SCORE_THRESH = 0.05
DETS = 100
N_PROP = 20000
N_CLS = 81
REG_COLS = N_CLS * 4
BBOX_XFORM_CLIP = math.log(1000.0 / 16.0)
NEG = -1e10

ROWS = 160
N_PAD = ROWS * 128
A_BLK = 40

SC_NC = 2
SC_NS = 16
SC_WORKERS = 32
W_ROWS = ROWS // SC_WORKERS
W_PROPS = W_ROWS * 128
GRP = 128 // 16


def _cls_body(xt_ref, pb_ref, score_ref, label_ref,
              px1_ref, py1_ref, px2_ref, py2_ref):
    x = xt_ref[...]
    m = jnp.max(x, axis=0)
    e = jnp.exp(x - m[None, :])
    s = jnp.sum(e, axis=0)
    score = (1.0 / s).reshape(A_BLK, 128)
    cls_iota = lax.broadcasted_iota(jnp.int32, x.shape, 0)
    lbl = jnp.min(jnp.where(x == m[None, :], cls_iota, N_CLS), axis=0)
    lbl = lbl.reshape(A_BLK, 128)
    i = pl.program_id(0)
    row = (i * A_BLK + lax.broadcasted_iota(jnp.int32, (A_BLK, 128), 0)) * 128 \
        + lax.broadcasted_iota(jnp.int32, (A_BLK, 128), 1)
    pad = row >= N_PROP
    lbl = jnp.where(pad, 0, lbl)
    score_ref[...] = jnp.where(pad, 0.0, score)
    label_ref[...] = lbl.astype(jnp.float32)
    pb = pb_ref[...]
    px1_ref[...] = pb[0].reshape(A_BLK, 128)
    py1_ref[...] = pb[1].reshape(A_BLK, 128)
    px2_ref[...] = pb[2].reshape(A_BLK, 128)
    py2_ref[...] = pb[3].reshape(A_BLK, 128)


_cls_call = pl.pallas_call(
    _cls_body,
    grid=(ROWS // A_BLK,),
    in_specs=[pl.BlockSpec((N_CLS, A_BLK * 128), lambda i: (0, i)),
              pl.BlockSpec((4, A_BLK * 128), lambda i: (0, i))],
    out_specs=[pl.BlockSpec((A_BLK, 128), lambda i: (i, 0))] * 6,
    out_shape=[jax.ShapeDtypeStruct((ROWS, 128), jnp.float32)] * 6,
)


@functools.cache
def _make_sc_gather():
    @functools.partial(
        pl.kernel,
        mesh=plsc.VectorSubcoreMesh(core_axis_name="c", subcore_axis_name="s"),
        compiler_params=pltpu.CompilerParams(needs_layout_passes=False),
        out_type=[jax.ShapeDtypeStruct((N_PAD,), jnp.float32)] * 4,
        scratch_types=[
            pltpu.VMEM((W_PROPS,), jnp.float32),
            [pltpu.VMEM((REG_COLS, 128), jnp.float32) for _ in range(2)],
            [pltpu.VMEM((W_PROPS,), jnp.float32) for _ in range(4)],
            [pltpu.SemaphoreType.DMA for _ in range(2)],
        ],
    )
    def _sc_gather(table_hbm, lbl_hbm,
                   o0_hbm, o1_hbm, o2_hbm, o3_hbm,
                   lbl_v, col_v, sel_v, sems):
        wid = lax.axis_index("s") * SC_NC + lax.axis_index("c")
        outs = (o0_hbm, o1_hbm, o2_hbm, o3_hbm)
        base = wid * W_PROPS
        pltpu.sync_copy(lbl_hbm.at[pl.ds(base, W_PROPS)], lbl_v)
        p_iota = lax.iota(jnp.int32, 16)

        def col0(c):
            return pl.multiple_of(
                jnp.minimum(base + c * 128, N_PROP - 128), 128)

        cps = [None] * W_ROWS
        cps[0] = pltpu.async_copy(
            table_hbm.at[:, pl.ds(col0(0), 128)], col_v[0], sems[0])
        for c in range(W_ROWS):
            if c + 1 < W_ROWS:
                cps[c + 1] = pltpu.async_copy(
                    table_hbm.at[:, pl.ds(col0(c + 1), 128)],
                    col_v[(c + 1) % 2], sems[(c + 1) % 2])
            cps[c].wait()
            for g in range(GRP):
                l4 = lbl_v[pl.ds(c * 128 + g * 16, 16)].astype(jnp.int32) * 4
                p16 = g * 16 + p_iota
                for j in range(4):
                    vals = plsc.load_gather(col_v[c % 2], [l4 + j, p16])
                    sel_v[j][pl.ds(c * 128 + g * 16, 16)] = vals
        for j in range(4):
            pltpu.sync_copy(sel_v[j], outs[j].at[pl.ds(base, W_PROPS)])

    return _sc_gather


def _nms_body(score_ref, label_ref, rx_ref, ry_ref, rw_ref, rh_ref,
              px1_ref, py1_ref, px2_ref, py2_ref,
              ox1_ref, oy1_ref, ox2_ref, oy2_ref, osc_ref, olb_ref):
    score = score_ref[...]
    labelf = label_ref[...]
    px1 = px1_ref[...]
    py1 = py1_ref[...]
    px2 = px2_ref[...]
    py2 = py2_ref[...]
    w = px2 - px1 + 1.0
    h = py2 - py1 + 1.0
    cx = px1 + 0.5 * w
    cy = py1 + 0.5 * h
    dx = rx_ref[...] / 10.0
    dy = ry_ref[...] / 10.0
    dw = jnp.minimum(rw_ref[...] / 5.0, BBOX_XFORM_CLIP)
    dh = jnp.minimum(rh_ref[...] / 5.0, BBOX_XFORM_CLIP)
    pcx = dx * w + cx
    pcy = dy * h + cy
    pw = jnp.exp(dw) * w
    ph = jnp.exp(dh) * h
    x1 = jnp.clip(pcx - 0.5 * pw, 0.0, IMG_W - 1.0)
    y1 = jnp.clip(pcy - 0.5 * ph, 0.0, IMG_H - 1.0)
    x2 = jnp.clip(pcx + 0.5 * pw - 1.0, 0.0, IMG_W - 1.0)
    y2 = jnp.clip(pcy + 0.5 * ph - 1.0, 0.0, IMG_H - 1.0)
    areas = (x2 - x1 + 1.0) * (y2 - y1 + 1.0)

    keep = (labelf >= 1.0) & (score > SCORE_THRESH)
    masked0 = jnp.where(keep, score, NEG)
    lini = lax.broadcasted_iota(jnp.int32, (ROWS, 128), 0) * 128 \
        + lax.broadcasted_iota(jnp.int32, (ROWS, 128), 1)
    linf = lini.astype(jnp.float32)
    lin8 = lax.broadcasted_iota(jnp.int32, (8, 128), 0) * 128 \
        + lax.broadcasted_iota(jnp.int32, (8, 128), 1)
    zero8 = jnp.zeros((8, 128), jnp.float32)

    def step(t, carry):
        masked, a_s, a_l, a_x1, a_y1, a_x2, a_y2 = carry
        m = jnp.max(masked)
        bidx = jnp.min(jnp.where(masked == m, linf, 3.0e7))
        sel = linf == bidx
        bx1 = jnp.sum(jnp.where(sel, x1, 0.0))
        by1 = jnp.sum(jnp.where(sel, y1, 0.0))
        bx2 = jnp.sum(jnp.where(sel, x2, 0.0))
        by2 = jnp.sum(jnp.where(sel, y2, 0.0))
        blb = jnp.sum(jnp.where(sel, labelf, 0.0))
        area1 = (bx2 - bx1 + 1.0) * (by2 - by1 + 1.0)
        iw = jnp.maximum(jnp.minimum(x2, bx2) - jnp.maximum(x1, bx1) + 1.0, 0.0)
        ih = jnp.maximum(jnp.minimum(y2, by2) - jnp.maximum(y1, by1) + 1.0, 0.0)
        inter = iw * ih
        iou = inter / (area1 + areas - inter)
        masked = jnp.where(iou > 0.5, NEG, masked)
        wsel = lin8 == t
        a_s = jnp.where(wsel, m, a_s)
        a_l = jnp.where(wsel, blb, a_l)
        a_x1 = jnp.where(wsel, bx1, a_x1)
        a_y1 = jnp.where(wsel, by1, a_y1)
        a_x2 = jnp.where(wsel, bx2, a_x2)
        a_y2 = jnp.where(wsel, by2, a_y2)
        return masked, a_s, a_l, a_x1, a_y1, a_x2, a_y2

    carry = (masked0, zero8, zero8, zero8, zero8, zero8, zero8)
    _, a_s, a_l, a_x1, a_y1, a_x2, a_y2 = lax.fori_loop(0, DETS, step, carry, unroll=4)
    valid = a_s > 0.0
    vf = valid.astype(jnp.float32)
    ox1_ref[...] = a_x1 * vf
    oy1_ref[...] = a_y1 * vf
    ox2_ref[...] = a_x2 * vf
    oy2_ref[...] = a_y2 * vf
    osc_ref[...] = jnp.where(valid, a_s, 0.0)
    olb_ref[...] = a_l * vf


_nms_call = pl.pallas_call(
    _nms_body,
    out_shape=[jax.ShapeDtypeStruct((8, 128), jnp.float32)] * 6,
)


def kernel(class_logits, box_regression, proposal_boxes):
    score2d, label2d, px1, py1, px2, py2 = _cls_call(
        class_logits.T, proposal_boxes.T)

    r1d = _make_sc_gather()(box_regression.T, label2d.reshape(N_PAD))

    args = [score2d, label2d] + [r.reshape(ROWS, 128) for r in r1d]
    args += [px1, py1, px2, py2]
    ox1, oy1, ox2, oy2, osc, olb = _nms_call(*args)

    boxes = jnp.stack([ox1.ravel()[:DETS], oy1.ravel()[:DETS],
                       ox2.ravel()[:DETS], oy2.ravel()[:DETS]], axis=1)
    return boxes, osc.ravel()[:DETS], olb.ravel()[:DETS].astype(jnp.int32)

# --- scband reference (transcript-rebuilt; emitter-appended) ---
"""Pipeline reference for scband-post-processor-9045201125727 (READ-ONLY COPY).

The authoritative reference and input builder live on the scoring server;
editing this copy changes nothing except your own understanding.
"""

import jax, jax.numpy as jnp
import numpy as np
import math

IMG_W = 1333.0
IMG_H = 800.0
SCORE_THRESH = 0.05
NMS_THRESH = 0.5
DETS_PER_IMG = 100
N_PROP = 20000
N_CLS = 81
BBOX_XFORM_CLIP = math.log(1000.0 / 16.0)
WEIGHTS = (10.0, 10.0, 5.0, 5.0)


def setup_inputs(seed: int = 0):
    key = jax.random.key(seed)
    k1, k2, k3, k4, k5, k6 = jax.random.split(key, 6)
    class_logits = jax.random.normal(k1, (N_PROP, N_CLS), dtype=jnp.float32)
    box_regression = jax.random.normal(k2, (N_PROP, N_CLS * 4), dtype=jnp.float32)
    x1 = jax.random.uniform(k3, (N_PROP,), minval=0.0, maxval=IMG_W - 100.0)
    y1 = jax.random.uniform(k4, (N_PROP,), minval=0.0, maxval=IMG_H - 100.0)
    w = jax.random.uniform(k5, (N_PROP,), minval=8.0, maxval=256.0)
    h = jax.random.uniform(k6, (N_PROP,), minval=8.0, maxval=256.0)
    proposal_boxes = jnp.stack([x1, y1, x1 + w, y1 + h], axis=1).astype(jnp.float32)
    return {"class_logits": class_logits, "box_regression": box_regression, "proposal_boxes": proposal_boxes}


def _decode(box_regression, ref_boxes):
    # BoxCoder(weights=(10, 10, 5, 5)).decode, maskrcnn-benchmark style (TO_REMOVE = 1)
    wx, wy, ww, wh = WEIGHTS
    TO_REMOVE = 1.0
    widths = ref_boxes[:, 2] - ref_boxes[:, 0] + TO_REMOVE
    heights = ref_boxes[:, 3] - ref_boxes[:, 1] + TO_REMOVE
    ctr_x = ref_boxes[:, 0] + 0.5 * widths
    ctr_y = ref_boxes[:, 1] + 0.5 * heights
    dx = box_regression[:, 0::4] / wx
    dy = box_regression[:, 1::4] / wy
    dw = jnp.minimum(box_regression[:, 2::4] / ww, BBOX_XFORM_CLIP)
    dh = jnp.minimum(box_regression[:, 3::4] / wh, BBOX_XFORM_CLIP)
    pred_ctr_x = dx * widths[:, None] + ctr_x[:, None]
    pred_ctr_y = dy * heights[:, None] + ctr_y[:, None]
    pred_w = jnp.exp(dw) * widths[:, None]
    pred_h = jnp.exp(dh) * heights[:, None]
    x1 = pred_ctr_x - 0.5 * pred_w
    y1 = pred_ctr_y - 0.5 * pred_h
    x2 = pred_ctr_x + 0.5 * pred_w - 1.0
    y2 = pred_ctr_y + 0.5 * pred_h - 1.0
    return jnp.stack([x1, y1, x2, y2], axis=-1)  # [N, C, 4]


def _clip_to_image(boxes):
    x1 = jnp.clip(boxes[..., 0], 0.0, IMG_W - 1.0)
    y1 = jnp.clip(boxes[..., 1], 0.0, IMG_H - 1.0)
    x2 = jnp.clip(boxes[..., 2], 0.0, IMG_W - 1.0)
    y2 = jnp.clip(boxes[..., 3], 0.0, IMG_H - 1.0)
    return jnp.stack([x1, y1, x2, y2], axis=-1)


def _iou_one_vs_all(box, boxes):
    TO_REMOVE = 1.0
    area1 = (box[2] - box[0] + TO_REMOVE) * (box[3] - box[1] + TO_REMOVE)
    areas = (boxes[:, 2] - boxes[:, 0] + TO_REMOVE) * (boxes[:, 3] - boxes[:, 1] + TO_REMOVE)
    xx1 = jnp.maximum(box[0], boxes[:, 0])
    yy1 = jnp.maximum(box[1], boxes[:, 1])
    xx2 = jnp.minimum(box[2], boxes[:, 2])
    yy2 = jnp.minimum(box[3], boxes[:, 3])
    inter = jnp.maximum(xx2 - xx1 + TO_REMOVE, 0.0) * jnp.maximum(yy2 - yy1 + TO_REMOVE, 0.0)
    return inter / (area1 + areas - inter)


def _forward_core(class_logits, box_regression, proposal_boxes):
    N, C = class_logits.shape
    class_prob = jax.nn.softmax(class_logits, axis=-1)
    decoded = _decode(box_regression, proposal_boxes)  # [N, C, 4]
    decoded = _clip_to_image(decoded)
    # nms_per_cls = False path of filter_results: pick best class per proposal
    labels = jnp.argmax(class_prob, axis=-1)
    scores_on_label = jnp.take_along_axis(class_prob, labels[:, None], axis=1)[:, 0]
    boxes_on_label = jnp.take_along_axis(decoded, labels[:, None, None].repeat(1, axis=1), axis=1)[:, 0, :]
    keep = (labels >= 1) & (scores_on_label > SCORE_THRESH)
    masked = jnp.where(keep, scores_on_label, -1e10)

    def step(scores_cur, _):
        best = jnp.argmax(scores_cur)
        best_score = scores_cur[best]
        best_box = boxes_on_label[best]
        iou = _iou_one_vs_all(best_box, boxes_on_label)
        suppress = iou > NMS_THRESH
        new_scores = jnp.where(suppress, -1e10, scores_cur)
        new_scores = new_scores.at[best].set(-1e10)
        return new_scores, (best, best_score)

    # Greedy score-ordered NMS; first DETS_PER_IMG picks == full NMS + top-100 kthvalue filter
    _, (sel_idx, sel_scores) = jax.lax.scan(step, masked, None, length=DETS_PER_IMG)
    valid = sel_scores > 0.0
    out_scores = jnp.where(valid, sel_scores, 0.0)
    out_boxes = boxes_on_label[sel_idx] * valid[:, None].astype(jnp.float32)
    out_labels = jnp.where(valid, labels[sel_idx], 0)
    return out_boxes, out_scores, out_labels


def reference(class_logits, box_regression, proposal_boxes):
    return _forward_core(class_logits, box_regression, proposal_boxes)

if __name__ == "__main__":
    import jax
    _d = setup_inputs()
    print(jax.jit(kernel)(*tuple(_d.values())))

</pallas_src>

<mosaic_0001>
#map = affine_map<(d0, d1) -> (0, 0)>
#map1 = affine_map<(d0, d1) -> (0)>
module attributes {stable_mosaic.version = 14 : i64} {
  func.func @_sc_gather(%arg0: i32, %arg1: i32, %arg2: memref<324x20000xf32, #tpu.memory_space<hbm>>, %arg3: memref<20480xf32, #tpu.memory_space<hbm>>, %arg4: memref<20480xf32, #tpu.memory_space<hbm>>, %arg5: memref<20480xf32, #tpu.memory_space<hbm>>, %arg6: memref<20480xf32, #tpu.memory_space<hbm>>, %arg7: memref<20480xf32, #tpu.memory_space<hbm>>, %arg8: memref<640xf32, #tpu.memory_space<vmem>>, %arg9: memref<324x128xf32, #tpu.memory_space<vmem>>, %arg10: memref<324x128xf32, #tpu.memory_space<vmem>>, %arg11: memref<640xf32, #tpu.memory_space<vmem>>, %arg12: memref<640xf32, #tpu.memory_space<vmem>>, %arg13: memref<640xf32, #tpu.memory_space<vmem>>, %arg14: memref<640xf32, #tpu.memory_space<vmem>>, %arg15: memref<!tpu.dma_semaphore, #tpu.memory_space<semaphore_mem>>, %arg16: memref<!tpu.dma_semaphore, #tpu.memory_space<semaphore_mem>>) attributes {dimension_semantics = [#tpu.dimension_semantics<core_parallel>, #tpu.dimension_semantics<subcore_parallel>], iteration_bounds = array<i64: 2, 16>, scalar_prefetch = 0 : i64, scratch_operands = 9 : i64, tpu.core_type = #tpu.core_type<sc_vector_subcore>, window_params = [{transform_indices = #map}, {transform_indices = #map1}, {transform_indices = #map1}, {transform_indices = #map1}, {transform_indices = #map1}, {transform_indices = #map1}]} {
    %mul3A = arith.constant 2 : i32
    %mul3A_0 = arith.muli %arg1, %mul3A : i32
    %add3A = arith.addi %mul3A_0, %arg0 : i32
    %mul3A_1 = arith.constant 640 : i32
    %mul3A_2 = arith.muli %add3A, %mul3A_1 : i32
    "tpu.region"() ({
      %run_scoped3A = tpu.sem_alloc : memref<!tpu.dma_semaphore, #tpu.memory_space<semaphore_mem>>
      %dma_start3A_1380 = tpu.memref_slice %arg3[%mul3A_2] : memref<20480xf32, #tpu.memory_space<hbm>> -> memref<640xf32, #tpu.memory_space<hbm>>
      %dma_start3A_1381 = tpu.memref_slice %arg3[%mul3A_2] : memref<20480xf32, #tpu.memory_space<hbm>> -> memref<640xf32, #tpu.memory_space<hbm>>
      tpu.enqueue_dma source(%dma_start3A_1381 : memref<640xf32, #tpu.memory_space<hbm>>) target(%arg8 : memref<640xf32, #tpu.memory_space<vmem>>) target_semaphore(%run_scoped3A : memref<!tpu.dma_semaphore, #tpu.memory_space<semaphore_mem>>)
      %dma_wait3A_1382 = tpu.memref_slice %arg3[%mul3A_2] : memref<20480xf32, #tpu.memory_space<hbm>> -> memref<640xf32, #tpu.memory_space<hbm>>
      %dma_wait3A_1383 = tpu.memref_slice %arg3[%mul3A_2] : memref<20480xf32, #tpu.memory_space<hbm>> -> memref<640xf32, #tpu.memory_space<hbm>>
      tpu.wait_dma2 semaphore(%run_scoped3A : memref<!tpu.dma_semaphore, #tpu.memory_space<semaphore_mem>>) src(%dma_wait3A_1383 : memref<640xf32, #tpu.memory_space<hbm>>) dst(%arg8 : memref<640xf32, #tpu.memory_space<vmem>>)
      tpu.yield
    }) : () -> ()
    %iota3A = tpu.iota {dimensions = array<i32: 0>} : vector<16xi32>
    %add3A_3 = arith.constant 0 : i32
    %add3A_4 = arith.addi %mul3A_2, %add3A_3 : i32
    %min3A = arith.constant 19872 : i32
    %min3A_5 = arith.minsi %add3A_4, %min3A : i32
    %multiple_of3A = tpu.assume_multiple %min3A_5, 128 : i32
    %dma_start3A = arith.constant 0 : i32
    %dma_start3A_6 = tpu.memref_slice %arg2[%dma_start3A, %multiple_of3A] : memref<324x20000xf32, #tpu.memory_space<hbm>> -> memref<324x128xf32, #tpu.memory_space<hbm>>
    %dma_start3A_7 = arith.constant 0 : i32
    %dma_start3A_8 = tpu.memref_slice %arg2[%dma_start3A_7, %multiple_of3A] : memref<324x20000xf32, #tpu.memory_space<hbm>> -> memref<324x128xf32, #tpu.memory_space<hbm>>
    tpu.enqueue_dma source(%dma_start3A_8 : memref<324x128xf32, #tpu.memory_space<hbm>>) target(%arg9 : memref<324x128xf32, #tpu.memory_space<vmem>>) target_semaphore(%arg15 : memref<!tpu.dma_semaphore, #tpu.memory_space<semaphore_mem>>)
    %add3A_9 = arith.constant 128 : i32
    %add3A_10 = arith.addi %mul3A_2, %add3A_9 : i32
    %min3A_11 = arith.constant 19872 : i32
    %min3A_12 = arith.minsi %add3A_10, %min3A_11 : i32
    %multiple_of3A_13 = tpu.assume_multiple %min3A_12, 128 : i32
    %dma_start3A_14 = arith.constant 0 : i32
    %dma_start3A_15 = tpu.memref_slice %arg2[%dma_start3A_14, %multiple_of3A_13] : memref<324x20000xf32, #tpu.memory_space<hbm>> -> memref<324x128xf32, #tpu.memory_space<hbm>>
    %dma_start3A_16 = arith.constant 0 : i32
    %dma_start3A_17 = tpu.memref_slice %arg2[%dma_start3A_16, %multiple_of3A_13] : memref<324x20000xf32, #tpu.memory_space<hbm>> -> memref<324x128xf32, #tpu.memory_space<hbm>>
    tpu.enqueue_dma source(%dma_start3A_17 : memref<324x128xf32, #tpu.memory_space<hbm>>) target(%arg10 : memref<324x128xf32, #tpu.memory_space<vmem>>) target_semaphore(%arg16 : memref<!tpu.dma_semaphore, #tpu.memory_space<semaphore_mem>>)
    %dma_wait3A = arith.constant 0 : i32
    %dma_wait3A_18 = tpu.memref_slice %arg2[%dma_wait3A, %multiple_of3A] : memref<324x20000xf32, #tpu.memory_space<hbm>> -> memref<324x128xf32, #tpu.memory_space<hbm>>
    %dma_wait3A_19 = arith.constant 0 : i32
    %dma_wait3A_20 = tpu.memref_slice %arg2[%dma_wait3A_19, %multiple_of3A] : memref<324x20000xf32, #tpu.memory_space<hbm>> -> memref<324x128xf32, #tpu.memory_space<hbm>>
    tpu.wait_dma2 semaphore(%arg15 : memref<!tpu.dma_semaphore, #tpu.memory_space<semaphore_mem>>) src(%dma_wait3A_20 : memref<324x128xf32, #tpu.memory_space<hbm>>) dst(%arg9 : memref<324x128xf32, #tpu.memory_space<vmem>>)
    %get3A = arith.constant 0 : index
    %get3A_21 = tpu.vector_load %arg8[%get3A] {strides = array<i32>} : memref<640xf32, #tpu.memory_space<vmem>>, vector<16xf32>,
    %convert_element_type3A = arith.fptosi %get3A_21 : vector<16xf32> to vector<16xi32>
    %mul3A_22 = arith.constant 4 : i32
    %mul3A_23 = vector.broadcast %mul3A_22 : i32 to vector<16xi32>
    %mul3A_24 = arith.muli %convert_element_type3A, %mul3A_23 : vector<16xi32>
    %add3A_25 = arith.constant 0 : i32
    %add3A_26 = vector.broadcast %add3A_25 : i32 to vector<16xi32>
    %add3A_27 = arith.addi %add3A_26, %iota3A : vector<16xi32>
    %add3A_28 = arith.constant 0 : i32
    %add3A_29 = vector.broadcast %add3A_28 : i32 to vector<16xi32>
    %add3A_30 = arith.addi %mul3A_24, %add3A_29 : vector<16xi32>
    %gather3A = tpu.vector_load_idx %arg9[%add3A_30, %add3A_27] : memref<324x128xf32, #tpu.memory_space<vmem>>[vector<16xi32>, vector<16xi32>], vector<16xf32>,
    %swap3A = arith.constant 0 : index
    %swap3A_31 = tpu.vector_load %arg11[%swap3A] {strides = array<i32>} : memref<640xf32, #tpu.memory_space<vmem>>, vector<16xf32>,
    tpu.vector_store %arg11[%swap3A], %gather3A {strides = array<i32>} : memref<640xf32, #tpu.memory_space<vmem>>, vector<16xf32>,
    %add3A_32 = arith.constant 1 : i32
    %add3A_33 = vector.broadcast %add3A_32 : i32 to vector<16xi32>
    %add3A_34 = arith.addi %mul3A_24, %add3A_33 : vector<16xi32>
    %gather3A_35 = tpu.vector_load_idx %arg9[%add3A_34, %add3A_27] : memref<324x128xf32, #tpu.memory_space<vmem>>[vector<16xi32>, vector<16xi32>], vector<16xf32>,
    %swap3A_36 = arith.constant 0 : index
    %swap3A_37 = tpu.vector_load %arg12[%swap3A_36] {strides = array<i32>} : memref<640xf32, #tpu.memory_space<vmem>>, vector<16xf32>,
    tpu.vector_store %arg12[%swap3A_36], %gather3A_35 {strides = array<i32>} : memref<640xf32, #tpu.memory_space<vmem>>, vector<16xf32>,
    %add3A_38 = arith.constant 2 : i32
    %add3A_39 = vector.broadcast %add3A_38 : i32 to vector<16xi32>
    %add3A_40 = arith.addi %mul3A_24, %add3A_39 : vector<16xi32>
    %gather3A_41 = tpu.vector_load_idx %arg9[%add3A_40, %add3A_27] : memref<324x128xf32, #tpu.memory_space<vmem>>[vector<16xi32>, vector<16xi32>], vector<16xf32>,
    %swap3A_42 = arith.constant 0 : index
    %swap3A_43 = tpu.vector_load %arg13[%swap3A_42] {strides = array<i32>} : memref<640xf32, #tpu.memory_space<vmem>>, vector<16xf32>,
    tpu.vector_store %arg13[%swap3A_42], %gather3A_41 {strides = array<i32>} : memref<640xf32, #tpu.memory_space<vmem>>, vector<16xf32>,
    %add3A_44 = arith.constant 3 : i32
    %add3A_45 = vector.broadcast %add3A_44 : i32 to vector<16xi32>
    %add3A_46 = arith.addi %mul3A_24, %add3A_45 : vector<16xi32>
    %gather3A_47 = tpu.vector_load_idx %arg9[%add3A_46, %add3A_27] : memref<324x128xf32, #tpu.memory_space<vmem>>[vector<16xi32>, vector<16xi32>], vector<16xf32>,
    %swap3A_48 = arith.constant 0 : index
    %swap3A_49 = tpu.vector_load %arg14[%swap3A_48] {strides = array<i32>} : memref<640xf32, #tpu.memory_space<vmem>>, vector<16xf32>,
    tpu.vector_store %arg14[%swap3A_48], %gather3A_47 {strides = array<i32>} : memref<640xf32, #tpu.memory_space<vmem>>, vector<16xf32>,
    %get3A_50 = arith.constant 16 : index
    %get3A_51 = tpu.vector_load %arg8[%get3A_50] {strides = array<i32>} : memref<640xf32, #tpu.memory_space<vmem>>, vector<16xf32>,
    %convert_element_type3A_52 = arith.fptosi %get3A_51 : vector<16xf32> to vector<16xi32>
    %mul3A_53 = arith.constant 4 : i32
    %mul3A_54 = vector.broadcast %mul3A_53 : i32 to vector<16xi32>
    %mul3A_55 = arith.muli %convert_element_type3A_52, %mul3A_54 : vector<16xi32>
    %add3A_56 = arith.constant 16 : i32
    %add3A_57 = vector.broadcast %add3A_56 : i32 to vector<16xi32>
    %add3A_58 = arith.addi %add3A_57, %iota3A : vector<16xi32>
    %add3A_59 = arith.constant 0 : i32
    %add3A_60 = vector.broadcast %add3A_59 : i32 to vector<16xi32>
    %add3A_61 = arith.addi %mul3A_55, %add3A_60 : vector<16xi32>
    %gather3A_62 = tpu.vector_load_idx %arg9[%add3A_61, %add3A_58] : memref<324x128xf32, #tpu.memory_space<vmem>>[vector<16xi32>, vector<16xi32>], vector<16xf32>,
    %swap3A_63 = arith.constant 16 : index
    %swap3A_64 = tpu.vector_load %arg11[%swap3A_63] {strides = array<i32>} : memref<640xf32, #tpu.memory_space<vmem>>, vector<16xf32>,
    tpu.vector_store %arg11[%swap3A_63], %gather3A_62 {strides = array<i32>} : memref<640xf32, #tpu.memory_space<vmem>>, vector<16xf32>,
    %add3A_65 = arith.constant 1 : i32
    %add3A_66 = vector.broadcast %add3A_65 : i32 to vector<16xi32>
    %add3A_67 = arith.addi %mul3A_55, %add3A_66 : vector<16xi32>
    %gather3A_68 = tpu.vector_load_idx %arg9[%add3A_67, %add3A_58] : memref<324x128xf32, #tpu.memory_space<vmem>>[vector<16xi32>, vector<16xi32>], vector<16xf32>,
    %swap3A_69 = arith.constant 16 : index
    %swap3A_70 = tpu.vector_load %arg12[%swap3A_69] {strides = array<i32>} : memref<640xf32, #tpu.memory_space<vmem>>, vector<16xf32>,
    tpu.vector_store %arg12[%swap3A_69], %gather3A_68 {strides = array<i32>} : memref<640xf32, #tpu.memory_space<vmem>>, vector<16xf32>,
    %add3A_71 = arith.constant 2 : i32
    %add3A_72 = vector.broadcast %add3A_71 : i32 to vector<16xi32>
    %add3A_73 = arith.addi %mul3A_55, %add3A_72 : vector<16xi32>
    %gather3A_74 = tpu.vector_load_idx %arg9[%add3A_73, %add3A_58] : memref<324x128xf32, #tpu.memory_space<vmem>>[vector<16xi32>, vector<16xi32>], vector<16xf32>,
    %swap3A_75 = arith.constant 16 : index
    %swap3A_76 = tpu.vector_load %arg13[%swap3A_75] {strides = array<i32>} : memref<640xf32, #tpu.memory_space<vmem>>, vector<16xf32>,
    tpu.vector_store %arg13[%swap3A_75], %gather3A_74 {strides = array<i32>} : memref<640xf32, #tpu.memory_space<vmem>>, vector<16xf32>,
    %add3A_77 = arith.constant 3 : i32
    %add3A_78 = vector.broadcast %add3A_77 : i32 to vector<16xi32>
    %add3A_79 = arith.addi %mul3A_55, %add3A_78 : vector<16xi32>
    %gather3A_80 = tpu.vector_load_idx %arg9[%add3A_79, %add3A_58] : memref<324x128xf32, #tpu.memory_space<vmem>>[vector<16xi32>, vector<16xi32>], vector<16xf32>,
    %swap3A_81 = arith.constant 16 : index
    %swap3A_82 = tpu.vector_load %arg14[%swap3A_81] {strides = array<i32>} : memref<640xf32, #tpu.memory_space<vmem>>, vector<16xf32>,
    tpu.vector_store %arg14[%swap3A_81], %gather3A_80 {strides = array<i32>} : memref<640xf32, #tpu.memory_space<vmem>>, vector<16xf32>,
    %get3A_83 = arith.constant 32 : index
    %get3A_84 = tpu.vector_load %arg8[%get3A_83] {strides = array<i32>} : memref<640xf32, #tpu.memory_space<vmem>>, vector<16xf32>,
    %convert_element_type3A_85 = arith.fptosi %get3A_84 : vector<16xf32> to vector<16xi32>
    %mul3A_86 = arith.constant 4 : i32
    %mul3A_87 = vector.broadcast %mul3A_86 : i32 to vector<16xi32>
    %mul3A_88 = arith.muli %convert_element_type3A_85, %mul3A_87 : vector<16xi32>
    %add3A_89 = arith.constant 32 : i32
    %add3A_90 = vector.broadcast %add3A_89 : i32 to vector<16xi32>
    %add3A_91 = arith.addi %add3A_90, %iota3A : vector<16xi32>
    %add3A_92 = arith.constant 0 : i32
    %add3A_93 = vector.broadcast %add3A_92 : i32 to vector<16xi32>
    %add3A_94 = arith.addi %mul3A_88, %add3A_93 : vector<16xi32>
    %gather3A_95 = tpu.vector_load_idx %arg9[%add3A_94, %add3A_91] : memref<324x128xf32, #tpu.memory_space<vmem>>[vector<16xi32>, vector<16xi32>], vector<16xf32>,
    %swap3A_96 = arith.constant 32 : index
    %swap3A_97 = tpu.vector_load %arg11[%swap3A_96] {strides = array<i32>} : memref<640xf32, #tpu.memory_space<vmem>>, vector<16xf32>,
    tpu.vector_store %arg11[%swap3A_96], %gather3A_95 {strides = array<i32>} : memref<640xf32, #tpu.memory_space<vmem>>, vector<16xf32>,
    %add3A_98 = arith.constant 1 : i32
    %add3A_99 = vector.broadcast %add3A_98 : i32 to vector<16xi32>
    %add3A_100 = arith.addi %mul3A_88, %add3A_99 : vector<16xi32>
    %gather3A_101 = tpu.vector_load_idx %arg9[%add3A_100, %add3A_91] : memref<324x128xf32, #tpu.memory_space<vmem>>[vector<16xi32>, vector<16xi32>], vector<16xf32>,
    %swap3A_102 = arith.constant 32 : index
    %swap3A_103 = tpu.vector_load %arg12[%swap3A_102] {strides = array<i32>} : memref<640xf32, #tpu.memory_space<vmem>>, vector<16xf32>,
    tpu.vector_store %arg12[%swap3A_102], %gather3A_101 {strides = array<i32>} : memref<640xf32, #tpu.memory_space<vmem>>, vector<16xf32>,
    %add3A_104 = arith.constant 2 : i32
    %add3A_105 = vector.broadcast %add3A_104 : i32 to vector<16xi32>
    %add3A_106 = arith.addi %mul3A_88, %add3A_105 : vector<16xi32>
    %gather3A_107 = tpu.vector_load_idx %arg9[%add3A_106, %add3A_91] : memref<324x128xf32, #tpu.memory_space<vmem>>[vector<16xi32>, vector<16xi32>], vector<16xf32>,
    %swap3A_108 = arith.constant 32 : index
    %swap3A_109 = tpu.vector_load %arg13[%swap3A_108] {strides = array<i32>} : memref<640xf32, #tpu.memory_space<vmem>>, vector<16xf32>,
    tpu.vector_store %arg13[%swap3A_108], %gather3A_107 {strides = array<i32>} : memref<640xf32, #tpu.memory_space<vmem>>, vector<16xf32>,
    %add3A_110 = arith.constant 3 : i32
    %add3A_111 = vector.broadcast %add3A_110 : i32 to vector<16xi32>
    %add3A_112 = arith.addi %mul3A_88, %add3A_111 : vector<16xi32>
    %gather3A_113 = tpu.vector_load_idx %arg9[%add3A_112, %add3A_91] : memref<324x128xf32, #tpu.memory_space<vmem>>[vector<16xi32>, vector<16xi32>], vector<16xf32>,
    %swap3A_114 = arith.constant 32 : index
    %swap3A_115 = tpu.vector_load %arg14[%swap3A_114] {strides = array<i32>} : memref<640xf32, #tpu.memory_space<vmem>>, vector<16xf32>,
    tpu.vector_store %arg14[%swap3A_114], %gather3A_113 {strides = array<i32>} : memref<640xf32, #tpu.memory_space<vmem>>, vector<16xf32>,
    %get3A_116 = arith.constant 48 : index
    %get3A_117 = tpu.vector_load %arg8[%get3A_116] {strides = array<i32>} : memref<640xf32, #tpu.memory_space<vmem>>, vector<16xf32>,
    %convert_element_type3A_118 = arith.fptosi %get3A_117 : vector<16xf32> to vector<16xi32>
    %mul3A_119 = arith.constant 4 : i32
    %mul3A_120 = vector.broadcast %mul3A_119 : i32 to vector<16xi32>
    %mul3A_121 = arith.muli %convert_element_type3A_118, %mul3A_120 : vector<16xi32>
    %add3A_122 = arith.constant 48 : i32
    %add3A_123 = vector.broadcast %add3A_122 : i32 to vector<16xi32>
    %add3A_124 = arith.addi %add3A_123, %iota3A : vector<16xi32>
    %add3A_125 = arith.constant 0 : i32
    %add3A_126 = vector.broadcast %add3A_125 : i32 to vector<16xi32>
    %add3A_127 = arith.addi %mul3A_121, %add3A_126 : vector<16xi32>
    %gather3A_128 = tpu.vector_load_idx %arg9[%add3A_127, %add3A_124] : memref<324x128xf32, #tpu.memory_space<vmem>>[vector<16xi32>, vector<16xi32>], vector<16xf32>,
    %swap3A_129 = arith.constant 48 : index
    %swap3A_130 = tpu.vector_load %arg11[%swap3A_129] {strides = array<i32>} : memref<640xf32, #tpu.memory_space<vmem>>, vector<16xf32>,
    tpu.vector_store %arg11[%swap3A_129], %gather3A_128 {strides = array<i32>} : memref<640xf32, #tpu.memory_space<vmem>>, vector<16xf32>,
    %add3A_131 = arith.constant 1 : i32
    %add3A_132 = vector.broadcast %add3A_131 : i32 to vector<16xi32>
    %add3A_133 = arith.addi %mul3A_121, %add3A_132 : vector<16xi32>
    %gather3A_134 = tpu.vector_load_idx %arg9[%add3A_133, %add3A_124] : memref<324x128xf32, #tpu.memory_space<vmem>>[vector<16xi32>, vector<16xi32>], vector<16xf32>,
    %swap3A_135 = arith.constant 48 : index
    %swap3A_136 = tpu.vector_load %arg12[%swap3A_135] {strides = array<i32>} : memref<640xf32, #tpu.memory_space<vmem>>, vector<16xf32>,
    tpu.vector_store %arg12[%swap3A_135], %gather3A_134 {strides = array<i32>} : memref<640xf32, #tpu.memory_space<vmem>>, vector<16xf32>,
    %add3A_137 = arith.constant 2 : i32
    %add3A_138 = vector.broadcast %add3A_137 : i32 to vector<16xi32>
    %add3A_139 = arith.addi %mul3A_121, %add3A_138 : vector<16xi32>
    %gather3A_140 = tpu.vector_load_idx %arg9[%add3A_139, %add3A_124] : memref<324x128xf32, #tpu.memory_space<vmem>>[vector<16xi32>, vector<16xi32>], vector<16xf32>,
    %swap3A_141 = arith.constant 48 : index
    %swap3A_142 = tpu.vector_load %arg13[%swap3A_141] {strides = array<i32>} : memref<640xf32, #tpu.memory_space<vmem>>, vector<16xf32>,
    tpu.vector_store %arg13[%swap3A_141], %gather3A_140 {strides = array<i32>} : memref<640xf32, #tpu.memory_space<vmem>>, vector<16xf32>,
    %add3A_143 = arith.constant 3 : i32
    %add3A_144 = vector.broadcast %add3A_143 : i32 to vector<16xi32>
    %add3A_145 = arith.addi %mul3A_121, %add3A_144 : vector<16xi32>
    %gather3A_146 = tpu.vector_load_idx %arg9[%add3A_145, %add3A_124] : memref<324x128xf32, #tpu.memory_space<vmem>>[vector<16xi32>, vector<16xi32>], vector<16xf32>,
    %swap3A_147 = arith.constant 48 : index
    %swap3A_148 = tpu.vector_load %arg14[%swap3A_147] {strides = array<i32>} : memref<640xf32, #tpu.memory_space<vmem>>, vector<16xf32>,
    tpu.vector_store %arg14[%swap3A_147], %gather3A_146 {strides = array<i32>} : memref<640xf32, #tpu.memory_space<vmem>>, vector<16xf32>,
    %get3A_149 = arith.constant 64 : index
    %get3A_150 = tpu.vector_load %arg8[%get3A_149] {strides = array<i32>} : memref<640xf32, #tpu.memory_space<vmem>>, vector<16xf32>,
    %convert_element_type3A_151 = arith.fptosi %get3A_150 : vector<16xf32> to vector<16xi32>
    %mul3A_152 = arith.constant 4 : i32
    %mul3A_153 = vector.broadcast %mul3A_152 : i32 to vector<16xi32>
    %mul3A_154 = arith.muli %convert_element_type3A_151, %mul3A_153 : vector<16xi32>
    %add3A_155 = arith.constant 64 : i32
    %add3A_156 = vector.broadcast %add3A_155 : i32 to vector<16xi32>
    %add3A_157 = arith.addi %add3A_156, %iota3A : vector<16xi32>
    %add3A_158 = arith.constant 0 : i32
    %add3A_159 = vector.broadcast %add3A_158 : i32 to vector<16xi32>
    %add3A_160 = arith.addi %mul3A_154, %add3A_159 : vector<16xi32>
    %gather3A_161 = tpu.vector_load_idx %arg9[%add3A_160, %add3A_157] : memref<324x128xf32, #tpu.memory_space<vmem>>[vector<16xi32>, vector<16xi32>], vector<16xf32>,
    %swap3A_162 = arith.constant 64 : index
    %swap3A_163 = tpu.vector_load %arg11[%swap3A_162] {strides = array<i32>} : memref<640xf32, #tpu.memory_space<vmem>>, vector<16xf32>,
    tpu.vector_store %arg11[%swap3A_162], %gather3A_161 {strides = array<i32>} : memref<640xf32, #tpu.memory_space<vmem>>, vector<16xf32>,
    %add3A_164 = arith.constant 1 : i32
    %add3A_165 = vector.broadcast %add3A_164 : i32 to vector<16xi32>
    %add3A_166 = arith.addi %mul3A_154, %add3A_165 : vector<16xi32>
    %gather3A_167 = tpu.vector_load_idx %arg9[%add3A_166, %add3A_157] : memref<324x128xf32, #tpu.memory_space<vmem>>[vector<16xi32>, vector<16xi32>], vector<16xf32>,
    %swap3A_168 = arith.constant 64 : index
    %swap3A_169 = tpu.vector_load %arg12[%swap3A_168] {strides = array<i32>} : memref<640xf32, #tpu.memory_space<vmem>>, vector<16xf32>,
    tpu.vector_store %arg12[%swap3A_168], %gather3A_167 {strides = array<i32>} : memref<640xf32, #tpu.memory_space<vmem>>, vector<16xf32>,
    %add3A_170 = arith.constant 2 : i32
    %add3A_171 = vector.broadcast %add3A_170 : i32 to vector<16xi32>
    %add3A_172 = arith.addi %mul3A_154, %add3A_171 : vector<16xi32>
    %gather3A_173 = tpu.vector_load_idx %arg9[%add3A_172, %add3A_157] : memref<324x128xf32, #tpu.memory_space<vmem>>[vector<16xi32>, vector<16xi32>], vector<16xf32>,
    %swap3A_174 = arith.constant 64 : index
    %swap3A_175 = tpu.vector_load %arg13[%swap3A_174] {strides = array<i32>} : memref<640xf32, #tpu.memory_space<vmem>>, vector<16xf32>,
    tpu.vector_store %arg13[%swap3A_174], %gather3A_173 {strides = array<i32>} : memref<640xf32, #tpu.memory_space<vmem>>, vector<16xf32>,
    %add3A_176 = arith.constant 3 : i32
    %add3A_177 = vector.broadcast %add3A_176 : i32 to vector<16xi32>
    %add3A_178 = arith.addi %mul3A_154, %add3A_177 : vector<16xi32>
    %gather3A_179 = tpu.vector_load_idx %arg9[%add3A_178, %add3A_157] : memref<324x128xf32, #tpu.memory_space<vmem>>[vector<16xi32>, vector<16xi32>], vector<16xf32>,
    %swap3A_180 = arith.constant 64 : index
    %swap3A_181 = tpu.vector_load %arg14[%swap3A_180] {strides = array<i32>} : memref<640xf32, #tpu.memory_space<vmem>>, vector<16xf32>,
    tpu.vector_store %arg14[%swap3A_180], %gather3A_179 {strides = array<i32>} : memref<640xf32, #tpu.memory_space<vmem>>, vector<16xf32>,
    %get3A_182 = arith.constant 80 : index
    %get3A_183 = tpu.vector_load %arg8[%get3A_182] {strides = array<i32>} : memref<640xf32, #tpu.memory_space<vmem>>, vector<16xf32>,
    %convert_element_type3A_184 = arith.fptosi %get3A_183 : vector<16xf32> to vector<16xi32>
    %mul3A_185 = arith.constant 4 : i32
    %mul3A_186 = vector.broadcast %mul3A_185 : i32 to vector<16xi32>
    %mul3A_187 = arith.muli %convert_element_type3A_184, %mul3A_186 : vector<16xi32>
    %add3A_188 = arith.constant 80 : i32
    %add3A_189 = vector.broadcast %add3A_188 : i32 to vector<16xi32>
    %add3A_190 = arith.addi %add3A_189, %iota3A : vector<16xi32>
    %add3A_191 = arith.constant 0 : i32
    %add3A_192 = vector.broadcast %add3A_191 : i32 to vector<16xi32>
    %add3A_193 = arith.addi %mul3A_187, %add3A_192 : vector<16xi32>
    %gather3A_194 = tpu.vector_load_idx %arg9[%add3A_193, %add3A_190] : memref<324x128xf32, #tpu.memory_space<vmem>>[vector<16xi32>, vector<16xi32>], vector<16xf32>,
    %swap3A_195 = arith.constant 80 : index
    %swap3A_196 = tpu.vector_load %arg11[%swap3A_195] {strides = array<i32>} : memref<640xf32, #tpu.memory_space<vmem>>, vector<16xf32>,
    tpu.vector_store %arg11[%swap3A_195], %gather3A_194 {strides = array<i32>} : memref<640xf32, #tpu.memory_space<vmem>>, vector<16xf32>,
    %add3A_197 = arith.constant 1 : i32
    %add3A_198 = vector.broadcast %add3A_197 : i32 to vector<16xi32>
    %add3A_199 = arith.addi %mul3A_187, %add3A_198 : vector<16xi32>
    %gather3A_200 = tpu.vector_load_idx %arg9[%add3A_199, %add3A_190] : memref<324x128xf32, #tpu.memory_space<vmem>>[vector<16xi32>, vector<16xi32>], vector<16xf32>,
    %swap3A_201 = arith.constant 80 : index
    %swap3A_202 = tpu.vector_load %arg12[%swap3A_201] {strides = array<i32>} : memref<640xf32, #tpu.memory_space<vmem>>, vector<16xf32>,
    tpu.vector_store %arg12[%swap3A_201], %gather3A_200 {strides = array<i32>} : memref<640xf32, #tpu.memory_space<vmem>>, vector<16xf32>,
    %add3A_203 = arith.constant 2 : i32
    %add3A_204 = vector.broadcast %add3A_203 : i32 to vector<16xi32>
    %add3A_205 = arith.addi %mul3A_187, %add3A_204 : vector<16xi32>
    %gather3A_206 = tpu.vector_load_idx %arg9[%add3A_205, %add3A_190] : memref<324x128xf32, #tpu.memory_space<vmem>>[vector<16xi32>, vector<16xi32>], vector<16xf32>,
    %swap3A_207 = arith.constant 80 : index
    %swap3A_208 = tpu.vector_load %arg13[%swap3A_207] {strides = array<i32>} : memref<640xf32, #tpu.memory_space<vmem>>, vector<16xf32>,
    tpu.vector_store %arg13[%swap3A_207], %gather3A_206 {strides = array<i32>} : memref<640xf32, #tpu.memory_space<vmem>>, vector<16xf32>,
    %add3A_209 = arith.constant 3 : i32
    %add3A_210 = vector.broadcast %add3A_209 : i32 to vector<16xi32>
    %add3A_211 = arith.addi %mul3A_187, %add3A_210 : vector<16xi32>
    %gather3A_212 = tpu.vector_load_idx %arg9[%add3A_211, %add3A_190] : memref<324x128xf32, #tpu.memory_space<vmem>>[vector<16xi32>, vector<16xi32>], vector<16xf32>,
    %swap3A_213 = arith.constant 80 : index
    %swap3A_214 = tpu.vector_load %arg14[%swap3A_213] {strides = array<i32>} : memref<640xf32, #tpu.memory_space<vmem>>, vector<16xf32>,
    tpu.vector_store %arg14[%swap3A_213], %gather3A_212 {strides = array<i32>} : memref<640xf32, #tpu.memory_space<vmem>>, vector<16xf32>,
    %get3A_215 = arith.constant 96 : index
    %get3A_216 = tpu.vector_load %arg8[%get3A_215] {strides = array<i32>} : memref<640xf32, #tpu.memory_space<vmem>>, vector<16xf32>,
    %convert_element_type3A_217 = arith.fptosi %get3A_216 : vector<16xf32> to vector<16xi32>
    %mul3A_218 = arith.constant 4 : i32
    %mul3A_219 = vector.broadcast %mul3A_218 : i32 to vector<16xi32>
    %mul3A_220 = arith.muli %convert_element_type3A_217, %mul3A_219 : vector<16xi32>
    %add3A_221 = arith.constant 96 : i32
    %add3A_222 = vector.broadcast %add3A_221 : i32 to vector<16xi32>
    %add3A_223 = arith.addi %add3A_222, %iota3A : vector<16xi32>
    %add3A_224 = arith.constant 0 : i32
    %add3A_225 = vector.broadcast %add3A_224 : i32 to vector<16xi32>
    %add3A_226 = arith.addi %mul3A_220, %add3A_225 : vector<16xi32>
    %gather3A_227 = tpu.vector_load_idx %arg9[%add3A_226, %add3A_223] : memref<324x128xf32, #tpu.memory_space<vmem>>[vector<16xi32>, vector<16xi32>], vector<16xf32>,
    %swap3A_228 = arith.constant 96 : index
    %swap3A_229 = tpu.vector_load %arg11[%swap3A_228] {strides = array<i32>} : memref<640xf32, #tpu.memory_space<vmem>>, vector<16xf32>,
    tpu.vector_store %arg11[%swap3A_228], %gather3A_227 {strides = array<i32>} : memref<640xf32, #tpu.memory_space<vmem>>, vector<16xf32>,
    %add3A_230 = arith.constant 1 : i32
    %add3A_231 = vector.broadcast %add3A_230 : i32 to vector<16xi32>
    %add3A_232 = arith.addi %mul3A_220, %add3A_231 : vector<16xi32>
    %gather3A_233 = tpu.vector_load_idx %arg9[%add3A_232, %add3A_223] : memref<324x128xf32, #tpu.memory_space<vmem>>[vector<16xi32>, vector<16xi32>], vector<16xf32>,
    %swap3A_234 = arith.constant 96 : index
    %swap3A_235 = tpu.vector_load %arg12[%swap3A_234] {strides = array<i32>} : memref<640xf32, #tpu.memory_space<vmem>>, vector<16xf32>,
    tpu.vector_store %arg12[%swap3A_234], %gather3A_233 {strides = array<i32>} : memref<640xf32, #tpu.memory_space<vmem>>, vector<16xf32>,
    %add3A_236 = arith.constant 2 : i32
    %add3A_237 = vector.broadcast %add3A_236 : i32 to vector<16xi32>
    %add3A_238 = arith.addi %mul3A_220, %add3A_237 : vector<16xi32>
    %gather3A_239 = tpu.vector_load_idx %arg9[%add3A_238, %add3A_223] : memref<324x128xf32, #tpu.memory_space<vmem>>[vector<16xi32>, vector<16xi32>], vector<16xf32>,
    %swap3A_240 = arith.constant 96 : index
    %swap3A_241 = tpu.vector_load %arg13[%swap3A_240] {strides = array<i32>} : memref<640xf32, #tpu.memory_space<vmem>>, vector<16xf32>,
    tpu.vector_store %arg13[%swap3A_240], %gather3A_239 {strides = array<i32>} : memref<640xf32, #tpu.memory_space<vmem>>, vector<16xf32>,
    %add3A_242 = arith.constant 3 : i32
    %add3A_243 = vector.broadcast %add3A_242 : i32 to vector<16xi32>
    %add3A_244 = arith.addi %mul3A_220, %add3A_243 : vector<16xi32>
    %gather3A_245 = tpu.vector_load_idx %arg9[%add3A_244, %add3A_223] : memref<324x128xf32, #tpu.memory_space<vmem>>[vector<16xi32>, vector<16xi32>], vector<16xf32>,
    %swap3A_246 = arith.constant 96 : index
    %swap3A_247 = tpu.vector_load %arg14[%swap3A_246] {strides = array<i32>} : memref<640xf32, #tpu.memory_space<vmem>>, vector<16xf32>,
    tpu.vector_store %arg14[%swap3A_246], %gather3A_245 {strides = array<i32>} : memref<640xf32, #tpu.memory_space<vmem>>, vector<16xf32>,
    %get3A_248 = arith.constant 112 : index
    %get3A_249 = tpu.vector_load %arg8[%get3A_248] {strides = array<i32>} : memref<640xf32, #tpu.memory_space<vmem>>, vector<16xf32>,
    %convert_element_type3A_250 = arith.fptosi %get3A_249 : vector<16xf32> to vector<16xi32>
    %mul3A_251 = arith.constant 4 : i32
    %mul3A_252 = vector.broadcast %mul3A_251 : i32 to vector<16xi32>
    %mul3A_253 = arith.muli %convert_element_type3A_250, %mul3A_252 : vector<16xi32>
    %add3A_254 = arith.constant 112 : i32
    %add3A_255 = vector.broadcast %add3A_254 : i32 to vector<16xi32>
    %add3A_256 = arith.addi %add3A_255, %iota3A : vector<16xi32>
    %add3A_257 = arith.constant 0 : i32
    %add3A_258 = vector.broadcast %add3A_257 : i32 to vector<16xi32>
    %add3A_259 = arith.addi %mul3A_253, %add3A_258 : vector<16xi32>
    %gather3A_260 = tpu.vector_load_idx %arg9[%add3A_259, %add3A_256] : memref<324x128xf32, #tpu.memory_space<vmem>>[vector<16xi32>, vector<16xi32>], vector<16xf32>,
    %swap3A_261 = arith.constant 112 : index
    %swap3A_262 = tpu.vector_load %arg11[%swap3A_261] {strides = array<i32>} : memref<640xf32, #tpu.memory_space<vmem>>, vector<16xf32>,
    tpu.vector_store %arg11[%swap3A_261], %gather3A_260 {strides = array<i32>} : memref<640xf32, #tpu.memory_space<vmem>>, vector<16xf32>,
    %add3A_263 = arith.constant 1 : i32
    %add3A_264 = vector.broadcast %add3A_263 : i32 to vector<16xi32>
    %add3A_265 = arith.addi %mul3A_253, %add3A_264 : vector<16xi32>
    %gather3A_266 = tpu.vector_load_idx %arg9[%add3A_265, %add3A_256] : memref<324x128xf32, #tpu.memory_space<vmem>>[vector<16xi32>, vector<16xi32>], vector<16xf32>,
    %swap3A_267 = arith.constant 112 : index
    %swap3A_268 = tpu.vector_load %arg12[%swap3A_267] {strides = array<i32>} : memref<640xf32, #tpu.memory_space<vmem>>, vector<16xf32>,
    tpu.vector_store %arg12[%swap3A_267], %gather3A_266 {strides = array<i32>} : memref<640xf32, #tpu.memory_space<vmem>>, vector<16xf32>,
    %add3A_269 = arith.constant 2 : i32
    %add3A_270 = vector.broadcast %add3A_269 : i32 to vector<16xi32>
    %add3A_271 = arith.addi %mul3A_253, %add3A_270 : vector<16xi32>
    %gather3A_272 = tpu.vector_load_idx %arg9[%add3A_271, %add3A_256] : memref<324x128xf32, #tpu.memory_space<vmem>>[vector<16xi32>, vector<16xi32>], vector<16xf32>,
    %swap3A_273 = arith.constant 112 : index
    %swap3A_274 = tpu.vector_load %arg13[%swap3A_273] {strides = array<i32>} : memref<640xf32, #tpu.memory_space<vmem>>, vector<16xf32>,
    tpu.vector_store %arg13[%swap3A_273], %gather3A_272 {strides = array<i32>} : memref<640xf32, #tpu.memory_space<vmem>>, vector<16xf32>,
    %add3A_275 = arith.constant 3 : i32
    %add3A_276 = vector.broadcast %add3A_275 : i32 to vector<16xi32>
    %add3A_277 = arith.addi %mul3A_253, %add3A_276 : vector<16xi32>
    %gather3A_278 = tpu.vector_load_idx %arg9[%add3A_277, %add3A_256] : memref<324x128xf32, #tpu.memory_space<vmem>>[vector<16xi32>, vector<16xi32>], vector<16xf32>,
    %swap3A_279 = arith.constant 112 : index
    %swap3A_280 = tpu.vector_load %arg14[%swap3A_279] {strides = array<i32>} : memref<640xf32, #tpu.memory_space<vmem>>, vector<16xf32>,
    tpu.vector_store %arg14[%swap3A_279], %gather3A_278 {strides = array<i32>} : memref<640xf32, #tpu.memory_space<vmem>>, vector<16xf32>,
    %add3A_281 = arith.constant 256 : i32
    %add3A_282 = arith.addi %mul3A_2, %add3A_281 : i32
    %min3A_283 = arith.constant 19872 : i32
    %min3A_284 = arith.minsi %add3A_282, %min3A_283 : i32
    %multiple_of3A_285 = tpu.assume_multiple %min3A_284, 128 : i32
    %dma_start3A_286 = arith.constant 0 : i32
    %dma_start3A_287 = tpu.memref_slice %arg2[%dma_start3A_286, %multiple_of3A_285] : memref<324x20000xf32, #tpu.memory_space<hbm>> -> memref<324x128xf32, #tpu.memory_space<hbm>>
    %dma_start3A_288 = arith.constant 0 : i32
    %dma_start3A_289 = tpu.memref_slice %arg2[%dma_start3A_288, %multiple_of3A_285] : memref<324x20000xf32, #tpu.memory_space<hbm>> -> memref<324x128xf32, #tpu.memory_space<hbm>>
    tpu.enqueue_dma source(%dma_start3A_289 : memref<324x128xf32, #tpu.memory_space<hbm>>) target(%arg9 : memref<324x128xf32, #tpu.memory_space<vmem>>) target_semaphore(%arg15 : memref<!tpu.dma_semaphore, #tpu.memory_space<semaphore_mem>>)
    %dma_wait3A_290 = arith.constant 0 : i32
    %dma_wait3A_291 = tpu.memref_slice %arg2[%dma_wait3A_290, %multiple_of3A_13] : memref<324x20000xf32, #tpu.memory_space<hbm>> -> memref<324x128xf32, #tpu.memory_space<hbm>>
    %dma_wait3A_292 = arith.constant 0 : i32
    %dma_wait3A_293 = tpu.memref_slice %arg2[%dma_wait3A_292, %multiple_of3A_13] : memref<324x20000xf32, #tpu.memory_space<hbm>> -> memref<324x128xf32, #tpu.memory_space<hbm>>
    tpu.wait_dma2 semaphore(%arg16 : memref<!tpu.dma_semaphore, #tpu.memory_space<semaphore_mem>>) src(%dma_wait3A_293 : memref<324x128xf32, #tpu.memory_space<hbm>>) dst(%arg10 : memref<324x128xf32, #tpu.memory_space<vmem>>)
    %get3A_294 = arith.constant 128 : index
    %get3A_295 = tpu.vector_load %arg8[%get3A_294] {strides = array<i32>} : memref<640xf32, #tpu.memory_space<vmem>>, vector<16xf32>,
    %convert_element_type3A_296 = arith.fptosi %get3A_295 : vector<16xf32> to vector<16xi32>
    %mul3A_297 = arith.constant 4 : i32
    %mul3A_298 = vector.broadcast %mul3A_297 : i32 to vector<16xi32>
    %mul3A_299 = arith.muli %convert_element_type3A_296, %mul3A_298 : vector<16xi32>
    %add3A_300 = arith.constant 0 : i32
    %add3A_301 = vector.broadcast %add3A_300 : i32 to vector<16xi32>
    %add3A_302 = arith.addi %add3A_301, %iota3A : vector<16xi32>
    %add3A_303 = arith.constant 0 : i32
    %add3A_304 = vector.broadcast %add3A_303 : i32 to vector<16xi32>
    %add3A_305 = arith.addi %mul3A_299, %add3A_304 : vector<16xi32>
    %gather3A_306 = tpu.vector_load_idx %arg10[%add3A_305, %add3A_302] : memref<324x128xf32, #tpu.memory_space<vmem>>[vector<16xi32>, vector<16xi32>], vector<16xf32>,
    %swap3A_307 = arith.constant 128 : index
    %swap3A_308 = tpu.vector_load %arg11[%swap3A_307] {strides = array<i32>} : memref<640xf32, #tpu.memory_space<vmem>>, vector<16xf32>,
    tpu.vector_store %arg11[%swap3A_307], %gather3A_306 {strides = array<i32>} : memref<640xf32, #tpu.memory_space<vmem>>, vector<16xf32>,
    %add3A_309 = arith.constant 1 : i32
    %add3A_310 = vector.broadcast %add3A_309 : i32 to vector<16xi32>
    %add3A_311 = arith.addi %mul3A_299, %add3A_310 : vector<16xi32>
    %gather3A_312 = tpu.vector_load_idx %arg10[%add3A_311, %add3A_302] : memref<324x128xf32, #tpu.memory_space<vmem>>[vector<16xi32>, vector<16xi32>], vector<16xf32>,
    %swap3A_313 = arith.constant 128 : index
    %swap3A_314 = tpu.vector_load %arg12[%swap3A_313] {strides = array<i32>} : memref<640xf32, #tpu.memory_space<vmem>>, vector<16xf32>,
    tpu.vector_store %arg12[%swap3A_313], %gather3A_312 {strides = array<i32>} : memref<640xf32, #tpu.memory_space<vmem>>, vector<16xf32>,
    %add3A_315 = arith.constant 2 : i32
    %add3A_316 = vector.broadcast %add3A_315 : i32 to vector<16xi32>
    %add3A_317 = arith.addi %mul3A_299, %add3A_316 : vector<16xi32>
    %gather3A_318 = tpu.vector_load_idx %arg10[%add3A_317, %add3A_302] : memref<324x128xf32, #tpu.memory_space<vmem>>[vector<16xi32>, vector<16xi32>], vector<16xf32>,
    %swap3A_319 = arith.constant 128 : index
    %swap3A_320 = tpu.vector_load %arg13[%swap3A_319] {strides = array<i32>} : memref<640xf32, #tpu.memory_space<vmem>>, vector<16xf32>,
    tpu.vector_store %arg13[%swap3A_319], %gather3A_318 {strides = array<i32>} : memref<640xf32, #tpu.memory_space<vmem>>, vector<16xf32>,
    %add3A_321 = arith.constant 3 : i32
    %add3A_322 = vector.broadcast %add3A_321 : i32 to vector<16xi32>
    %add3A_323 = arith.addi %mul3A_299, %add3A_322 : vector<16xi32>
    %gather3A_324 = tpu.vector_load_idx %arg10[%add3A_323, %add3A_302] : memref<324x128xf32, #tpu.memory_space<vmem>>[vector<16xi32>, vector<16xi32>], vector<16xf32>,
    %swap3A_325 = arith.constant 128 : index
    %swap3A_326 = tpu.vector_load %arg14[%swap3A_325] {strides = array<i32>} : memref<640xf32, #tpu.memory_space<vmem>>, vector<16xf32>,
    tpu.vector_store %arg14[%swap3A_325], %gather3A_324 {strides = array<i32>} : memref<640xf32, #tpu.memory_space<vmem>>, vector<16xf32>,
    %get3A_327 = arith.constant 144 : index
    %get3A_328 = tpu.vector_load %arg8[%get3A_327] {strides = array<i32>} : memref<640xf32, #tpu.memory_space<vmem>>, vector<16xf32>,
    %convert_element_type3A_329 = arith.fptosi %get3A_328 : vector<16xf32> to vector<16xi32>
    %mul3A_330 = arith.constant 4 : i32
    %mul3A_331 = vector.broadcast %mul3A_330 : i32 to vector<16xi32>
    %mul3A_332 = arith.muli %convert_element_type3A_329, %mul3A_331 : vector<16xi32>
    %add3A_333 = arith.constant 16 : i32
    %add3A_334 = vector.broadcast %add3A_333 : i32 to vector<16xi32>
    %add3A_335 = arith.addi %add3A_334, %iota3A : vector<16xi32>
    %add3A_336 = arith.constant 0 : i32
    %add3A_337 = vector.broadcast %add3A_336 : i32 to vector<16xi32>
    %add3A_338 = arith.addi %mul3A_332, %add3A_337 : vector<16xi32>
    %gather3A_339 = tpu.vector_load_idx %arg10[%add3A_338, %add3A_335] : memref<324x128xf32, #tpu.memory_space<vmem>>[vector<16xi32>, vector<16xi32>], vector<16xf32>,
    %swap3A_340 = arith.constant 144 : index
    %swap3A_341 = tpu.vector_load %arg11[%swap3A_340] {strides = array<i32>} : memref<640xf32, #tpu.memory_space<vmem>>, vector<16xf32>,
    tpu.vector_store %arg11[%swap3A_340], %gather3A_339 {strides = array<i32>} : memref<640xf32, #tpu.memory_space<vmem>>, vector<16xf32>,
    %add3A_342 = arith.constant 1 : i32
    %add3A_343 = vector.broadcast %add3A_342 : i32 to vector<16xi32>
    %add3A_344 = arith.addi %mul3A_332, %add3A_343 : vector<16xi32>
    %gather3A_345 = tpu.vector_load_idx %arg10[%add3A_344, %add3A_335] : memref<324x128xf32, #tpu.memory_space<vmem>>[vector<16xi32>, vector<16xi32>], vector<16xf32>,
    %swap3A_346 = arith.constant 144 : index
    %swap3A_347 = tpu.vector_load %arg12[%swap3A_346] {strides = array<i32>} : memref<640xf32, #tpu.memory_space<vmem>>, vector<16xf32>,
    tpu.vector_store %arg12[%swap3A_346], %gather3A_345 {strides = array<i32>} : memref<640xf32, #tpu.memory_space<vmem>>, vector<16xf32>,
    %add3A_348 = arith.constant 2 : i32
    %add3A_349 = vector.broadcast %add3A_348 : i32 to vector<16xi32>
    %add3A_350 = arith.addi %mul3A_332, %add3A_349 : vector<16xi32>
    %gather3A_351 = tpu.vector_load_idx %arg10[%add3A_350, %add3A_335] : memref<324x128xf32, #tpu.memory_space<vmem>>[vector<16xi32>, vector<16xi32>], vector<16xf32>,
    %swap3A_352 = arith.constant 144 : index
    %swap3A_353 = tpu.vector_load %arg13[%swap3A_352] {strides = array<i32>} : memref<640xf32, #tpu.memory_space<vmem>>, vector<16xf32>,
    tpu.vector_store %arg13[%swap3A_352], %gather3A_351 {strides = array<i32>} : memref<640xf32, #tpu.memory_space<vmem>>, vector<16xf32>,
    %add3A_354 = arith.constant 3 : i32
    %add3A_355 = vector.broadcast %add3A_354 : i32 to vector<16xi32>
    %add3A_356 = arith.addi %mul3A_332, %add3A_355 : vector<16xi32>
    %gather3A_357 = tpu.vector_load_idx %arg10[%add3A_356, %add3A_335] : memref<324x128xf32, #tpu.memory_space<vmem>>[vector<16xi32>, vector<16xi32>], vector<16xf32>,
    %swap3A_358 = arith.constant 144 : index
    %swap3A_359 = tpu.vector_load %arg14[%swap3A_358] {strides = array<i32>} : memref<640xf32, #tpu.memory_space<vmem>>, vector<16xf32>,
    tpu.vector_store %arg14[%swap3A_358], %gather3A_357 {strides = array<i32>} : memref<640xf32, #tpu.memory_space<vmem>>, vector<16xf32>,
    %get3A_360 = arith.constant 160 : index
    %get3A_361 = tpu.vector_load %arg8[%get3A_360] {strides = array<i32>} : memref<640xf32, #tpu.memory_space<vmem>>, vector<16xf32>,
    %convert_element_type3A_362 = arith.fptosi %get3A_361 : vector<16xf32> to vector<16xi32>
    %mul3A_363 = arith.constant 4 : i32
    %mul3A_364 = vector.broadcast %mul3A_363 : i32 to vector<16xi32>
    %mul3A_365 = arith.muli %convert_element_type3A_362, %mul3A_364 : vector<16xi32>
    %add3A_366 = arith.constant 32 : i32
    %add3A_367 = vector.broadcast %add3A_366 : i32 to vector<16xi32>
    %add3A_368 = arith.addi %add3A_367, %iota3A : vector<16xi32>
    %add3A_369 = arith.constant 0 : i32
    %add3A_370 = vector.broadcast %add3A_369 : i32 to vector<16xi32>
    %add3A_371 = arith.addi %mul3A_365, %add3A_370 : vector<16xi32>
    %gather3A_372 = tpu.vector_load_idx %arg10[%add3A_371, %add3A_368] : memref<324x128xf32, #tpu.memory_space<vmem>>[vector<16xi32>, vector<16xi32>], vector<16xf32>,
    %swap3A_373 = arith.constant 160 : index
    %swap3A_374 = tpu.vector_load %arg11[%swap3A_373] {strides = array<i32>} : memref<640xf32, #tpu.memory_space<vmem>>, vector<16xf32>,
    tpu.vector_store %arg11[%swap3A_373], %gather3A_372 {strides = array<i32>} : memref<640xf32, #tpu.memory_space<vmem>>, vector<16xf32>,
    %add3A_375 = arith.constant 1 : i32
    %add3A_376 = vector.broadcast %add3A_375 : i32 to vector<16xi32>
    %add3A_377 = arith.addi %mul3A_365, %add3A_376 : vector<16xi32>
    %gather3A_378 = tpu.vector_load_idx %arg10[%add3A_377, %add3A_368] : memref<324x128xf32, #tpu.memory_space<vmem>>[vector<16xi32>, vector<16xi32>], vector<16xf32>,
    %swap3A_379 = arith.constant 160 : index
    %swap3A_380 = tpu.vector_load %arg12[%swap3A_379] {strides = array<i32>} : memref<640xf32, #tpu.memory_space<vmem>>, vector<16xf32>,
    tpu.vector_store %arg12[%swap3A_379], %gather3A_378 {strides = array<i32>} : memref<640xf32, #tpu.memory_space<vmem>>, vector<16xf32>,
    %add3A_381 = arith.constant 2 : i32
    %add3A_382 = vector.broadcast %add3A_381 : i32 to vector<16xi32>
    %add3A_383 = arith.addi %mul3A_365, %add3A_382 : vector<16xi32>
    %gather3A_384 = tpu.vector_load_idx %arg10[%add3A_383, %add3A_368] : memref<324x128xf32, #tpu.memory_space<vmem>>[vector<16xi32>, vector<16xi32>], vector<16xf32>,
    %swap3A_385 = arith.constant 160 : index
    %swap3A_386 = tpu.vector_load %arg13[%swap3A_385] {strides = array<i32>} : memref<640xf32, #tpu.memory_space<vmem>>, vector<16xf32>,
    tpu.vector_store %arg13[%swap3A_385], %gather3A_384 {strides = array<i32>} : memref<640xf32, #tpu.memory_space<vmem>>, vector<16xf32>,
    %add3A_387 = arith.constant 3 : i32
    %add3A_388 = vector.broadcast %add3A_387 : i32 to vector<16xi32>
    %add3A_389 = arith.addi %mul3A_365, %add3A_388 : vector<16xi32>
    %gather3A_390 = tpu.vector_load_idx %arg10[%add3A_389, %add3A_368] : memref<324x128xf32, #tpu.memory_space<vmem>>[vector<16xi32>, vector<16xi32>], vector<16xf32>,
    %swap3A_391 = arith.constant 160 : index
    %swap3A_392 = tpu.vector_load %arg14[%swap3A_391] {strides = array<i32>} : memref<640xf32, #tpu.memory_space<vmem>>, vector<16xf32>,
    tpu.vector_store %arg14[%swap3A_391], %gather3A_390 {strides = array<i32>} : memref<640xf32, #tpu.memory_space<vmem>>, vector<16xf32>,
    %get3A_393 = arith.constant 176 : index
    %get3A_394 = tpu.vector_load %arg8[%get3A_393] {strides = array<i32>} : memref<640xf32, #tpu.memory_space<vmem>>, vector<16xf32>,
    %convert_element_type3A_395 = arith.fptosi %get3A_394 : vector<16xf32> to vector<16xi32>
    %mul3A_396 = arith.constant 4 : i32
    %mul3A_397 = vector.broadcast %mul3A_396 : i32 to vector<16xi32>
    %mul3A_398 = arith.muli %convert_element_type3A_395, %mul3A_397 : vector<16xi32>
    %add3A_399 = arith.constant 48 : i32
    %add3A_400 = vector.broadcast %add3A_399 : i32 to vector<16xi32>
    %add3A_401 = arith.addi %add3A_400, %iota3A : vector<16xi32>
    %add3A_402 = arith.constant 0 : i32
    %add3A_403 = vector.broadcast %add3A_402 : i32 to vector<16xi32>
    %add3A_404 = arith.addi %mul3A_398, %add3A_403 : vector<16xi32>
    %gather3A_405 = tpu.vector_load_idx %arg10[%add3A_404, %add3A_401] : memref<324x128xf32, #tpu.memory_space<vmem>>[vector<16xi32>, vector<16xi32>], vector<16xf32>,
    %swap3A_406 = arith.constant 176 : index
    %swap3A_407 = tpu.vector_load %arg11[%swap3A_406] {strides = array<i32>} : memref<640xf32, #tpu.memory_space<vmem>>, vector<16xf32>,
    tpu.vector_store %arg11[%swap3A_406], %gather3A_405 {strides = array<i32>} : memref<640xf32, #tpu.memory_space<vmem>>, vector<16xf32>,
    %add3A_408 = arith.constant 1 : i32
    %add3A_409 = vector.broadcast %add3A_408 : i32 to vector<16xi32>
    %add3A_410 = arith.addi %mul3A_398, %add3A_409 : vector<16xi32>
    %gather3A_411 = tpu.vector_load_idx %arg10[%add3A_410, %add3A_401] : memref<324x128xf32, #tpu.memory_space<vmem>>[vector<16xi32>, vector<16xi32>], vector<16xf32>,
    %swap3A_412 = arith.constant 176 : index
    %swap3A_413 = tpu.vector_load %arg12[%swap3A_412] {strides = array<i32>} : memref<640xf32, #tpu.memory_space<vmem>>, vector<16xf32>,
    tpu.vector_store %arg12[%swap3A_412], %gather3A_411 {strides = array<i32>} : memref<640xf32, #tpu.memory_space<vmem>>, vector<16xf32>,
    %add3A_414 = arith.constant 2 : i32
    %add3A_415 = vector.broadcast %add3A_414 : i32 to vector<16xi32>
    %add3A_416 = arith.addi %mul3A_398, %add3A_415 : vector<16xi32>
    %gather3A_417 = tpu.vector_load_idx %arg10[%add3A_416, %add3A_401] : memref<324x128xf32, #tpu.memory_space<vmem>>[vector<16xi32>, vector<16xi32>], vector<16xf32>,
    %swap3A_418 = arith.constant 176 : index
    %swap3A_419 = tpu.vector_load %arg13[%swap3A_418] {strides = array<i32>} : memref<640xf32, #tpu.memory_space<vmem>>, vector<16xf32>,
    tpu.vector_store %arg13[%swap3A_418], %gather3A_417 {strides = array<i32>} : memref<640xf32, #tpu.memory_space<vmem>>, vector<16xf32>,
    %add3A_420 = arith.constant 3 : i32
    %add3A_421 = vector.broadcast %add3A_420 : i32 to vector<16xi32>
    %add3A_422 = arith.addi %mul3A_398, %add3A_421 : vector<16xi32>
    %gather3A_423 = tpu.vector_load_idx %arg10[%add3A_422, %add3A_401] : memref<324x128xf32, #tpu.memory_space<vmem>>[vector<16xi32>, vector<16xi32>], vector<16xf32>,
    %swap3A_424 = arith.constant 176 : index
    %swap3A_425 = tpu.vector_load %arg14[%swap3A_424] {strides = array<i32>} : memref<640xf32, #tpu.memory_space<vmem>>, vector<16xf32>,
    tpu.vector_store %arg14[%swap3A_424], %gather3A_423 {strides = array<i32>} : memref<640xf32, #tpu.memory_space<vmem>>, vector<16xf32>,
    %get3A_426 = arith.constant 192 : index
    %get3A_427 = tpu.vector_load %arg8[%get3A_426] {strides = array<i32>} : memref<640xf32, #tpu.memory_space<vmem>>, vector<16xf32>,
    %convert_element_type3A_428 = arith.fptosi %get3A_427 : vector<16xf32> to vector<16xi32>
    %mul3A_429 = arith.constant 4 : i32
    %mul3A_430 = vector.broadcast %mul3A_429 : i32 to vector<16xi32>
    %mul3A_431 = arith.muli %convert_element_type3A_428, %mul3A_430 : vector<16xi32>
    %add3A_432 = arith.constant 64 : i32
    %add3A_433 = vector.broadcast %add3A_432 : i32 to vector<16xi32>
    %add3A_434 = arith.addi %add3A_433, %iota3A : vector<16xi32>
    %add3A_435 = arith.constant 0 : i32
    %add3A_436 = vector.broadcast %add3A_435 : i32 to vector<16xi32>
    %add3A_437 = arith.addi %mul3A_431, %add3A_436 : vector<16xi32>
    %gather3A_438 = tpu.vector_load_idx %arg10[%add3A_437, %add3A_434] : memref<324x128xf32, #tpu.memory_space<vmem>>[vector<16xi32>, vector<16xi32>], vector<16xf32>,
    %swap3A_439 = arith.constant 192 : index
    %swap3A_440 = tpu.vector_load %arg11[%swap3A_439] {strides = array<i32>} : memref<640xf32, #tpu.memory_space<vmem>>, vector<16xf32>,
    tpu.vector_store %arg11[%swap3A_439], %gather3A_438 {strides = array<i32>} : memref<640xf32, #tpu.memory_space<vmem>>, vector<16xf32>,
    %add3A_441 = arith.constant 1 : i32
    %add3A_442 = vector.broadcast %add3A_441 : i32 to vector<16xi32>
    %add3A_443 = arith.addi %mul3A_431, %add3A_442 : vector<16xi32>
    %gather3A_444 = tpu.vector_load_idx %arg10[%add3A_443, %add3A_434] : memref<324x128xf32, #tpu.memory_space<vmem>>[vector<16xi32>, vector<16xi32>], vector<16xf32>,
    %swap3A_445 = arith.constant 192 : index
    %swap3A_446 = tpu.vector_load %arg12[%swap3A_445] {strides = array<i32>} : memref<640xf32, #tpu.memory_space<vmem>>, vector<16xf32>,
    tpu.vector_store %arg12[%swap3A_445], %gather3A_444 {strides = array<i32>} : memref<640xf32, #tpu.memory_space<vmem>>, vector<16xf32>,
    %add3A_447 = arith.constant 2 : i32
    %add3A_448 = vector.broadcast %add3A_447 : i32 to vector<16xi32>
    %add3A_449 = arith.addi %mul3A_431, %add3A_448 : vector<16xi32>
    %gather3A_450 = tpu.vector_load_idx %arg10[%add3A_449, %add3A_434] : memref<324x128xf32, #tpu.memory_space<vmem>>[vector<16xi32>, vector<16xi32>], vector<16xf32>,
    %swap3A_451 = arith.constant 192 : index
    %swap3A_452 = tpu.vector_load %arg13[%swap3A_451] {strides = array<i32>} : memref<640xf32, #tpu.memory_space<vmem>>, vector<16xf32>,
    tpu.vector_store %arg13[%swap3A_451], %gather3A_450 {strides = array<i32>} : memref<640xf32, #tpu.memory_space<vmem>>, vector<16xf32>,
    %add3A_453 = arith.constant 3 : i32
    %add3A_454 = vector.broadcast %add3A_453 : i32 to vector<16xi32>
    %add3A_455 = arith.addi %mul3A_431, %add3A_454 : vector<16xi32>
    %gather3A_456 = tpu.vector_load_idx %arg10[%add3A_455, %add3A_434] : memref<324x128xf32, #tpu.memory_space<vmem>>[vector<16xi32>, vector<16xi32>], vector<16xf32>,
    %swap3A_457 = arith.constant 192 : index
    %swap3A_458 = tpu.vector_load %arg14[%swap3A_457] {strides = array<i32>} : memref<640xf32, #tpu.memory_space<vmem>>, vector<16xf32>,
    tpu.vector_store %arg14[%swap3A_457], %gather3A_456 {strides = array<i32>} : memref<640xf32, #tpu.memory_space<vmem>>, vector<16xf32>,
    %get3A_459 = arith.constant 208 : index
    %get3A_460 = tpu.vector_load %arg8[%get3A_459] {strides = array<i32>} : memref<640xf32, #tpu.memory_space<vmem>>, vector<16xf32>,
    %convert_element_type3A_461 = arith.fptosi %get3A_460 : vector<16xf32> to vector<16xi32>
    %mul3A_462 = arith.constant 4 : i32
    %mul3A_463 = vector.broadcast %mul3A_462 : i32 to vector<16xi32>
    %mul3A_464 = arith.muli %convert_element_type3A_461, %mul3A_463 : vector<16xi32>
    %add3A_465 = arith.constant 80 : i32
    %add3A_466 = vector.broadcast %add3A_465 : i32 to vector<16xi32>
    %add3A_467 = arith.addi %add3A_466, %iota3A : vector<16xi32>
    %add3A_468 = arith.constant 0 : i32
    %add3A_469 = vector.broadcast %add3A_468 : i32 to vector<16xi32>
    %add3A_470 = arith.addi %mul3A_464, %add3A_469 : vector<16xi32>
    %gather3A_471 = tpu.vector_load_idx %arg10[%add3A_470, %add3A_467] : memref<324x128xf32, #tpu.memory_space<vmem>>[vector<16xi32>, vector<16xi32>], vector<16xf32>,
    %swap3A_472 = arith.constant 208 : index
    %swap3A_473 = tpu.vector_load %arg11[%swap3A_472] {strides = array<i32>} : memref<640xf32, #tpu.memory_space<vmem>>, vector<16xf32>,
    tpu.vector_store %arg11[%swap3A_472], %gather3A_471 {strides = array<i32>} : memref<640xf32, #tpu.memory_space<vmem>>, vector<16xf32>,
    %add3A_474 = arith.constant 1 : i32
    %add3A_475 = vector.broadcast %add3A_474 : i32 to vector<16xi32>
    %add3A_476 = arith.addi %mul3A_464, %add3A_475 : vector<16xi32>
    %gather3A_477 = tpu.vector_load_idx %arg10[%add3A_476, %add3A_467] : memref<324x128xf32, #tpu.memory_space<vmem>>[vector<16xi32>, vector<16xi32>], vector<16xf32>,
    %swap3A_478 = arith.constant 208 : index
    %swap3A_479 = tpu.vector_load %arg12[%swap3A_478] {strides = array<i32>} : memref<640xf32, #tpu.memory_space<vmem>>, vector<16xf32>,
    tpu.vector_store %arg12[%swap3A_478], %gather3A_477 {strides = array<i32>} : memref<640xf32, #tpu.memory_space<vmem>>, vector<16xf32>,
    %add3A_480 = arith.constant 2 : i32
    %add3A_481 = vector.broadcast %add3A_480 : i32 to vector<16xi32>
    %add3A_482 = arith.addi %mul3A_464, %add3A_481 : vector<16xi32>
    %gather3A_483 = tpu.vector_load_idx %arg10[%add3A_482, %add3A_467] : memref<324x128xf32, #tpu.memory_space<vmem>>[vector<16xi32>, vector<16xi32>], vector<16xf32>,
    %swap3A_484 = arith.constant 208 : index
    %swap3A_485 = tpu.vector_load %arg13[%swap3A_484] {strides = array<i32>} : memref<640xf32, #tpu.memory_space<vmem>>, vector<16xf32>,
    tpu.vector_store %arg13[%swap3A_484], %gather3A_483 {strides = array<i32>} : memref<640xf32, #tpu.memory_space<vmem>>, vector<16xf32>,
    %add3A_486 = arith.constant 3 : i32
    %add3A_487 = vector.broadcast %add3A_486 : i32 to vector<16xi32>
    %add3A_488 = arith.addi %mul3A_464, %add3A_487 : vector<16xi32>
    %gather3A_489 = tpu.vector_load_idx %arg10[%add3A_488, %add3A_467] : memref<324x128xf32, #tpu.memory_space<vmem>>[vector<16xi32>, vector<16xi32>], vector<16xf32>,
    %swap3A_490 = arith.constant 208 : index
    %swap3A_491 = tpu.vector_load %arg14[%swap3A_490] {strides = array<i32>} : memref<640xf32, #tpu.memory_space<vmem>>, vector<16xf32>,
    tpu.vector_store %arg14[%swap3A_490], %gather3A_489 {strides = array<i32>} : memref<640xf32, #tpu.memory_space<vmem>>, vector<16xf32>,
    %get3A_492 = arith.constant 224 : index
    %get3A_493 = tpu.vector_load %arg8[%get3A_492] {strides = array<i32>} : memref<640xf32, #tpu.memory_space<vmem>>, vector<16xf32>,
    %convert_element_type3A_494 = arith.fptosi %get3A_493 : vector<16xf32> to vector<16xi32>
    %mul3A_495 = arith.constant 4 : i32
    %mul3A_496 = vector.broadcast %mul3A_495 : i32 to vector<16xi32>
    %mul3A_497 = arith.muli %convert_element_type3A_494, %mul3A_496 : vector<16xi32>
    %add3A_498 = arith.constant 96 : i32
    %add3A_499 = vector.broadcast %add3A_498 : i32 to vector<16xi32>
    %add3A_500 = arith.addi %add3A_499, %iota3A : vector<16xi32>
    %add3A_501 = arith.constant 0 : i32
    %add3A_502 = vector.broadcast %add3A_501 : i32 to vector<16xi32>
    %add3A_503 = arith.addi %mul3A_497, %add3A_502 : vector<16xi32>
    %gather3A_504 = tpu.vector_load_idx %arg10[%add3A_503, %add3A_500] : memref<324x128xf32, #tpu.memory_space<vmem>>[vector<16xi32>, vector<16xi32>], vector<16xf32>,
    %swap3A_505 = arith.constant 224 : index
    %swap3A_506 = tpu.vector_load %arg11[%swap3A_505] {strides = array<i32>} : memref<640xf32, #tpu.memory_space<vmem>>, vector<16xf32>,
    tpu.vector_store %arg11[%swap3A_505], %gather3A_504 {strides = array<i32>} : memref<640xf32, #tpu.memory_space<vmem>>, vector<16xf32>,
    %add3A_507 = arith.constant 1 : i32
    %add3A_508 = vector.broadcast %add3A_507 : i32 to vector<16xi32>
    %add3A_509 = arith.addi %mul3A_497, %add3A_508 : vector<16xi32>
    %gather3A_510 = tpu.vector_load_idx %arg10[%add3A_509, %add3A_500] : memref<324x128xf32, #tpu.memory_space<vmem>>[vector<16xi32>, vector<16xi32>], vector<16xf32>,
    %swap3A_511 = arith.constant 224 : index
    %swap3A_512 = tpu.vector_load %arg12[%swap3A_511] {strides = array<i32>} : memref<640xf32, #tpu.memory_space<vmem>>, vector<16xf32>,
    tpu.vector_store %arg12[%swap3A_511], %gather3A_510 {strides = array<i32>} : memref<640xf32, #tpu.memory_space<vmem>>, vector<16xf32>,
    %add3A_513 = arith.constant 2 : i32
    %add3A_514 = vector.broadcast %add3A_513 : i32 to vector<16xi32>
    %add3A_515 = arith.addi %mul3A_497, %add3A_514 : vector<16xi32>
    %gather3A_516 = tpu.vector_load_idx %arg10[%add3A_515, %add3A_500] : memref<324x128xf32, #tpu.memory_space<vmem>>[vector<16xi32>, vector<16xi32>], vector<16xf32>,
    %swap3A_517 = arith.constant 224 : index
    %swap3A_518 = tpu.vector_load %arg13[%swap3A_517] {strides = array<i32>} : memref<640xf32, #tpu.memory_space<vmem>>, vector<16xf32>,
    tpu.vector_store %arg13[%swap3A_517], %gather3A_516 {strides = array<i32>} : memref<640xf32, #tpu.memory_space<vmem>>, vector<16xf32>,
    %add3A_519 = arith.constant 3 : i32
    %add3A_520 = vector.broadcast %add3A_519 : i32 to vector<16xi32>
    %add3A_521 = arith.addi %mul3A_497, %add3A_520 : vector<16xi32>
    %gather3A_522 = tpu.vector_load_idx %arg10[%add3A_521, %add3A_500] : memref<324x128xf32, #tpu.memory_space<vmem>>[vector<16xi32>, vector<16xi32>], vector<16xf32>,
    %swap3A_523 = arith.constant 224 : index
    %swap3A_524 = tpu.vector_load %arg14[%swap3A_523] {strides = array<i32>} : memref<640xf32, #tpu.memory_space<vmem>>, vector<16xf32>,
    tpu.vector_store %arg14[%swap3A_523], %gather3A_522 {strides = array<i32>} : memref<640xf32, #tpu.memory_space<vmem>>, vector<16xf32>,
    %get3A_525 = arith.constant 240 : index
    %get3A_526 = tpu.vector_load %arg8[%get3A_525] {strides = array<i32>} : memref<640xf32, #tpu.memory_space<vmem>>, vector<16xf32>,
    %convert_element_type3A_527 = arith.fptosi %get3A_526 : vector<16xf32> to vector<16xi32>
    %mul3A_528 = arith.constant 4 : i32
    %mul3A_529 = vector.broadcast %mul3A_528 : i32 to vector<16xi32>
    %mul3A_530 = arith.muli %convert_element_type3A_527, %mul3A_529 : vector<16xi32>
    %add3A_531 = arith.constant 112 : i32
    %add3A_532 = vector.broadcast %add3A_531 : i32 to vector<16xi32>
    %add3A_533 = arith.addi %add3A_532, %iota3A : vector<16xi32>
    %add3A_534 = arith.constant 0 : i32
    %add3A_535 = vector.broadcast %add3A_534 : i32 to vector<16xi32>
    %add3A_536 = arith.addi %mul3A_530, %add3A_535 : vector<16xi32>
    %gather3A_537 = tpu.vector_load_idx %arg10[%add3A_536, %add3A_533] : memref<324x128xf32, #tpu.memory_space<vmem>>[vector<16xi32>, vector<16xi32>], vector<16xf32>,
    %swap3A_538 = arith.constant 240 : index
    %swap3A_539 = tpu.vector_load %arg11[%swap3A_538] {strides = array<i32>} : memref<640xf32, #tpu.memory_space<vmem>>, vector<16xf32>,
    tpu.vector_store %arg11[%swap3A_538], %gather3A_537 {strides = array<i32>} : memref<640xf32, #tpu.memory_space<vmem>>, vector<16xf32>,
    %add3A_540 = arith.constant 1 : i32
    %add3A_541 = vector.broadcast %add3A_540 : i32 to vector<16xi32>
    %add3A_542 = arith.addi %mul3A_530, %add3A_541 : vector<16xi32>
    %gather3A_543 = tpu.vector_load_idx %arg10[%add3A_542, %add3A_533] : memref<324x128xf32, #tpu.memory_space<vmem>>[vector<16xi32>, vector<16xi32>], vector<16xf32>,
    %swap3A_544 = arith.constant 240 : index
    %swap3A_545 = tpu.vector_load %arg12[%swap3A_544] {strides = array<i32>} : memref<640xf32, #tpu.memory_space<vmem>>, vector<16xf32>,
    tpu.vector_store %arg12[%swap3A_544], %gather3A_543 {strides = array<i32>} : memref<640xf32, #tpu.memory_space<vmem>>, vector<16xf32>,
    %add3A_546 = arith.constant 2 : i32
    %add3A_547 = vector.broadcast %add3A_546 : i32 to vector<16xi32>
    %add3A_548 = arith.addi %mul3A_530, %add3A_547 : vector<16xi32>
    %gather3A_549 = tpu.vector_load_idx %arg10[%add3A_548, %add3A_533] : memref<324x128xf32, #tpu.memory_space<vmem>>[vector<16xi32>, vector<16xi32>], vector<16xf32>,
    %swap3A_550 = arith.constant 240 : index
    %swap3A_551 = tpu.vector_load %arg13[%swap3A_550] {strides = array<i32>} : memref<640xf32, #tpu.memory_space<vmem>>, vector<16xf32>,
    tpu.vector_store %arg13[%swap3A_550], %gather3A_549 {strides = array<i32>} : memref<640xf32, #tpu.memory_space<vmem>>, vector<16xf32>,
    %add3A_552 = arith.constant 3 : i32
    %add3A_553 = vector.broadcast %add3A_552 : i32 to vector<16xi32>
    %add3A_554 = arith.addi %mul3A_530, %add3A_553 : vector<16xi32>
    %gather3A_555 = tpu.vector_load_idx %arg10[%add3A_554, %add3A_533] : memref<324x128xf32, #tpu.memory_space<vmem>>[vector<16xi32>, vector<16xi32>], vector<16xf32>,
    %swap3A_556 = arith.constant 240 : index
    %swap3A_557 = tpu.vector_load %arg14[%swap3A_556] {strides = array<i32>} : memref<640xf32, #tpu.memory_space<vmem>>, vector<16xf32>,
    tpu.vector_store %arg14[%swap3A_556], %gather3A_555 {strides = array<i32>} : memref<640xf32, #tpu.memory_space<vmem>>, vector<16xf32>,
    %add3A_558 = arith.constant 384 : i32
    %add3A_559 = arith.addi %mul3A_2, %add3A_558 : i32
    %min3A_560 = arith.constant 19872 : i32
    %min3A_561 = arith.minsi %add3A_559, %min3A_560 : i32
    %multiple_of3A_562 = tpu.assume_multiple %min3A_561, 128 : i32
    %dma_start3A_563 = arith.constant 0 : i32
    %dma_start3A_564 = tpu.memref_slice %arg2[%dma_start3A_563, %multiple_of3A_562] : memref<324x20000xf32, #tpu.memory_space<hbm>> -> memref<324x128xf32, #tpu.memory_space<hbm>>
    %dma_start3A_565 = arith.constant 0 : i32
    %dma_start3A_566 = tpu.memref_slice %arg2[%dma_start3A_565, %multiple_of3A_562] : memref<324x20000xf32, #tpu.memory_space<hbm>> -> memref<324x128xf32, #tpu.memory_space<hbm>>
    tpu.enqueue_dma source(%dma_start3A_566 : memref<324x128xf32, #tpu.memory_space<hbm>>) target(%arg10 : memref<324x128xf32, #tpu.memory_space<vmem>>) target_semaphore(%arg16 : memref<!tpu.dma_semaphore, #tpu.memory_space<semaphore_mem>>)
    %dma_wait3A_567 = arith.constant 0 : i32
    %dma_wait3A_568 = tpu.memref_slice %arg2[%dma_wait3A_567, %multiple_of3A_285] : memref<324x20000xf32, #tpu.memory_space<hbm>> -> memref<324x128xf32, #tpu.memory_space<hbm>>
    %dma_wait3A_569 = arith.constant 0 : i32
    %dma_wait3A_570 = tpu.memref_slice %arg2[%dma_wait3A_569, %multiple_of3A_285] : memref<324x20000xf32, #tpu.memory_space<hbm>> -> memref<324x128xf32, #tpu.memory_space<hbm>>
    tpu.wait_dma2 semaphore(%arg15 : memref<!tpu.dma_semaphore, #tpu.memory_space<semaphore_mem>>) src(%dma_wait3A_570 : memref<324x128xf32, #tpu.memory_space<hbm>>) dst(%arg9 : memref<324x128xf32, #tpu.memory_space<vmem>>)
    %get3A_571 = arith.constant 256 : index
    %get3A_572 = tpu.vector_load %arg8[%get3A_571] {strides = array<i32>} : memref<640xf32, #tpu.memory_space<vmem>>, vector<16xf32>,
    %convert_element_type3A_573 = arith.fptosi %get3A_572 : vector<16xf32> to vector<16xi32>
    %mul3A_574 = arith.constant 4 : i32
    %mul3A_575 = vector.broadcast %mul3A_574 : i32 to vector<16xi32>
    %mul3A_576 = arith.muli %convert_element_type3A_573, %mul3A_575 : vector<16xi32>
    %add3A_577 = arith.constant 0 : i32
    %add3A_578 = vector.broadcast %add3A_577 : i32 to vector<16xi32>
    %add3A_579 = arith.addi %add3A_578, %iota3A : vector<16xi32>
    %add3A_580 = arith.constant 0 : i32
    %add3A_581 = vector.broadcast %add3A_580 : i32 to vector<16xi32>
    %add3A_582 = arith.addi %mul3A_576, %add3A_581 : vector<16xi32>
    %gather3A_583 = tpu.vector_load_idx %arg9[%add3A_582, %add3A_579] : memref<324x128xf32, #tpu.memory_space<vmem>>[vector<16xi32>, vector<16xi32>], vector<16xf32>,
    %swap3A_584 = arith.constant 256 : index
    %swap3A_585 = tpu.vector_load %arg11[%swap3A_584] {strides = array<i32>} : memref<640xf32, #tpu.memory_space<vmem>>, vector<16xf32>,
    tpu.vector_store %arg11[%swap3A_584], %gather3A_583 {strides = array<i32>} : memref<640xf32, #tpu.memory_space<vmem>>, vector<16xf32>,
    %add3A_586 = arith.constant 1 : i32
    %add3A_587 = vector.broadcast %add3A_586 : i32 to vector<16xi32>
    %add3A_588 = arith.addi %mul3A_576, %add3A_587 : vector<16xi32>
    %gather3A_589 = tpu.vector_load_idx %arg9[%add3A_588, %add3A_579] : memref<324x128xf32, #tpu.memory_space<vmem>>[vector<16xi32>, vector<16xi32>], vector<16xf32>,
    %swap3A_590 = arith.constant 256 : index
    %swap3A_591 = tpu.vector_load %arg12[%swap3A_590] {strides = array<i32>} : memref<640xf32, #tpu.memory_space<vmem>>, vector<16xf32>,
    tpu.vector_store %arg12[%swap3A_590], %gather3A_589 {strides = array<i32>} : memref<640xf32, #tpu.memory_space<vmem>>, vector<16xf32>,
    %add3A_592 = arith.constant 2 : i32
    %add3A_593 = vector.broadcast %add3A_592 : i32 to vector<16xi32>
    %add3A_594 = arith.addi %mul3A_576, %add3A_593 : vector<16xi32>
    %gather3A_595 = tpu.vector_load_idx %arg9[%add3A_594, %add3A_579] : memref<324x128xf32, #tpu.memory_space<vmem>>[vector<16xi32>, vector<16xi32>], vector<16xf32>,
    %swap3A_596 = arith.constant 256 : index
    %swap3A_597 = tpu.vector_load %arg13[%swap3A_596] {strides = array<i32>} : memref<640xf32, #tpu.memory_space<vmem>>, vector<16xf32>,
    tpu.vector_store %arg13[%swap3A_596], %gather3A_595 {strides = array<i32>} : memref<640xf32, #tpu.memory_space<vmem>>, vector<16xf32>,
    %add3A_598 = arith.constant 3 : i32
    %add3A_599 = vector.broadcast %add3A_598 : i32 to vector<16xi32>
    %add3A_600 = arith.addi %mul3A_576, %add3A_599 : vector<16xi32>
    %gather3A_601 = tpu.vector_load_idx %arg9[%add3A_600, %add3A_579] : memref<324x128xf32, #tpu.memory_space<vmem>>[vector<16xi32>, vector<16xi32>], vector<16xf32>,
    %swap3A_602 = arith.constant 256 : index
    %swap3A_603 = tpu.vector_load %arg14[%swap3A_602] {strides = array<i32>} : memref<640xf32, #tpu.memory_space<vmem>>, vector<16xf32>,
    tpu.vector_store %arg14[%swap3A_602], %gather3A_601 {strides = array<i32>} : memref<640xf32, #tpu.memory_space<vmem>>, vector<16xf32>,
    %get3A_604 = arith.constant 272 : index
    %get3A_605 = tpu.vector_load %arg8[%get3A_604] {strides = array<i32>} : memref<640xf32, #tpu.memory_space<vmem>>, vector<16xf32>,
    %convert_element_type3A_606 = arith.fptosi %get3A_605 : vector<16xf32> to vector<16xi32>
    %mul3A_607 = arith.constant 4 : i32
    %mul3A_608 = vector.broadcast %mul3A_607 : i32 to vector<16xi32>
    %mul3A_609 = arith.muli %convert_element_type3A_606, %mul3A_608 : vector<16xi32>
    %add3A_610 = arith.constant 16 : i32
    %add3A_611 = vector.broadcast %add3A_610 : i32 to vector<16xi32>
    %add3A_612 = arith.addi %add3A_611, %iota3A : vector<16xi32>
    %add3A_613 = arith.constant 0 : i32
    %add3A_614 = vector.broadcast %add3A_613 : i32 to vector<16xi32>
    %add3A_615 = arith.addi %mul3A_609, %add3A_614 : vector<16xi32>
    %gather3A_616 = tpu.vector_load_idx %arg9[%add3A_615, %add3A_612] : memref<324x128xf32, #tpu.memory_space<vmem>>[vector<16xi32>, vector<16xi32>], vector<16xf32>,
    %swap3A_617 = arith.constant 272 : index
    %swap3A_618 = tpu.vector_load %arg11[%swap3A_617] {strides = array<i32>} : memref<640xf32, #tpu.memory_space<vmem>>, vector<16xf32>,
    tpu.vector_store %arg11[%swap3A_617], %gather3A_616 {strides = array<i32>} : memref<640xf32, #tpu.memory_space<vmem>>, vector<16xf32>,
    %add3A_619 = arith.constant 1 : i32
    %add3A_620 = vector.broadcast %add3A_619 : i32 to vector<16xi32>
    %add3A_621 = arith.addi %mul3A_609, %add3A_620 : vector<16xi32>
    %gather3A_622 = tpu.vector_load_idx %arg9[%add3A_621, %add3A_612] : memref<324x128xf32, #tpu.memory_space<vmem>>[vector<16xi32>, vector<16xi32>], vector<16xf32>,
    %swap3A_623 = arith.constant 272 : index
    %swap3A_624 = tpu.vector_load %arg12[%swap3A_623] {strides = array<i32>} : memref<640xf32, #tpu.memory_space<vmem>>, vector<16xf32>,
    tpu.vector_store %arg12[%swap3A_623], %gather3A_622 {strides = array<i32>} : memref<640xf32, #tpu.memory_space<vmem>>, vector<16xf32>,
    %add3A_625 = arith.constant 2 : i32
    %add3A_626 = vector.broadcast %add3A_625 : i32 to vector<16xi32>
    %add3A_627 = arith.addi %mul3A_609, %add3A_626 : vector<16xi32>
    %gather3A_628 = tpu.vector_load_idx %arg9[%add3A_627, %add3A_612] : memref<324x128xf32, #tpu.memory_space<vmem>>[vector<16xi32>, vector<16xi32>], vector<16xf32>,
    %swap3A_629 = arith.constant 272 : index
    %swap3A_630 = tpu.vector_load %arg13[%swap3A_629] {strides = array<i32>} : memref<640xf32, #tpu.memory_space<vmem>>, vector<16xf32>,
    tpu.vector_store %arg13[%swap3A_629], %gather3A_628 {strides = array<i32>} : memref<640xf32, #tpu.memory_space<vmem>>, vector<16xf32>,
    %add3A_631 = arith.constant 3 : i32
    %add3A_632 = vector.broadcast %add3A_631 : i32 to vector<16xi32>
    %add3A_633 = arith.addi %mul3A_609, %add3A_632 : vector<16xi32>
    %gather3A_634 = tpu.vector_load_idx %arg9[%add3A_633, %add3A_612] : memref<324x128xf32, #tpu.memory_space<vmem>>[vector<16xi32>, vector<16xi32>], vector<16xf32>,
    %swap3A_635 = arith.constant 272 : index
    %swap3A_636 = tpu.vector_load %arg14[%swap3A_635] {strides = array<i32>} : memref<640xf32, #tpu.memory_space<vmem>>, vector<16xf32>,
    tpu.vector_store %arg14[%swap3A_635], %gather3A_634 {strides = array<i32>} : memref<640xf32, #tpu.memory_space<vmem>>, vector<16xf32>,
    %get3A_637 = arith.constant 288 : index
    %get3A_638 = tpu.vector_load %arg8[%get3A_637] {strides = array<i32>} : memref<640xf32, #tpu.memory_space<vmem>>, vector<16xf32>,
    %convert_element_type3A_639 = arith.fptosi %get3A_638 : vector<16xf32> to vector<16xi32>
    %mul3A_640 = arith.constant 4 : i32
    %mul3A_641 = vector.broadcast %mul3A_640 : i32 to vector<16xi32>
    %mul3A_642 = arith.muli %convert_element_type3A_639, %mul3A_641 : vector<16xi32>
    %add3A_643 = arith.constant 32 : i32
    %add3A_644 = vector.broadcast %add3A_643 : i32 to vector<16xi32>
    %add3A_645 = arith.addi %add3A_644, %iota3A : vector<16xi32>
    %add3A_646 = arith.constant 0 : i32
    %add3A_647 = vector.broadcast %add3A_646 : i32 to vector<16xi32>
    %add3A_648 = arith.addi %mul3A_642, %add3A_647 : vector<16xi32>
    %gather3A_649 = tpu.vector_load_idx %arg9[%add3A_648, %add3A_645] : memref<324x128xf32, #tpu.memory_space<vmem>>[vector<16xi32>, vector<16xi32>], vector<16xf32>,
    %swap3A_650 = arith.constant 288 : index
    %swap3A_651 = tpu.vector_load %arg11[%swap3A_650] {strides = array<i32>} : memref<640xf32, #tpu.memory_space<vmem>>, vector<16xf32>,
    tpu.vector_store %arg11[%swap3A_650], %gather3A_649 {strides = array<i32>} : memref<640xf32, #tpu.memory_space<vmem>>, vector<16xf32>,
    %add3A_652 = arith.constant 1 : i32
    %add3A_653 = vector.broadcast %add3A_652 : i32 to vector<16xi32>
    %add3A_654 = arith.addi %mul3A_642, %add3A_653 : vector<16xi32>
    %gather3A_655 = tpu.vector_load_idx %arg9[%add3A_654, %add3A_645] : memref<324x128xf32, #tpu.memory_space<vmem>>[vector<16xi32>, vector<16xi32>], vector<16xf32>,
    %swap3A_656 = arith.constant 288 : index
    %swap3A_657 = tpu.vector_load %arg12[%swap3A_656] {strides = array<i32>} : memref<640xf32, #tpu.memory_space<vmem>>, vector<16xf32>,
    tpu.vector_store %arg12[%swap3A_656], %gather3A_655 {strides = array<i32>} : memref<640xf32, #tpu.memory_space<vmem>>, vector<16xf32>,
    %add3A_658 = arith.constant 2 : i32
    %add3A_659 = vector.broadcast %add3A_658 : i32 to vector<16xi32>
    %add3A_660 = arith.addi %mul3A_642, %add3A_659 : vector<16xi32>
    %gather3A_661 = tpu.vector_load_idx %arg9[%add3A_660, %add3A_645] : memref<324x128xf32, #tpu.memory_space<vmem>>[vector<16xi32>, vector<16xi32>], vector<16xf32>,
    %swap3A_662 = arith.constant 288 : index
    %swap3A_663 = tpu.vector_load %arg13[%swap3A_662] {strides = array<i32>} : memref<640xf32, #tpu.memory_space<vmem>>, vector<16xf32>,
    tpu.vector_store %arg13[%swap3A_662], %gather3A_661 {strides = array<i32>} : memref<640xf32, #tpu.memory_space<vmem>>, vector<16xf32>,
    %add3A_664 = arith.constant 3 : i32
    %add3A_665 = vector.broadcast %add3A_664 : i32 to vector<16xi32>
    %add3A_666 = arith.addi %mul3A_642, %add3A_665 : vector<16xi32>
    %gather3A_667 = tpu.vector_load_idx %arg9[%add3A_666, %add3A_645] : memref<324x128xf32, #tpu.memory_space<vmem>>[vector<16xi32>, vector<16xi32>], vector<16xf32>,
    %swap3A_668 = arith.constant 288 : index
    %swap3A_669 = tpu.vector_load %arg14[%swap3A_668] {strides = array<i32>} : memref<640xf32, #tpu.memory_space<vmem>>, vector<16xf32>,
    tpu.vector_store %arg14[%swap3A_668], %gather3A_667 {strides = array<i32>} : memref<640xf32, #tpu.memory_space<vmem>>, vector<16xf32>,
    %get3A_670 = arith.constant 304 : index
    %get3A_671 = tpu.vector_load %arg8[%get3A_670] {strides = array<i32>} : memref<640xf32, #tpu.memory_space<vmem>>, vector<16xf32>,
    %convert_element_type3A_672 = arith.fptosi %get3A_671 : vector<16xf32> to vector<16xi32>
    %mul3A_673 = arith.constant 4 : i32
    %mul3A_674 = vector.broadcast %mul3A_673 : i32 to vector<16xi32>
    %mul3A_675 = arith.muli %convert_element_type3A_672, %mul3A_674 : vector<16xi32>
    %add3A_676 = arith.constant 48 : i32
    %add3A_677 = vector.broadcast %add3A_676 : i32 to vector<16xi32>
    %add3A_678 = arith.addi %add3A_677, %iota3A : vector<16xi32>
    %add3A_679 = arith.constant 0 : i32
    %add3A_680 = vector.broadcast %add3A_679 : i32 to vector<16xi32>
    %add3A_681 = arith.addi %mul3A_675, %add3A_680 : vector<16xi32>
    %gather3A_682 = tpu.vector_load_idx %arg9[%add3A_681, %add3A_678] : memref<324x128xf32, #tpu.memory_space<vmem>>[vector<16xi32>, vector<16xi32>], vector<16xf32>,
    %swap3A_683 = arith.constant 304 : index
    %swap3A_684 = tpu.vector_load %arg11[%swap3A_683] {strides = array<i32>} : memref<640xf32, #tpu.memory_space<vmem>>, vector<16xf32>,
    tpu.vector_store %arg11[%swap3A_683], %gather3A_682 {strides = array<i32>} : memref<640xf32, #tpu.memory_space<vmem>>, vector<16xf32>,
    %add3A_685 = arith.constant 1 : i32
    %add3A_686 = vector.broadcast %add3A_685 : i32 to vector<16xi32>
    %add3A_687 = arith.addi %mul3A_675, %add3A_686 : vector<16xi32>
    %gather3A_688 = tpu.vector_load_idx %arg9[%add3A_687, %add3A_678] : memref<324x128xf32, #tpu.memory_space<vmem>>[vector<16xi32>, vector<16xi32>], vector<16xf32>,
    %swap3A_689 = arith.constant 304 : index
    %swap3A_690 = tpu.vector_load %arg12[%swap3A_689] {strides = array<i32>} : memref<640xf32, #tpu.memory_space<vmem>>, vector<16xf32>,
    tpu.vector_store %arg12[%swap3A_689], %gather3A_688 {strides = array<i32>} : memref<640xf32, #tpu.memory_space<vmem>>, vector<16xf32>,
    %add3A_691 = arith.constant 2 : i32
    %add3A_692 = vector.broadcast %add3A_691 : i32 to vector<16xi32>
    %add3A_693 = arith.addi %mul3A_675, %add3A_692 : vector<16xi32>
    %gather3A_694 = tpu.vector_load_idx %arg9[%add3A_693, %add3A_678] : memref<324x128xf32, #tpu.memory_space<vmem>>[vector<16xi32>, vector<16xi32>], vector<16xf32>,
    %swap3A_695 = arith.constant 304 : index
    %swap3A_696 = tpu.vector_load %arg13[%swap3A_695] {strides = array<i32>} : memref<640xf32, #tpu.memory_space<vmem>>, vector<16xf32>,
    tpu.vector_store %arg13[%swap3A_695], %gather3A_694 {strides = array<i32>} : memref<640xf32, #tpu.memory_space<vmem>>, vector<16xf32>,
    %add3A_697 = arith.constant 3 : i32
    %add3A_698 = vector.broadcast %add3A_697 : i32 to vector<16xi32>
    %add3A_699 = arith.addi %mul3A_675, %add3A_698 : vector<16xi32>
    %gather3A_700 = tpu.vector_load_idx %arg9[%add3A_699, %add3A_678] : memref<324x128xf32, #tpu.memory_space<vmem>>[vector<16xi32>, vector<16xi32>], vector<16xf32>,
    %swap3A_701 = arith.constant 304 : index
    %swap3A_702 = tpu.vector_load %arg14[%swap3A_701] {strides = array<i32>} : memref<640xf32, #tpu.memory_space<vmem>>, vector<16xf32>,
    tpu.vector_store %arg14[%swap3A_701], %gather3A_700 {strides = array<i32>} : memref<640xf32, #tpu.memory_space<vmem>>, vector<16xf32>,
    %get3A_703 = arith.constant 320 : index
    %get3A_704 = tpu.vector_load %arg8[%get3A_703] {strides = array<i32>} : memref<640xf32, #tpu.memory_space<vmem>>, vector<16xf32>,
    %convert_element_type3A_705 = arith.fptosi %get3A_704 : vector<16xf32> to vector<16xi32>
    %mul3A_706 = arith.constant 4 : i32
    %mul3A_707 = vector.broadcast %mul3A_706 : i32 to vector<16xi32>
    %mul3A_708 = arith.muli %convert_element_type3A_705, %mul3A_707 : vector<16xi32>
    %add3A_709 = arith.constant 64 : i32
    %add3A_710 = vector.broadcast %add3A_709 : i32 to vector<16xi32>
    %add3A_711 = arith.addi %add3A_710, %iota3A : vector<16xi32>
    %add3A_712 = arith.constant 0 : i32
    %add3A_713 = vector.broadcast %add3A_712 : i32 to vector<16xi32>
    %add3A_714 = arith.addi %mul3A_708, %add3A_713 : vector<16xi32>
    %gather3A_715 = tpu.vector_load_idx %arg9[%add3A_714, %add3A_711] : memref<324x128xf32, #tpu.memory_space<vmem>>[vector<16xi32>, vector<16xi32>], vector<16xf32>,
    %swap3A_716 = arith.constant 320 : index
    %swap3A_717 = tpu.vector_load %arg11[%swap3A_716] {strides = array<i32>} : memref<640xf32, #tpu.memory_space<vmem>>, vector<16xf32>,
    tpu.vector_store %arg11[%swap3A_716], %gather3A_715 {strides = array<i32>} : memref<640xf32, #tpu.memory_space<vmem>>, vector<16xf32>,
    %add3A_718 = arith.constant 1 : i32
    %add3A_719 = vector.broadcast %add3A_718 : i32 to vector<16xi32>
    %add3A_720 = arith.addi %mul3A_708, %add3A_719 : vector<16xi32>
    %gather3A_721 = tpu.vector_load_idx %arg9[%add3A_720, %add3A_711] : memref<324x128xf32, #tpu.memory_space<vmem>>[vector<16xi32>, vector<16xi32>], vector<16xf32>,
    %swap3A_722 = arith.constant 320 : index
    %swap3A_723 = tpu.vector_load %arg12[%swap3A_722] {strides = array<i32>} : memref<640xf32, #tpu.memory_space<vmem>>, vector<16xf32>,
    tpu.vector_store %arg12[%swap3A_722], %gather3A_721 {strides = array<i32>} : memref<640xf32, #tpu.memory_space<vmem>>, vector<16xf32>,
    %add3A_724 = arith.constant 2 : i32
    %add3A_725 = vector.broadcast %add3A_724 : i32 to vector<16xi32>
    %add3A_726 = arith.addi %mul3A_708, %add3A_725 : vector<16xi32>
    %gather3A_727 = tpu.vector_load_idx %arg9[%add3A_726, %add3A_711] : memref<324x128xf32, #tpu.memory_space<vmem>>[vector<16xi32>, vector<16xi32>], vector<16xf32>,
    %swap3A_728 = arith.constant 320 : index
    %swap3A_729 = tpu.vector_load %arg13[%swap3A_728] {strides = array<i32>} : memref<640xf32, #tpu.memory_space<vmem>>, vector<16xf32>,
    tpu.vector_store %arg13[%swap3A_728], %gather3A_727 {strides = array<i32>} : memref<640xf32, #tpu.memory_space<vmem>>, vector<16xf32>,
    %add3A_730 = arith.constant 3 : i32
    %add3A_731 = vector.broadcast %add3A_730 : i32 to vector<16xi32>
    %add3A_732 = arith.addi %mul3A_708, %add3A_731 : vector<16xi32>
    %gather3A_733 = tpu.vector_load_idx %arg9[%add3A_732, %add3A_711] : memref<324x128xf32, #tpu.memory_space<vmem>>[vector<16xi32>, vector<16xi32>], vector<16xf32>,
    %swap3A_734 = arith.constant 320 : index
    %swap3A_735 = tpu.vector_load %arg14[%swap3A_734] {strides = array<i32>} : memref<640xf32, #tpu.memory_space<vmem>>, vector<16xf32>,
    tpu.vector_store %arg14[%swap3A_734], %gather3A_733 {strides = array<i32>} : memref<640xf32, #tpu.memory_space<vmem>>, vector<16xf32>,
    %get3A_736 = arith.constant 336 : index
    %get3A_737 = tpu.vector_load %arg8[%get3A_736] {strides = array<i32>} : memref<640xf32, #tpu.memory_space<vmem>>, vector<16xf32>,
    %convert_element_type3A_738 = arith.fptosi %get3A_737 : vector<16xf32> to vector<16xi32>
    %mul3A_739 = arith.constant 4 : i32
    %mul3A_740 = vector.broadcast %mul3A_739 : i32 to vector<16xi32>
    %mul3A_741 = arith.muli %convert_element_type3A_738, %mul3A_740 : vector<16xi32>
    %add3A_742 = arith.constant 80 : i32
    %add3A_743 = vector.broadcast %add3A_742 : i32 to vector<16xi32>
    %add3A_744 = arith.addi %add3A_743, %iota3A : vector<16xi32>
    %add3A_745 = arith.constant 0 : i32
    %add3A_746 = vector.broadcast %add3A_745 : i32 to vector<16xi32>
    %add3A_747 = arith.addi %mul3A_741, %add3A_746 : vector<16xi32>
    %gather3A_748 = tpu.vector_load_idx %arg9[%add3A_747, %add3A_744] : memref<324x128xf32, #tpu.memory_space<vmem>>[vector<16xi32>, vector<16xi32>], vector<16xf32>,
    %swap3A_749 = arith.constant 336 : index
    %swap3A_750 = tpu.vector_load %arg11[%swap3A_749] {strides = array<i32>} : memref<640xf32, #tpu.memory_space<vmem>>, vector<16xf32>,
    tpu.vector_store %arg11[%swap3A_749], %gather3A_748 {strides = array<i32>} : memref<640xf32, #tpu.memory_space<vmem>>, vector<16xf32>,
    %add3A_751 = arith.constant 1 : i32
    %add3A_752 = vector.broadcast %add3A_751 : i32 to vector<16xi32>
    %add3A_753 = arith.addi %mul3A_741, %add3A_752 : vector<16xi32>
    %gather3A_754 = tpu.vector_load_idx %arg9[%add3A_753, %add3A_744] : memref<324x128xf32, #tpu.memory_space<vmem>>[vector<16xi32>, vector<16xi32>], vector<16xf32>,
    %swap3A_755 = arith.constant 336 : index
    %swap3A_756 = tpu.vector_load %arg12[%swap3A_755] {strides = array<i32>} : memref<640xf32, #tpu.memory_space<vmem>>, vector<16xf32>,
    tpu.vector_store %arg12[%swap3A_755], %gather3A_754 {strides = array<i32>} : memref<640xf32, #tpu.memory_space<vmem>>, vector<16xf32>,
    %add3A_757 = arith.constant 2 : i32
    %add3A_758 = vector.broadcast %add3A_757 : i32 to vector<16xi32>
    %add3A_759 = arith.addi %mul3A_741, %add3A_758 : vector<16xi32>
    %gather3A_760 = tpu.vector_load_idx %arg9[%add3A_759, %add3A_744] : memref<324x128xf32, #tpu.memory_space<vmem>>[vector<16xi32>, vector<16xi32>], vector<16xf32>,
    %swap3A_761 = arith.constant 336 : index
    %swap3A_762 = tpu.vector_load %arg13[%swap3A_761] {strides = array<i32>} : memref<640xf32, #tpu.memory_space<vmem>>, vector<16xf32>,
    tpu.vector_store %arg13[%swap3A_761], %gather3A_760 {strides = array<i32>} : memref<640xf32, #tpu.memory_space<vmem>>, vector<16xf32>,
    %add3A_763 = arith.constant 3 : i32
    %add3A_764 = vector.broadcast %add3A_763 : i32 to vector<16xi32>
    %add3A_765 = arith.addi %mul3A_741, %add3A_764 : vector<16xi32>
    %gather3A_766 = tpu.vector_load_idx %arg9[%add3A_765, %add3A_744] : memref<324x128xf32, #tpu.memory_space<vmem>>[vector<16xi32>, vector<16xi32>], vector<16xf32>,
    %swap3A_767 = arith.constant 336 : index
    %swap3A_768 = tpu.vector_load %arg14[%swap3A_767] {strides = array<i32>} : memref<640xf32, #tpu.memory_space<vmem>>, vector<16xf32>,
    tpu.vector_store %arg14[%swap3A_767], %gather3A_766 {strides = array<i32>} : memref<640xf32, #tpu.memory_space<vmem>>, vector<16xf32>,
    %get3A_769 = arith.constant 352 : index
    %get3A_770 = tpu.vector_load %arg8[%get3A_769] {strides = array<i32>} : memref<640xf32, #tpu.memory_space<vmem>>, vector<16xf32>,
    %convert_element_type3A_771 = arith.fptosi %get3A_770 : vector<16xf32> to vector<16xi32>
    %mul3A_772 = arith.constant 4 : i32
    %mul3A_773 = vector.broadcast %mul3A_772 : i32 to vector<16xi32>
    %mul3A_774 = arith.muli %convert_element_type3A_771, %mul3A_773 : vector<16xi32>
    %add3A_775 = arith.constant 96 : i32
    %add3A_776 = vector.broadcast %add3A_775 : i32 to vector<16xi32>
    %add3A_777 = arith.addi %add3A_776, %iota3A : vector<16xi32>
    %add3A_778 = arith.constant 0 : i32
    %add3A_779 = vector.broadcast %add3A_778 : i32 to vector<16xi32>
    %add3A_780 = arith.addi %mul3A_774, %add3A_779 : vector<16xi32>
    %gather3A_781 = tpu.vector_load_idx %arg9[%add3A_780, %add3A_777] : memref<324x128xf32, #tpu.memory_space<vmem>>[vector<16xi32>, vector<16xi32>], vector<16xf32>,
    %swap3A_782 = arith.constant 352 : index
    %swap3A_783 = tpu.vector_load %arg11[%swap3A_782] {strides = array<i32>} : memref<640xf32, #tpu.memory_space<vmem>>, vector<16xf32>,
    tpu.vector_store %arg11[%swap3A_782], %gather3A_781 {strides = array<i32>} : memref<640xf32, #tpu.memory_space<vmem>>, vector<16xf32>,
    %add3A_784 = arith.constant 1 : i32
    %add3A_785 = vector.broadcast %add3A_784 : i32 to vector<16xi32>
    %add3A_786 = arith.addi %mul3A_774, %add3A_785 : vector<16xi32>
    %gather3A_787 = tpu.vector_load_idx %arg9[%add3A_786, %add3A_777] : memref<324x128xf32, #tpu.memory_space<vmem>>[vector<16xi32>, vector<16xi32>], vector<16xf32>,
    %swap3A_788 = arith.constant 352 : index
    %swap3A_789 = tpu.vector_load %arg12[%swap3A_788] {strides = array<i32>} : memref<640xf32, #tpu.memory_space<vmem>>, vector<16xf32>,
    tpu.vector_store %arg12[%swap3A_788], %gather3A_787 {strides = array<i32>} : memref<640xf32, #tpu.memory_space<vmem>>, vector<16xf32>,
    %add3A_790 = arith.constant 2 : i32
    %add3A_791 = vector.broadcast %add3A_790 : i32 to vector<16xi32>
    %add3A_792 = arith.addi %mul3A_774, %add3A_791 : vector<16xi32>
    %gather3A_793 = tpu.vector_load_idx %arg9[%add3A_792, %add3A_777] : memref<324x128xf32, #tpu.memory_space<vmem>>[vector<16xi32>, vector<16xi32>], vector<16xf32>,
    %swap3A_794 = arith.constant 352 : index
    %swap3A_795 = tpu.vector_load %arg13[%swap3A_794] {strides = array<i32>} : memref<640xf32, #tpu.memory_space<vmem>>, vector<16xf32>,
    tpu.vector_store %arg13[%swap3A_794], %gather3A_793 {strides = array<i32>} : memref<640xf32, #tpu.memory_space<vmem>>, vector<16xf32>,
    %add3A_796 = arith.constant 3 : i32
    %add3A_797 = vector.broadcast %add3A_796 : i32 to vector<16xi32>
    %add3A_798 = arith.addi %mul3A_774, %add3A_797 : vector<16xi32>
    %gather3A_799 = tpu.vector_load_idx %arg9[%add3A_798, %add3A_777] : memref<324x128xf32, #tpu.memory_space<vmem>>[vector<16xi32>, vector<16xi32>], vector<16xf32>,
    %swap3A_800 = arith.constant 352 : index
    %swap3A_801 = tpu.vector_load %arg14[%swap3A_800] {strides = array<i32>} : memref<640xf32, #tpu.memory_space<vmem>>, vector<16xf32>,
    tpu.vector_store %arg14[%swap3A_800], %gather3A_799 {strides = array<i32>} : memref<640xf32, #tpu.memory_space<vmem>>, vector<16xf32>,
    %get3A_802 = arith.constant 368 : index
    %get3A_803 = tpu.vector_load %arg8[%get3A_802] {strides = array<i32>} : memref<640xf32, #tpu.memory_space<vmem>>, vector<16xf32>,
    %convert_element_type3A_804 = arith.fptosi %get3A_803 : vector<16xf32> to vector<16xi32>
    %mul3A_805 = arith.constant 4 : i32
    %mul3A_806 = vector.broadcast %mul3A_805 : i32 to vector<16xi32>
    %mul3A_807 = arith.muli %convert_element_type3A_804, %mul3A_806 : vector<16xi32>
    %add3A_808 = arith.constant 112 : i32
    %add3A_809 = vector.broadcast %add3A_808 : i32 to vector<16xi32>
    %add3A_810 = arith.addi %add3A_809, %iota3A : vector<16xi32>
    %add3A_811 = arith.constant 0 : i32
    %add3A_812 = vector.broadcast %add3A_811 : i32 to vector<16xi32>
    %add3A_813 = arith.addi %mul3A_807, %add3A_812 : vector<16xi32>
    %gather3A_814 = tpu.vector_load_idx %arg9[%add3A_813, %add3A_810] : memref<324x128xf32, #tpu.memory_space<vmem>>[vector<16xi32>, vector<16xi32>], vector<16xf32>,
    %swap3A_815 = arith.constant 368 : index
    %swap3A_816 = tpu.vector_load %arg11[%swap3A_815] {strides = array<i32>} : memref<640xf32, #tpu.memory_space<vmem>>, vector<16xf32>,
    tpu.vector_store %arg11[%swap3A_815], %gather3A_814 {strides = array<i32>} : memref<640xf32, #tpu.memory_space<vmem>>, vector<16xf32>,
    %add3A_817 = arith.constant 1 : i32
    %add3A_818 = vector.broadcast %add3A_817 : i32 to vector<16xi32>
    %add3A_819 = arith.addi %mul3A_807, %add3A_818 : vector<16xi32>
    %gather3A_820 = tpu.vector_load_idx %arg9[%add3A_819, %add3A_810] : memref<324x128xf32, #tpu.memory_space<vmem>>[vector<16xi32>, vector<16xi32>], vector<16xf32>,
    %swap3A_821 = arith.constant 368 : index
    %swap3A_822 = tpu.vector_load %arg12[%swap3A_821] {strides = array<i32>} : memref<640xf32, #tpu.memory_space<vmem>>, vector<16xf32>,
    tpu.vector_store %arg12[%swap3A_821], %gather3A_820 {strides = array<i32>} : memref<640xf32, #tpu.memory_space<vmem>>, vector<16xf32>,
    %add3A_823 = arith.constant 2 : i32
    %add3A_824 = vector.broadcast %add3A_823 : i32 to vector<16xi32>
    %add3A_825 = arith.addi %mul3A_807, %add3A_824 : vector<16xi32>
    %gather3A_826 = tpu.vector_load_idx %arg9[%add3A_825, %add3A_810] : memref<324x128xf32, #tpu.memory_space<vmem>>[vector<16xi32>, vector<16xi32>], vector<16xf32>,
    %swap3A_827 = arith.constant 368 : index
    %swap3A_828 = tpu.vector_load %arg13[%swap3A_827] {strides = array<i32>} : memref<640xf32, #tpu.memory_space<vmem>>, vector<16xf32>,
    tpu.vector_store %arg13[%swap3A_827], %gather3A_826 {strides = array<i32>} : memref<640xf32, #tpu.memory_space<vmem>>, vector<16xf32>,
    %add3A_829 = arith.constant 3 : i32
    %add3A_830 = vector.broadcast %add3A_829 : i32 to vector<16xi32>
    %add3A_831 = arith.addi %mul3A_807, %add3A_830 : vector<16xi32>
    %gather3A_832 = tpu.vector_load_idx %arg9[%add3A_831, %add3A_810] : memref<324x128xf32, #tpu.memory_space<vmem>>[vector<16xi32>, vector<16xi32>], vector<16xf32>,
    %swap3A_833 = arith.constant 368 : index
    %swap3A_834 = tpu.vector_load %arg14[%swap3A_833] {strides = array<i32>} : memref<640xf32, #tpu.memory_space<vmem>>, vector<16xf32>,
    tpu.vector_store %arg14[%swap3A_833], %gather3A_832 {strides = array<i32>} : memref<640xf32, #tpu.memory_space<vmem>>, vector<16xf32>,
    %add3A_835 = arith.constant 512 : i32
    %add3A_836 = arith.addi %mul3A_2, %add3A_835 : i32
    %min3A_837 = arith.constant 19872 : i32
    %min3A_838 = arith.minsi %add3A_836, %min3A_837 : i32
    %multiple_of3A_839 = tpu.assume_multiple %min3A_838, 128 : i32
    %dma_start3A_840 = arith.constant 0 : i32
    %dma_start3A_841 = tpu.memref_slice %arg2[%dma_start3A_840, %multiple_of3A_839] : memref<324x20000xf32, #tpu.memory_space<hbm>> -> memref<324x128xf32, #tpu.memory_space<hbm>>
    %dma_start3A_842 = arith.constant 0 : i32
    %dma_start3A_843 = tpu.memref_slice %arg2[%dma_start3A_842, %multiple_of3A_839] : memref<324x20000xf32, #tpu.memory_space<hbm>> -> memref<324x128xf32, #tpu.memory_space<hbm>>
    tpu.enqueue_dma source(%dma_start3A_843 : memref<324x128xf32, #tpu.memory_space<hbm>>) target(%arg9 : memref<324x128xf32, #tpu.memory_space<vmem>>) target_semaphore(%arg15 : memref<!tpu.dma_semaphore, #tpu.memory_space<semaphore_mem>>)
    %dma_wait3A_844 = arith.constant 0 : i32
    %dma_wait3A_845 = tpu.memref_slice %arg2[%dma_wait3A_844, %multiple_of3A_562] : memref<324x20000xf32, #tpu.memory_space<hbm>> -> memref<324x128xf32, #tpu.memory_space<hbm>>
    %dma_wait3A_846 = arith.constant 0 : i32
    %dma_wait3A_847 = tpu.memref_slice %arg2[%dma_wait3A_846, %multiple_of3A_562] : memref<324x20000xf32, #tpu.memory_space<hbm>> -> memref<324x128xf32, #tpu.memory_space<hbm>>
    tpu.wait_dma2 semaphore(%arg16 : memref<!tpu.dma_semaphore, #tpu.memory_space<semaphore_mem>>) src(%dma_wait3A_847 : memref<324x128xf32, #tpu.memory_space<hbm>>) dst(%arg10 : memref<324x128xf32, #tpu.memory_space<vmem>>)
    %get3A_848 = arith.constant 384 : index
    %get3A_849 = tpu.vector_load %arg8[%get3A_848] {strides = array<i32>} : memref<640xf32, #tpu.memory_space<vmem>>, vector<16xf32>,
    %convert_element_type3A_850 = arith.fptosi %get3A_849 : vector<16xf32> to vector<16xi32>
    %mul3A_851 = arith.constant 4 : i32
    %mul3A_852 = vector.broadcast %mul3A_851 : i32 to vector<16xi32>
    %mul3A_853 = arith.muli %convert_element_type3A_850, %mul3A_852 : vector<16xi32>
    %add3A_854 = arith.constant 0 : i32
    %add3A_855 = vector.broadcast %add3A_854 : i32 to vector<16xi32>
    %add3A_856 = arith.addi %add3A_855, %iota3A : vector<16xi32>
    %add3A_857 = arith.constant 0 : i32
    %add3A_858 = vector.broadcast %add3A_857 : i32 to vector<16xi32>
    %add3A_859 = arith.addi %mul3A_853, %add3A_858 : vector<16xi32>
    %gather3A_860 = tpu.vector_load_idx %arg10[%add3A_859, %add3A_856] : memref<324x128xf32, #tpu.memory_space<vmem>>[vector<16xi32>, vector<16xi32>], vector<16xf32>,
    %swap3A_861 = arith.constant 384 : index
    %swap3A_862 = tpu.vector_load %arg11[%swap3A_861] {strides = array<i32>} : memref<640xf32, #tpu.memory_space<vmem>>, vector<16xf32>,
    tpu.vector_store %arg11[%swap3A_861], %gather3A_860 {strides = array<i32>} : memref<640xf32, #tpu.memory_space<vmem>>, vector<16xf32>,
    %add3A_863 = arith.constant 1 : i32
    %add3A_864 = vector.broadcast %add3A_863 : i32 to vector<16xi32>
    %add3A_865 = arith.addi %mul3A_853, %add3A_864 : vector<16xi32>
    %gather3A_866 = tpu.vector_load_idx %arg10[%add3A_865, %add3A_856] : memref<324x128xf32, #tpu.memory_space<vmem>>[vector<16xi32>, vector<16xi32>], vector<16xf32>,
    %swap3A_867 = arith.constant 384 : index
    %swap3A_868 = tpu.vector_load %arg12[%swap3A_867] {strides = array<i32>} : memref<640xf32, #tpu.memory_space<vmem>>, vector<16xf32>,
    tpu.vector_store %arg12[%swap3A_867], %gather3A_866 {strides = array<i32>} : memref<640xf32, #tpu.memory_space<vmem>>, vector<16xf32>,
    %add3A_869 = arith.constant 2 : i32
    %add3A_870 = vector.broadcast %add3A_869 : i32 to vector<16xi32>
    %add3A_871 = arith.addi %mul3A_853, %add3A_870 : vector<16xi32>
    %gather3A_872 = tpu.vector_load_idx %arg10[%add3A_871, %add3A_856] : memref<324x128xf32, #tpu.memory_space<vmem>>[vector<16xi32>, vector<16xi32>], vector<16xf32>,
    %swap3A_873 = arith.constant 384 : index
    %swap3A_874 = tpu.vector_load %arg13[%swap3A_873] {strides = array<i32>} : memref<640xf32, #tpu.memory_space<vmem>>, vector<16xf32>,
    tpu.vector_store %arg13[%swap3A_873], %gather3A_872 {strides = array<i32>} : memref<640xf32, #tpu.memory_space<vmem>>, vector<16xf32>,
    %add3A_875 = arith.constant 3 : i32
    %add3A_876 = vector.broadcast %add3A_875 : i32 to vector<16xi32>
    %add3A_877 = arith.addi %mul3A_853, %add3A_876 : vector<16xi32>
    %gather3A_878 = tpu.vector_load_idx %arg10[%add3A_877, %add3A_856] : memref<324x128xf32, #tpu.memory_space<vmem>>[vector<16xi32>, vector<16xi32>], vector<16xf32>,
    %swap3A_879 = arith.constant 384 : index
    %swap3A_880 = tpu.vector_load %arg14[%swap3A_879] {strides = array<i32>} : memref<640xf32, #tpu.memory_space<vmem>>, vector<16xf32>,
    tpu.vector_store %arg14[%swap3A_879], %gather3A_878 {strides = array<i32>} : memref<640xf32, #tpu.memory_space<vmem>>, vector<16xf32>,
    %get3A_881 = arith.constant 400 : index
    %get3A_882 = tpu.vector_load %arg8[%get3A_881] {strides = array<i32>} : memref<640xf32, #tpu.memory_space<vmem>>, vector<16xf32>,
    %convert_element_type3A_883 = arith.fptosi %get3A_882 : vector<16xf32> to vector<16xi32>
    %mul3A_884 = arith.constant 4 : i32
    %mul3A_885 = vector.broadcast %mul3A_884 : i32 to vector<16xi32>
    %mul3A_886 = arith.muli %convert_element_type3A_883, %mul3A_885 : vector<16xi32>
    %add3A_887 = arith.constant 16 : i32
    %add3A_888 = vector.broadcast %add3A_887 : i32 to vector<16xi32>
    %add3A_889 = arith.addi %add3A_888, %iota3A : vector<16xi32>
    %add3A_890 = arith.constant 0 : i32
    %add3A_891 = vector.broadcast %add3A_890 : i32 to vector<16xi32>
    %add3A_892 = arith.addi %mul3A_886, %add3A_891 : vector<16xi32>
    %gather3A_893 = tpu.vector_load_idx %arg10[%add3A_892, %add3A_889] : memref<324x128xf32, #tpu.memory_space<vmem>>[vector<16xi32>, vector<16xi32>], vector<16xf32>,
    %swap3A_894 = arith.constant 400 : index
    %swap3A_895 = tpu.vector_load %arg11[%swap3A_894] {strides = array<i32>} : memref<640xf32, #tpu.memory_space<vmem>>, vector<16xf32>,
    tpu.vector_store %arg11[%swap3A_894], %gather3A_893 {strides = array<i32>} : memref<640xf32, #tpu.memory_space<vmem>>, vector<16xf32>,
    %add3A_896 = arith.constant 1 : i32
    %add3A_897 = vector.broadcast %add3A_896 : i32 to vector<16xi32>
    %add3A_898 = arith.addi %mul3A_886, %add3A_897 : vector<16xi32>
    %gather3A_899 = tpu.vector_load_idx %arg10[%add3A_898, %add3A_889] : memref<324x128xf32, #tpu.memory_space<vmem>>[vector<16xi32>, vector<16xi32>], vector<16xf32>,
    %swap3A_900 = arith.constant 400 : index
    %swap3A_901 = tpu.vector_load %arg12[%swap3A_900] {strides = array<i32>} : memref<640xf32, #tpu.memory_space<vmem>>, vector<16xf32>,
    tpu.vector_store %arg12[%swap3A_900], %gather3A_899 {strides = array<i32>} : memref<640xf32, #tpu.memory_space<vmem>>, vector<16xf32>,
    %add3A_902 = arith.constant 2 : i32
    %add3A_903 = vector.broadcast %add3A_902 : i32 to vector<16xi32>
    %add3A_904 = arith.addi %mul3A_886, %add3A_903 : vector<16xi32>
    %gather3A_905 = tpu.vector_load_idx %arg10[%add3A_904, %add3A_889] : memref<324x128xf32, #tpu.memory_space<vmem>>[vector<16xi32>, vector<16xi32>], vector<16xf32>,
    %swap3A_906 = arith.constant 400 : index
    %swap3A_907 = tpu.vector_load %arg13[%swap3A_906] {strides = array<i32>} : memref<640xf32, #tpu.memory_space<vmem>>, vector<16xf32>,
    tpu.vector_store %arg13[%swap3A_906], %gather3A_905 {strides = array<i32>} : memref<640xf32, #tpu.memory_space<vmem>>, vector<16xf32>,
    %add3A_908 = arith.constant 3 : i32
    %add3A_909 = vector.broadcast %add3A_908 : i32 to vector<16xi32>
    %add3A_910 = arith.addi %mul3A_886, %add3A_909 : vector<16xi32>
    %gather3A_911 = tpu.vector_load_idx %arg10[%add3A_910, %add3A_889] : memref<324x128xf32, #tpu.memory_space<vmem>>[vector<16xi32>, vector<16xi32>], vector<16xf32>,
    %swap3A_912 = arith.constant 400 : index
    %swap3A_913 = tpu.vector_load %arg14[%swap3A_912] {strides = array<i32>} : memref<640xf32, #tpu.memory_space<vmem>>, vector<16xf32>,
    tpu.vector_store %arg14[%swap3A_912], %gather3A_911 {strides = array<i32>} : memref<640xf32, #tpu.memory_space<vmem>>, vector<16xf32>,
    %get3A_914 = arith.constant 416 : index
    %get3A_915 = tpu.vector_load %arg8[%get3A_914] {strides = array<i32>} : memref<640xf32, #tpu.memory_space<vmem>>, vector<16xf32>,
    %convert_element_type3A_916 = arith.fptosi %get3A_915 : vector<16xf32> to vector<16xi32>
    %mul3A_917 = arith.constant 4 : i32
    %mul3A_918 = vector.broadcast %mul3A_917 : i32 to vector<16xi32>
    %mul3A_919 = arith.muli %convert_element_type3A_916, %mul3A_918 : vector<16xi32>
    %add3A_920 = arith.constant 32 : i32
    %add3A_921 = vector.broadcast %add3A_920 : i32 to vector<16xi32>
    %add3A_922 = arith.addi %add3A_921, %iota3A : vector<16xi32>
    %add3A_923 = arith.constant 0 : i32
    %add3A_924 = vector.broadcast %add3A_923 : i32 to vector<16xi32>
    %add3A_925 = arith.addi %mul3A_919, %add3A_924 : vector<16xi32>
    %gather3A_926 = tpu.vector_load_idx %arg10[%add3A_925, %add3A_922] : memref<324x128xf32, #tpu.memory_space<vmem>>[vector<16xi32>, vector<16xi32>], vector<16xf32>,
    %swap3A_927 = arith.constant 416 : index
    %swap3A_928 = tpu.vector_load %arg11[%swap3A_927] {strides = array<i32>} : memref<640xf32, #tpu.memory_space<vmem>>, vector<16xf32>,
    tpu.vector_store %arg11[%swap3A_927], %gather3A_926 {strides = array<i32>} : memref<640xf32, #tpu.memory_space<vmem>>, vector<16xf32>,
    %add3A_929 = arith.constant 1 : i32
    %add3A_930 = vector.broadcast %add3A_929 : i32 to vector<16xi32>
    %add3A_931 = arith.addi %mul3A_919, %add3A_930 : vector<16xi32>
    %gather3A_932 = tpu.vector_load_idx %arg10[%add3A_931, %add3A_922] : memref<324x128xf32, #tpu.memory_space<vmem>>[vector<16xi32>, vector<16xi32>], vector<16xf32>,
    %swap3A_933 = arith.constant 416 : index
    %swap3A_934 = tpu.vector_load %arg12[%swap3A_933] {strides = array<i32>} : memref<640xf32, #tpu.memory_space<vmem>>, vector<16xf32>,
    tpu.vector_store %arg12[%swap3A_933], %gather3A_932 {strides = array<i32>} : memref<640xf32, #tpu.memory_space<vmem>>, vector<16xf32>,
    %add3A_935 = arith.constant 2 : i32
    %add3A_936 = vector.broadcast %add3A_935 : i32 to vector<16xi32>
    %add3A_937 = arith.addi %mul3A_919, %add3A_936 : vector<16xi32>
    %gather3A_938 = tpu.vector_load_idx %arg10[%add3A_937, %add3A_922] : memref<324x128xf32, #tpu.memory_space<vmem>>[vector<16xi32>, vector<16xi32>], vector<16xf32>,
    %swap3A_939 = arith.constant 416 : index
    %swap3A_940 = tpu.vector_load %arg13[%swap3A_939] {strides = array<i32>} : memref<640xf32, #tpu.memory_space<vmem>>, vector<16xf32>,
    tpu.vector_store %arg13[%swap3A_939], %gather3A_938 {strides = array<i32>} : memref<640xf32, #tpu.memory_space<vmem>>, vector<16xf32>,
    %add3A_941 = arith.constant 3 : i32
    %add3A_942 = vector.broadcast %add3A_941 : i32 to vector<16xi32>
    %add3A_943 = arith.addi %mul3A_919, %add3A_942 : vector<16xi32>
    %gather3A_944 = tpu.vector_load_idx %arg10[%add3A_943, %add3A_922] : memref<324x128xf32, #tpu.memory_space<vmem>>[vector<16xi32>, vector<16xi32>], vector<16xf32>,
    %swap3A_945 = arith.constant 416 : index
    %swap3A_946 = tpu.vector_load %arg14[%swap3A_945] {strides = array<i32>} : memref<640xf32, #tpu.memory_space<vmem>>, vector<16xf32>,
    tpu.vector_store %arg14[%swap3A_945], %gather3A_944 {strides = array<i32>} : memref<640xf32, #tpu.memory_space<vmem>>, vector<16xf32>,
    %get3A_947 = arith.constant 432 : index
    %get3A_948 = tpu.vector_load %arg8[%get3A_947] {strides = array<i32>} : memref<640xf32, #tpu.memory_space<vmem>>, vector<16xf32>,
    %convert_element_type3A_949 = arith.fptosi %get3A_948 : vector<16xf32> to vector<16xi32>
    %mul3A_950 = arith.constant 4 : i32
    %mul3A_951 = vector.broadcast %mul3A_950 : i32 to vector<16xi32>
    %mul3A_952 = arith.muli %convert_element_type3A_949, %mul3A_951 : vector<16xi32>
    %add3A_953 = arith.constant 48 : i32
    %add3A_954 = vector.broadcast %add3A_953 : i32 to vector<16xi32>
    %add3A_955 = arith.addi %add3A_954, %iota3A : vector<16xi32>
    %add3A_956 = arith.constant 0 : i32
    %add3A_957 = vector.broadcast %add3A_956 : i32 to vector<16xi32>
    %add3A_958 = arith.addi %mul3A_952, %add3A_957 : vector<16xi32>
    %gather3A_959 = tpu.vector_load_idx %arg10[%add3A_958, %add3A_955] : memref<324x128xf32, #tpu.memory_space<vmem>>[vector<16xi32>, vector<16xi32>], vector<16xf32>,
    %swap3A_960 = arith.constant 432 : index
    %swap3A_961 = tpu.vector_load %arg11[%swap3A_960] {strides = array<i32>} : memref<640xf32, #tpu.memory_space<vmem>>, vector<16xf32>,
    tpu.vector_store %arg11[%swap3A_960], %gather3A_959 {strides = array<i32>} : memref<640xf32, #tpu.memory_space<vmem>>, vector<16xf32>,
    %add3A_962 = arith.constant 1 : i32
    %add3A_963 = vector.broadcast %add3A_962 : i32 to vector<16xi32>
    %add3A_964 = arith.addi %mul3A_952, %add3A_963 : vector<16xi32>
    %gather3A_965 = tpu.vector_load_idx %arg10[%add3A_964, %add3A_955] : memref<324x128xf32, #tpu.memory_space<vmem>>[vector<16xi32>, vector<16xi32>], vector<16xf32>,
    %swap3A_966 = arith.constant 432 : index
    %swap3A_967 = tpu.vector_load %arg12[%swap3A_966] {strides = array<i32>} : memref<640xf32, #tpu.memory_space<vmem>>, vector<16xf32>,
    tpu.vector_store %arg12[%swap3A_966], %gather3A_965 {strides = array<i32>} : memref<640xf32, #tpu.memory_space<vmem>>, vector<16xf32>,
    %add3A_968 = arith.constant 2 : i32
    %add3A_969 = vector.broadcast %add3A_968 : i32 to vector<16xi32>
    %add3A_970 = arith.addi %mul3A_952, %add3A_969 : vector<16xi32>
    %gather3A_971 = tpu.vector_load_idx %arg10[%add3A_970, %add3A_955] : memref<324x128xf32, #tpu.memory_space<vmem>>[vector<16xi32>, vector<16xi32>], vector<16xf32>,
    %swap3A_972 = arith.constant 432 : index
    %swap3A_973 = tpu.vector_load %arg13[%swap3A_972] {strides = array<i32>} : memref<640xf32, #tpu.memory_space<vmem>>, vector<16xf32>,
    tpu.vector_store %arg13[%swap3A_972], %gather3A_971 {strides = array<i32>} : memref<640xf32, #tpu.memory_space<vmem>>, vector<16xf32>,
    %add3A_974 = arith.constant 3 : i32
    %add3A_975 = vector.broadcast %add3A_974 : i32 to vector<16xi32>
    %add3A_976 = arith.addi %mul3A_952, %add3A_975 : vector<16xi32>
    %gather3A_977 = tpu.vector_load_idx %arg10[%add3A_976, %add3A_955] : memref<324x128xf32, #tpu.memory_space<vmem>>[vector<16xi32>, vector<16xi32>], vector<16xf32>,
    %swap3A_978 = arith.constant 432 : index
    %swap3A_979 = tpu.vector_load %arg14[%swap3A_978] {strides = array<i32>} : memref<640xf32, #tpu.memory_space<vmem>>, vector<16xf32>,
    tpu.vector_store %arg14[%swap3A_978], %gather3A_977 {strides = array<i32>} : memref<640xf32, #tpu.memory_space<vmem>>, vector<16xf32>,
    %get3A_980 = arith.constant 448 : index
    %get3A_981 = tpu.vector_load %arg8[%get3A_980] {strides = array<i32>} : memref<640xf32, #tpu.memory_space<vmem>>, vector<16xf32>,
    %convert_element_type3A_982 = arith.fptosi %get3A_981 : vector<16xf32> to vector<16xi32>
    %mul3A_983 = arith.constant 4 : i32
    %mul3A_984 = vector.broadcast %mul3A_983 : i32 to vector<16xi32>
    %mul3A_985 = arith.muli %convert_element_type3A_982, %mul3A_984 : vector<16xi32>
    %add3A_986 = arith.constant 64 : i32
    %add3A_987 = vector.broadcast %add3A_986 : i32 to vector<16xi32>
    %add3A_988 = arith.addi %add3A_987, %iota3A : vector<16xi32>
    %add3A_989 = arith.constant 0 : i32
    %add3A_990 = vector.broadcast %add3A_989 : i32 to vector<16xi32>
    %add3A_991 = arith.addi %mul3A_985, %add3A_990 : vector<16xi32>
    %gather3A_992 = tpu.vector_load_idx %arg10[%add3A_991, %add3A_988] : memref<324x128xf32, #tpu.memory_space<vmem>>[vector<16xi32>, vector<16xi32>], vector<16xf32>,
    %swap3A_993 = arith.constant 448 : index
    %swap3A_994 = tpu.vector_load %arg11[%swap3A_993] {strides = array<i32>} : memref<640xf32, #tpu.memory_space<vmem>>, vector<16xf32>,
    tpu.vector_store %arg11[%swap3A_993], %gather3A_992 {strides = array<i32>} : memref<640xf32, #tpu.memory_space<vmem>>, vector<16xf32>,
    %add3A_995 = arith.constant 1 : i32
    %add3A_996 = vector.broadcast %add3A_995 : i32 to vector<16xi32>
    %add3A_997 = arith.addi %mul3A_985, %add3A_996 : vector<16xi32>
    %gather3A_998 = tpu.vector_load_idx %arg10[%add3A_997, %add3A_988] : memref<324x128xf32, #tpu.memory_space<vmem>>[vector<16xi32>, vector<16xi32>], vector<16xf32>,
    %swap3A_999 = arith.constant 448 : index
    %swap3A_1000 = tpu.vector_load %arg12[%swap3A_999] {strides = array<i32>} : memref<640xf32, #tpu.memory_space<vmem>>, vector<16xf32>,
    tpu.vector_store %arg12[%swap3A_999], %gather3A_998 {strides = array<i32>} : memref<640xf32, #tpu.memory_space<vmem>>, vector<16xf32>,
    %add3A_1001 = arith.constant 2 : i32
    %add3A_1002 = vector.broadcast %add3A_1001 : i32 to vector<16xi32>
    %add3A_1003 = arith.addi %mul3A_985, %add3A_1002 : vector<16xi32>
    %gather3A_1004 = tpu.vector_load_idx %arg10[%add3A_1003, %add3A_988] : memref<324x128xf32, #tpu.memory_space<vmem>>[vector<16xi32>, vector<16xi32>], vector<16xf32>,
    %swap3A_1005 = arith.constant 448 : index
    %swap3A_1006 = tpu.vector_load %arg13[%swap3A_1005] {strides = array<i32>} : memref<640xf32, #tpu.memory_space<vmem>>, vector<16xf32>,
    tpu.vector_store %arg13[%swap3A_1005], %gather3A_1004 {strides = array<i32>} : memref<640xf32, #tpu.memory_space<vmem>>, vector<16xf32>,
    %add3A_1007 = arith.constant 3 : i32
    %add3A_1008 = vector.broadcast %add3A_1007 : i32 to vector<16xi32>
    %add3A_1009 = arith.addi %mul3A_985, %add3A_1008 : vector<16xi32>
    %gather3A_1010 = tpu.vector_load_idx %arg10[%add3A_1009, %add3A_988] : memref<324x128xf32, #tpu.memory_space<vmem>>[vector<16xi32>, vector<16xi32>], vector<16xf32>,
    %swap3A_1011 = arith.constant 448 : index
    %swap3A_1012 = tpu.vector_load %arg14[%swap3A_1011] {strides = array<i32>} : memref<640xf32, #tpu.memory_space<vmem>>, vector<16xf32>,
    tpu.vector_store %arg14[%swap3A_1011], %gather3A_1010 {strides = array<i32>} : memref<640xf32, #tpu.memory_space<vmem>>, vector<16xf32>,
    %get3A_1013 = arith.constant 464 : index
    %get3A_1014 = tpu.vector_load %arg8[%get3A_1013] {strides = array<i32>} : memref<640xf32, #tpu.memory_space<vmem>>, vector<16xf32>,
    %convert_element_type3A_1015 = arith.fptosi %get3A_1014 : vector<16xf32> to vector<16xi32>
    %mul3A_1016 = arith.constant 4 : i32
    %mul3A_1017 = vector.broadcast %mul3A_1016 : i32 to vector<16xi32>
    %mul3A_1018 = arith.muli %convert_element_type3A_1015, %mul3A_1017 : vector<16xi32>
    %add3A_1019 = arith.constant 80 : i32
    %add3A_1020 = vector.broadcast %add3A_1019 : i32 to vector<16xi32>
    %add3A_1021 = arith.addi %add3A_1020, %iota3A : vector<16xi32>
    %add3A_1022 = arith.constant 0 : i32
    %add3A_1023 = vector.broadcast %add3A_1022 : i32 to vector<16xi32>
    %add3A_1024 = arith.addi %mul3A_1018, %add3A_1023 : vector<16xi32>
    %gather3A_1025 = tpu.vector_load_idx %arg10[%add3A_1024, %add3A_1021] : memref<324x128xf32, #tpu.memory_space<vmem>>[vector<16xi32>, vector<16xi32>], vector<16xf32>,
    %swap3A_1026 = arith.constant 464 : index
    %swap3A_1027 = tpu.vector_load %arg11[%swap3A_1026] {strides = array<i32>} : memref<640xf32, #tpu.memory_space<vmem>>, vector<16xf32>,
    tpu.vector_store %arg11[%swap3A_1026], %gather3A_1025 {strides = array<i32>} : memref<640xf32, #tpu.memory_space<vmem>>, vector<16xf32>,
    %add3A_1028 = arith.constant 1 : i32
    %add3A_1029 = vector.broadcast %add3A_1028 : i32 to vector<16xi32>
    %add3A_1030 = arith.addi %mul3A_1018, %add3A_1029 : vector<16xi32>
    %gather3A_1031 = tpu.vector_load_idx %arg10[%add3A_1030, %add3A_1021] : memref<324x128xf32, #tpu.memory_space<vmem>>[vector<16xi32>, vector<16xi32>], vector<16xf32>,
    %swap3A_1032 = arith.constant 464 : index
    %swap3A_1033 = tpu.vector_load %arg12[%swap3A_1032] {strides = array<i32>} : memref<640xf32, #tpu.memory_space<vmem>>, vector<16xf32>,
    tpu.vector_store %arg12[%swap3A_1032], %gather3A_1031 {strides = array<i32>} : memref<640xf32, #tpu.memory_space<vmem>>, vector<16xf32>,
    %add3A_1034 = arith.constant 2 : i32
    %add3A_1035 = vector.broadcast %add3A_1034 : i32 to vector<16xi32>
    %add3A_1036 = arith.addi %mul3A_1018, %add3A_1035 : vector<16xi32>
    %gather3A_1037 = tpu.vector_load_idx %arg10[%add3A_1036, %add3A_1021] : memref<324x128xf32, #tpu.memory_space<vmem>>[vector<16xi32>, vector<16xi32>], vector<16xf32>,
    %swap3A_1038 = arith.constant 464 : index
    %swap3A_1039 = tpu.vector_load %arg13[%swap3A_1038] {strides = array<i32>} : memref<640xf32, #tpu.memory_space<vmem>>, vector<16xf32>,
    tpu.vector_store %arg13[%swap3A_1038], %gather3A_1037 {strides = array<i32>} : memref<640xf32, #tpu.memory_space<vmem>>, vector<16xf32>,
    %add3A_1040 = arith.constant 3 : i32
    %add3A_1041 = vector.broadcast %add3A_1040 : i32 to vector<16xi32>
    %add3A_1042 = arith.addi %mul3A_1018, %add3A_1041 : vector<16xi32>
    %gather3A_1043 = tpu.vector_load_idx %arg10[%add3A_1042, %add3A_1021] : memref<324x128xf32, #tpu.memory_space<vmem>>[vector<16xi32>, vector<16xi32>], vector<16xf32>,
    %swap3A_1044 = arith.constant 464 : index
    %swap3A_1045 = tpu.vector_load %arg14[%swap3A_1044] {strides = array<i32>} : memref<640xf32, #tpu.memory_space<vmem>>, vector<16xf32>,
    tpu.vector_store %arg14[%swap3A_1044], %gather3A_1043 {strides = array<i32>} : memref<640xf32, #tpu.memory_space<vmem>>, vector<16xf32>,
    %get3A_1046 = arith.constant 480 : index
    %get3A_1047 = tpu.vector_load %arg8[%get3A_1046] {strides = array<i32>} : memref<640xf32, #tpu.memory_space<vmem>>, vector<16xf32>,
    %convert_element_type3A_1048 = arith.fptosi %get3A_1047 : vector<16xf32> to vector<16xi32>
    %mul3A_1049 = arith.constant 4 : i32
    %mul3A_1050 = vector.broadcast %mul3A_1049 : i32 to vector<16xi32>
    %mul3A_1051 = arith.muli %convert_element_type3A_1048, %mul3A_1050 : vector<16xi32>
    %add3A_1052 = arith.constant 96 : i32
    %add3A_1053 = vector.broadcast %add3A_1052 : i32 to vector<16xi32>
    %add3A_1054 = arith.addi %add3A_1053, %iota3A : vector<16xi32>
    %add3A_1055 = arith.constant 0 : i32
    %add3A_1056 = vector.broadcast %add3A_1055 : i32 to vector<16xi32>
    %add3A_1057 = arith.addi %mul3A_1051, %add3A_1056 : vector<16xi32>
    %gather3A_1058 = tpu.vector_load_idx %arg10[%add3A_1057, %add3A_1054] : memref<324x128xf32, #tpu.memory_space<vmem>>[vector<16xi32>, vector<16xi32>], vector<16xf32>,
    %swap3A_1059 = arith.constant 480 : index
    %swap3A_1060 = tpu.vector_load %arg11[%swap3A_1059] {strides = array<i32>} : memref<640xf32, #tpu.memory_space<vmem>>, vector<16xf32>,
    tpu.vector_store %arg11[%swap3A_1059], %gather3A_1058 {strides = array<i32>} : memref<640xf32, #tpu.memory_space<vmem>>, vector<16xf32>,
    %add3A_1061 = arith.constant 1 : i32
    %add3A_1062 = vector.broadcast %add3A_1061 : i32 to vector<16xi32>
    %add3A_1063 = arith.addi %mul3A_1051, %add3A_1062 : vector<16xi32>
    %gather3A_1064 = tpu.vector_load_idx %arg10[%add3A_1063, %add3A_1054] : memref<324x128xf32, #tpu.memory_space<vmem>>[vector<16xi32>, vector<16xi32>], vector<16xf32>,
    %swap3A_1065 = arith.constant 480 : index
    %swap3A_1066 = tpu.vector_load %arg12[%swap3A_1065] {strides = array<i32>} : memref<640xf32, #tpu.memory_space<vmem>>, vector<16xf32>,
    tpu.vector_store %arg12[%swap3A_1065], %gather3A_1064 {strides = array<i32>} : memref<640xf32, #tpu.memory_space<vmem>>, vector<16xf32>,
    %add3A_1067 = arith.constant 2 : i32
    %add3A_1068 = vector.broadcast %add3A_1067 : i32 to vector<16xi32>
    %add3A_1069 = arith.addi %mul3A_1051, %add3A_1068 : vector<16xi32>
    %gather3A_1070 = tpu.vector_load_idx %arg10[%add3A_1069, %add3A_1054] : memref<324x128xf32, #tpu.memory_space<vmem>>[vector<16xi32>, vector<16xi32>], vector<16xf32>,
    %swap3A_1071 = arith.constant 480 : index
    %swap3A_1072 = tpu.vector_load %arg13[%swap3A_1071] {strides = array<i32>} : memref<640xf32, #tpu.memory_space<vmem>>, vector<16xf32>,
    tpu.vector_store %arg13[%swap3A_1071], %gather3A_1070 {strides = array<i32>} : memref<640xf32, #tpu.memory_space<vmem>>, vector<16xf32>,
    %add3A_1073 = arith.constant 3 : i32
    %add3A_1074 = vector.broadcast %add3A_1073 : i32 to vector<16xi32>
    %add3A_1075 = arith.addi %mul3A_1051, %add3A_1074 : vector<16xi32>
    %gather3A_1076 = tpu.vector_load_idx %arg10[%add3A_1075, %add3A_1054] : memref<324x128xf32, #tpu.memory_space<vmem>>[vector<16xi32>, vector<16xi32>], vector<16xf32>,
    %swap3A_1077 = arith.constant 480 : index
    %swap3A_1078 = tpu.vector_load %arg14[%swap3A_1077] {strides = array<i32>} : memref<640xf32, #tpu.memory_space<vmem>>, vector<16xf32>,
    tpu.vector_store %arg14[%swap3A_1077], %gather3A_1076 {strides = array<i32>} : memref<640xf32, #tpu.memory_space<vmem>>, vector<16xf32>,
    %get3A_1079 = arith.constant 496 : index
    %get3A_1080 = tpu.vector_load %arg8[%get3A_1079] {strides = array<i32>} : memref<640xf32, #tpu.memory_space<vmem>>, vector<16xf32>,
    %convert_element_type3A_1081 = arith.fptosi %get3A_1080 : vector<16xf32> to vector<16xi32>
    %mul3A_1082 = arith.constant 4 : i32
    %mul3A_1083 = vector.broadcast %mul3A_1082 : i32 to vector<16xi32>
    %mul3A_1084 = arith.muli %convert_element_type3A_1081, %mul3A_1083 : vector<16xi32>
    %add3A_1085 = arith.constant 112 : i32
    %add3A_1086 = vector.broadcast %add3A_1085 : i32 to vector<16xi32>
    %add3A_1087 = arith.addi %add3A_1086, %iota3A : vector<16xi32>
    %add3A_1088 = arith.constant 0 : i32
    %add3A_1089 = vector.broadcast %add3A_1088 : i32 to vector<16xi32>
    %add3A_1090 = arith.addi %mul3A_1084, %add3A_1089 : vector<16xi32>
    %gather3A_1091 = tpu.vector_load_idx %arg10[%add3A_1090, %add3A_1087] : memref<324x128xf32, #tpu.memory_space<vmem>>[vector<16xi32>, vector<16xi32>], vector<16xf32>,
    %swap3A_1092 = arith.constant 496 : index
    %swap3A_1093 = tpu.vector_load %arg11[%swap3A_1092] {strides = array<i32>} : memref<640xf32, #tpu.memory_space<vmem>>, vector<16xf32>,
    tpu.vector_store %arg11[%swap3A_1092], %gather3A_1091 {strides = array<i32>} : memref<640xf32, #tpu.memory_space<vmem>>, vector<16xf32>,
    %add3A_1094 = arith.constant 1 : i32
    %add3A_1095 = vector.broadcast %add3A_1094 : i32 to vector<16xi32>
    %add3A_1096 = arith.addi %mul3A_1084, %add3A_1095 : vector<16xi32>
    %gather3A_1097 = tpu.vector_load_idx %arg10[%add3A_1096, %add3A_1087] : memref<324x128xf32, #tpu.memory_space<vmem>>[vector<16xi32>, vector<16xi32>], vector<16xf32>,
    %swap3A_1098 = arith.constant 496 : index
    %swap3A_1099 = tpu.vector_load %arg12[%swap3A_1098] {strides = array<i32>} : memref<640xf32, #tpu.memory_space<vmem>>, vector<16xf32>,
    tpu.vector_store %arg12[%swap3A_1098], %gather3A_1097 {strides = array<i32>} : memref<640xf32, #tpu.memory_space<vmem>>, vector<16xf32>,
    %add3A_1100 = arith.constant 2 : i32
    %add3A_1101 = vector.broadcast %add3A_1100 : i32 to vector<16xi32>
    %add3A_1102 = arith.addi %mul3A_1084, %add3A_1101 : vector<16xi32>
    %gather3A_1103 = tpu.vector_load_idx %arg10[%add3A_1102, %add3A_1087] : memref<324x128xf32, #tpu.memory_space<vmem>>[vector<16xi32>, vector<16xi32>], vector<16xf32>,
    %swap3A_1104 = arith.constant 496 : index
    %swap3A_1105 = tpu.vector_load %arg13[%swap3A_1104] {strides = array<i32>} : memref<640xf32, #tpu.memory_space<vmem>>, vector<16xf32>,
    tpu.vector_store %arg13[%swap3A_1104], %gather3A_1103 {strides = array<i32>} : memref<640xf32, #tpu.memory_space<vmem>>, vector<16xf32>,
    %add3A_1106 = arith.constant 3 : i32
    %add3A_1107 = vector.broadcast %add3A_1106 : i32 to vector<16xi32>
    %add3A_1108 = arith.addi %mul3A_1084, %add3A_1107 : vector<16xi32>
    %gather3A_1109 = tpu.vector_load_idx %arg10[%add3A_1108, %add3A_1087] : memref<324x128xf32, #tpu.memory_space<vmem>>[vector<16xi32>, vector<16xi32>], vector<16xf32>,
    %swap3A_1110 = arith.constant 496 : index
    %swap3A_1111 = tpu.vector_load %arg14[%swap3A_1110] {strides = array<i32>} : memref<640xf32, #tpu.memory_space<vmem>>, vector<16xf32>,
    tpu.vector_store %arg14[%swap3A_1110], %gather3A_1109 {strides = array<i32>} : memref<640xf32, #tpu.memory_space<vmem>>, vector<16xf32>,
    %dma_wait3A_1112 = arith.constant 0 : i32
    %dma_wait3A_1113 = tpu.memref_slice %arg2[%dma_wait3A_1112, %multiple_of3A_839] : memref<324x20000xf32, #tpu.memory_space<hbm>> -> memref<324x128xf32, #tpu.memory_space<hbm>>
    %dma_wait3A_1114 = arith.constant 0 : i32
    %dma_wait3A_1115 = tpu.memref_slice %arg2[%dma_wait3A_1114, %multiple_of3A_839] : memref<324x20000xf32, #tpu.memory_space<hbm>> -> memref<324x128xf32, #tpu.memory_space<hbm>>
    tpu.wait_dma2 semaphore(%arg15 : memref<!tpu.dma_semaphore, #tpu.memory_space<semaphore_mem>>) src(%dma_wait3A_1115 : memref<324x128xf32, #tpu.memory_space<hbm>>) dst(%arg9 : memref<324x128xf32, #tpu.memory_space<vmem>>)
    %get3A_1116 = arith.constant 512 : index
    %get3A_1117 = tpu.vector_load %arg8[%get3A_1116] {strides = array<i32>} : memref<640xf32, #tpu.memory_space<vmem>>, vector<16xf32>,
    %convert_element_type3A_1118 = arith.fptosi %get3A_1117 : vector<16xf32> to vector<16xi32>
    %mul3A_1119 = arith.constant 4 : i32
    %mul3A_1120 = vector.broadcast %mul3A_1119 : i32 to vector<16xi32>
    %mul3A_1121 = arith.muli %convert_element_type3A_1118, %mul3A_1120 : vector<16xi32>
    %add3A_1122 = arith.constant 0 : i32
    %add3A_1123 = vector.broadcast %add3A_1122 : i32 to vector<16xi32>
    %add3A_1124 = arith.addi %add3A_1123, %iota3A : vector<16xi32>
    %add3A_1125 = arith.constant 0 : i32
    %add3A_1126 = vector.broadcast %add3A_1125 : i32 to vector<16xi32>
    %add3A_1127 = arith.addi %mul3A_1121, %add3A_1126 : vector<16xi32>
    %gather3A_1128 = tpu.vector_load_idx %arg9[%add3A_1127, %add3A_1124] : memref<324x128xf32, #tpu.memory_space<vmem>>[vector<16xi32>, vector<16xi32>], vector<16xf32>,
    %swap3A_1129 = arith.constant 512 : index
    %swap3A_1130 = tpu.vector_load %arg11[%swap3A_1129] {strides = array<i32>} : memref<640xf32, #tpu.memory_space<vmem>>, vector<16xf32>,
    tpu.vector_store %arg11[%swap3A_1129], %gather3A_1128 {strides = array<i32>} : memref<640xf32, #tpu.memory_space<vmem>>, vector<16xf32>,
    %add3A_1131 = arith.constant 1 : i32
    %add3A_1132 = vector.broadcast %add3A_1131 : i32 to vector<16xi32>
    %add3A_1133 = arith.addi %mul3A_1121, %add3A_1132 : vector<16xi32>
    %gather3A_1134 = tpu.vector_load_idx %arg9[%add3A_1133, %add3A_1124] : memref<324x128xf32, #tpu.memory_space<vmem>>[vector<16xi32>, vector<16xi32>], vector<16xf32>,
    %swap3A_1135 = arith.constant 512 : index
    %swap3A_1136 = tpu.vector_load %arg12[%swap3A_1135] {strides = array<i32>} : memref<640xf32, #tpu.memory_space<vmem>>, vector<16xf32>,
    tpu.vector_store %arg12[%swap3A_1135], %gather3A_1134 {strides = array<i32>} : memref<640xf32, #tpu.memory_space<vmem>>, vector<16xf32>,
    %add3A_1137 = arith.constant 2 : i32
    %add3A_1138 = vector.broadcast %add3A_1137 : i32 to vector<16xi32>
    %add3A_1139 = arith.addi %mul3A_1121, %add3A_1138 : vector<16xi32>
    %gather3A_1140 = tpu.vector_load_idx %arg9[%add3A_1139, %add3A_1124] : memref<324x128xf32, #tpu.memory_space<vmem>>[vector<16xi32>, vector<16xi32>], vector<16xf32>,
    %swap3A_1141 = arith.constant 512 : index
    %swap3A_1142 = tpu.vector_load %arg13[%swap3A_1141] {strides = array<i32>} : memref<640xf32, #tpu.memory_space<vmem>>, vector<16xf32>,
    tpu.vector_store %arg13[%swap3A_1141], %gather3A_1140 {strides = array<i32>} : memref<640xf32, #tpu.memory_space<vmem>>, vector<16xf32>,
    %add3A_1143 = arith.constant 3 : i32
    %add3A_1144 = vector.broadcast %add3A_1143 : i32 to vector<16xi32>
    %add3A_1145 = arith.addi %mul3A_1121, %add3A_1144 : vector<16xi32>
    %gather3A_1146 = tpu.vector_load_idx %arg9[%add3A_1145, %add3A_1124] : memref<324x128xf32, #tpu.memory_space<vmem>>[vector<16xi32>, vector<16xi32>], vector<16xf32>,
    %swap3A_1147 = arith.constant 512 : index
    %swap3A_1148 = tpu.vector_load %arg14[%swap3A_1147] {strides = array<i32>} : memref<640xf32, #tpu.memory_space<vmem>>, vector<16xf32>,
    tpu.vector_store %arg14[%swap3A_1147], %gather3A_1146 {strides = array<i32>} : memref<640xf32, #tpu.memory_space<vmem>>, vector<16xf32>,
    %get3A_1149 = arith.constant 528 : index
    %get3A_1150 = tpu.vector_load %arg8[%get3A_1149] {strides = array<i32>} : memref<640xf32, #tpu.memory_space<vmem>>, vector<16xf32>,
    %convert_element_type3A_1151 = arith.fptosi %get3A_1150 : vector<16xf32> to vector<16xi32>
    %mul3A_1152 = arith.constant 4 : i32
    %mul3A_1153 = vector.broadcast %mul3A_1152 : i32 to vector<16xi32>
    %mul3A_1154 = arith.muli %convert_element_type3A_1151, %mul3A_1153 : vector<16xi32>
    %add3A_1155 = arith.constant 16 : i32
    %add3A_1156 = vector.broadcast %add3A_1155 : i32 to vector<16xi32>
    %add3A_1157 = arith.addi %add3A_1156, %iota3A : vector<16xi32>
    %add3A_1158 = arith.constant 0 : i32
    %add3A_1159 = vector.broadcast %add3A_1158 : i32 to vector<16xi32>
    %add3A_1160 = arith.addi %mul3A_1154, %add3A_1159 : vector<16xi32>
    %gather3A_1161 = tpu.vector_load_idx %arg9[%add3A_1160, %add3A_1157] : memref<324x128xf32, #tpu.memory_space<vmem>>[vector<16xi32>, vector<16xi32>], vector<16xf32>,
    %swap3A_1162 = arith.constant 528 : index
    %swap3A_1163 = tpu.vector_load %arg11[%swap3A_1162] {strides = array<i32>} : memref<640xf32, #tpu.memory_space<vmem>>, vector<16xf32>,
    tpu.vector_store %arg11[%swap3A_1162], %gather3A_1161 {strides = array<i32>} : memref<640xf32, #tpu.memory_space<vmem>>, vector<16xf32>,
    %add3A_1164 = arith.constant 1 : i32
    %add3A_1165 = vector.broadcast %add3A_1164 : i32 to vector<16xi32>
    %add3A_1166 = arith.addi %mul3A_1154, %add3A_1165 : vector<16xi32>
    %gather3A_1167 = tpu.vector_load_idx %arg9[%add3A_1166, %add3A_1157] : memref<324x128xf32, #tpu.memory_space<vmem>>[vector<16xi32>, vector<16xi32>], vector<16xf32>,
    %swap3A_1168 = arith.constant 528 : index
    %swap3A_1169 = tpu.vector_load %arg12[%swap3A_1168] {strides = array<i32>} : memref<640xf32, #tpu.memory_space<vmem>>, vector<16xf32>,
    tpu.vector_store %arg12[%swap3A_1168], %gather3A_1167 {strides = array<i32>} : memref<640xf32, #tpu.memory_space<vmem>>, vector<16xf32>,
    %add3A_1170 = arith.constant 2 : i32
    %add3A_1171 = vector.broadcast %add3A_1170 : i32 to vector<16xi32>
    %add3A_1172 = arith.addi %mul3A_1154, %add3A_1171 : vector<16xi32>
    %gather3A_1173 = tpu.vector_load_idx %arg9[%add3A_1172, %add3A_1157] : memref<324x128xf32, #tpu.memory_space<vmem>>[vector<16xi32>, vector<16xi32>], vector<16xf32>,
    %swap3A_1174 = arith.constant 528 : index
    %swap3A_1175 = tpu.vector_load %arg13[%swap3A_1174] {strides = array<i32>} : memref<640xf32, #tpu.memory_space<vmem>>, vector<16xf32>,
    tpu.vector_store %arg13[%swap3A_1174], %gather3A_1173 {strides = array<i32>} : memref<640xf32, #tpu.memory_space<vmem>>, vector<16xf32>,
    %add3A_1176 = arith.constant 3 : i32
    %add3A_1177 = vector.broadcast %add3A_1176 : i32 to vector<16xi32>
    %add3A_1178 = arith.addi %mul3A_1154, %add3A_1177 : vector<16xi32>
    %gather3A_1179 = tpu.vector_load_idx %arg9[%add3A_1178, %add3A_1157] : memref<324x128xf32, #tpu.memory_space<vmem>>[vector<16xi32>, vector<16xi32>], vector<16xf32>,
    %swap3A_1180 = arith.constant 528 : index
    %swap3A_1181 = tpu.vector_load %arg14[%swap3A_1180] {strides = array<i32>} : memref<640xf32, #tpu.memory_space<vmem>>, vector<16xf32>,
    tpu.vector_store %arg14[%swap3A_1180], %gather3A_1179 {strides = array<i32>} : memref<640xf32, #tpu.memory_space<vmem>>, vector<16xf32>,
    %get3A_1182 = arith.constant 544 : index
    %get3A_1183 = tpu.vector_load %arg8[%get3A_1182] {strides = array<i32>} : memref<640xf32, #tpu.memory_space<vmem>>, vector<16xf32>,
    %convert_element_type3A_1184 = arith.fptosi %get3A_1183 : vector<16xf32> to vector<16xi32>
    %mul3A_1185 = arith.constant 4 : i32
    %mul3A_1186 = vector.broadcast %mul3A_1185 : i32 to vector<16xi32>
    %mul3A_1187 = arith.muli %convert_element_type3A_1184, %mul3A_1186 : vector<16xi32>
    %add3A_1188 = arith.constant 32 : i32
    %add3A_1189 = vector.broadcast %add3A_1188 : i32 to vector<16xi32>
    %add3A_1190 = arith.addi %add3A_1189, %iota3A : vector<16xi32>
    %add3A_1191 = arith.constant 0 : i32
    %add3A_1192 = vector.broadcast %add3A_1191 : i32 to vector<16xi32>
    %add3A_1193 = arith.addi %mul3A_1187, %add3A_1192 : vector<16xi32>
    %gather3A_1194 = tpu.vector_load_idx %arg9[%add3A_1193, %add3A_1190] : memref<324x128xf32, #tpu.memory_space<vmem>>[vector<16xi32>, vector<16xi32>], vector<16xf32>,
    %swap3A_1195 = arith.constant 544 : index
    %swap3A_1196 = tpu.vector_load %arg11[%swap3A_1195] {strides = array<i32>} : memref<640xf32, #tpu.memory_space<vmem>>, vector<16xf32>,
    tpu.vector_store %arg11[%swap3A_1195], %gather3A_1194 {strides = array<i32>} : memref<640xf32, #tpu.memory_space<vmem>>, vector<16xf32>,
    %add3A_1197 = arith.constant 1 : i32
    %add3A_1198 = vector.broadcast %add3A_1197 : i32 to vector<16xi32>
    %add3A_1199 = arith.addi %mul3A_1187, %add3A_1198 : vector<16xi32>
    %gather3A_1200 = tpu.vector_load_idx %arg9[%add3A_1199, %add3A_1190] : memref<324x128xf32, #tpu.memory_space<vmem>>[vector<16xi32>, vector<16xi32>], vector<16xf32>,
    %swap3A_1201 = arith.constant 544 : index
    %swap3A_1202 = tpu.vector_load %arg12[%swap3A_1201] {strides = array<i32>} : memref<640xf32, #tpu.memory_space<vmem>>, vector<16xf32>,
    tpu.vector_store %arg12[%swap3A_1201], %gather3A_1200 {strides = array<i32>} : memref<640xf32, #tpu.memory_space<vmem>>, vector<16xf32>,
    %add3A_1203 = arith.constant 2 : i32
    %add3A_1204 = vector.broadcast %add3A_1203 : i32 to vector<16xi32>
    %add3A_1205 = arith.addi %mul3A_1187, %add3A_1204 : vector<16xi32>
    %gather3A_1206 = tpu.vector_load_idx %arg9[%add3A_1205, %add3A_1190] : memref<324x128xf32, #tpu.memory_space<vmem>>[vector<16xi32>, vector<16xi32>], vector<16xf32>,
    %swap3A_1207 = arith.constant 544 : index
    %swap3A_1208 = tpu.vector_load %arg13[%swap3A_1207] {strides = array<i32>} : memref<640xf32, #tpu.memory_space<vmem>>, vector<16xf32>,
    tpu.vector_store %arg13[%swap3A_1207], %gather3A_1206 {strides = array<i32>} : memref<640xf32, #tpu.memory_space<vmem>>, vector<16xf32>,
    %add3A_1209 = arith.constant 3 : i32
    %add3A_1210 = vector.broadcast %add3A_1209 : i32 to vector<16xi32>
    %add3A_1211 = arith.addi %mul3A_1187, %add3A_1210 : vector<16xi32>
    %gather3A_1212 = tpu.vector_load_idx %arg9[%add3A_1211, %add3A_1190] : memref<324x128xf32, #tpu.memory_space<vmem>>[vector<16xi32>, vector<16xi32>], vector<16xf32>,
    %swap3A_1213 = arith.constant 544 : index
    %swap3A_1214 = tpu.vector_load %arg14[%swap3A_1213] {strides = array<i32>} : memref<640xf32, #tpu.memory_space<vmem>>, vector<16xf32>,
    tpu.vector_store %arg14[%swap3A_1213], %gather3A_1212 {strides = array<i32>} : memref<640xf32, #tpu.memory_space<vmem>>, vector<16xf32>,
    %get3A_1215 = arith.constant 560 : index
    %get3A_1216 = tpu.vector_load %arg8[%get3A_1215] {strides = array<i32>} : memref<640xf32, #tpu.memory_space<vmem>>, vector<16xf32>,
    %convert_element_type3A_1217 = arith.fptosi %get3A_1216 : vector<16xf32> to vector<16xi32>
    %mul3A_1218 = arith.constant 4 : i32
    %mul3A_1219 = vector.broadcast %mul3A_1218 : i32 to vector<16xi32>
    %mul3A_1220 = arith.muli %convert_element_type3A_1217, %mul3A_1219 : vector<16xi32>
    %add3A_1221 = arith.constant 48 : i32
    %add3A_1222 = vector.broadcast %add3A_1221 : i32 to vector<16xi32>
    %add3A_1223 = arith.addi %add3A_1222, %iota3A : vector<16xi32>
    %add3A_1224 = arith.constant 0 : i32
    %add3A_1225 = vector.broadcast %add3A_1224 : i32 to vector<16xi32>
    %add3A_1226 = arith.addi %mul3A_1220, %add3A_1225 : vector<16xi32>
    %gather3A_1227 = tpu.vector_load_idx %arg9[%add3A_1226, %add3A_1223] : memref<324x128xf32, #tpu.memory_space<vmem>>[vector<16xi32>, vector<16xi32>], vector<16xf32>,
    %swap3A_1228 = arith.constant 560 : index
    %swap3A_1229 = tpu.vector_load %arg11[%swap3A_1228] {strides = array<i32>} : memref<640xf32, #tpu.memory_space<vmem>>, vector<16xf32>,
    tpu.vector_store %arg11[%swap3A_1228], %gather3A_1227 {strides = array<i32>} : memref<640xf32, #tpu.memory_space<vmem>>, vector<16xf32>,
    %add3A_1230 = arith.constant 1 : i32
    %add3A_1231 = vector.broadcast %add3A_1230 : i32 to vector<16xi32>
    %add3A_1232 = arith.addi %mul3A_1220, %add3A_1231 : vector<16xi32>
    %gather3A_1233 = tpu.vector_load_idx %arg9[%add3A_1232, %add3A_1223] : memref<324x128xf32, #tpu.memory_space<vmem>>[vector<16xi32>, vector<16xi32>], vector<16xf32>,
    %swap3A_1234 = arith.constant 560 : index
    %swap3A_1235 = tpu.vector_load %arg12[%swap3A_1234] {strides = array<i32>} : memref<640xf32, #tpu.memory_space<vmem>>, vector<16xf32>,
    tpu.vector_store %arg12[%swap3A_1234], %gather3A_1233 {strides = array<i32>} : memref<640xf32, #tpu.memory_space<vmem>>, vector<16xf32>,
    %add3A_1236 = arith.constant 2 : i32
    %add3A_1237 = vector.broadcast %add3A_1236 : i32 to vector<16xi32>
    %add3A_1238 = arith.addi %mul3A_1220, %add3A_1237 : vector<16xi32>
    %gather3A_1239 = tpu.vector_load_idx %arg9[%add3A_1238, %add3A_1223] : memref<324x128xf32, #tpu.memory_space<vmem>>[vector<16xi32>, vector<16xi32>], vector<16xf32>,
    %swap3A_1240 = arith.constant 560 : index
    %swap3A_1241 = tpu.vector_load %arg13[%swap3A_1240] {strides = array<i32>} : memref<640xf32, #tpu.memory_space<vmem>>, vector<16xf32>,
    tpu.vector_store %arg13[%swap3A_1240], %gather3A_1239 {strides = array<i32>} : memref<640xf32, #tpu.memory_space<vmem>>, vector<16xf32>,
    %add3A_1242 = arith.constant 3 : i32
    %add3A_1243 = vector.broadcast %add3A_1242 : i32 to vector<16xi32>
    %add3A_1244 = arith.addi %mul3A_1220, %add3A_1243 : vector<16xi32>
    %gather3A_1245 = tpu.vector_load_idx %arg9[%add3A_1244, %add3A_1223] : memref<324x128xf32, #tpu.memory_space<vmem>>[vector<16xi32>, vector<16xi32>], vector<16xf32>,
    %swap3A_1246 = arith.constant 560 : index
    %swap3A_1247 = tpu.vector_load %arg14[%swap3A_1246] {strides = array<i32>} : memref<640xf32, #tpu.memory_space<vmem>>, vector<16xf32>,
    tpu.vector_store %arg14[%swap3A_1246], %gather3A_1245 {strides = array<i32>} : memref<640xf32, #tpu.memory_space<vmem>>, vector<16xf32>,
    %get3A_1248 = arith.constant 576 : index
    %get3A_1249 = tpu.vector_load %arg8[%get3A_1248] {strides = array<i32>} : memref<640xf32, #tpu.memory_space<vmem>>, vector<16xf32>,
    %convert_element_type3A_1250 = arith.fptosi %get3A_1249 : vector<16xf32> to vector<16xi32>
    %mul3A_1251 = arith.constant 4 : i32
    %mul3A_1252 = vector.broadcast %mul3A_1251 : i32 to vector<16xi32>
    %mul3A_1253 = arith.muli %convert_element_type3A_1250, %mul3A_1252 : vector<16xi32>
    %add3A_1254 = arith.constant 64 : i32
    %add3A_1255 = vector.broadcast %add3A_1254 : i32 to vector<16xi32>
    %add3A_1256 = arith.addi %add3A_1255, %iota3A : vector<16xi32>
    %add3A_1257 = arith.constant 0 : i32
    %add3A_1258 = vector.broadcast %add3A_1257 : i32 to vector<16xi32>
    %add3A_1259 = arith.addi %mul3A_1253, %add3A_1258 : vector<16xi32>
    %gather3A_1260 = tpu.vector_load_idx %arg9[%add3A_1259, %add3A_1256] : memref<324x128xf32, #tpu.memory_space<vmem>>[vector<16xi32>, vector<16xi32>], vector<16xf32>,
    %swap3A_1261 = arith.constant 576 : index
    %swap3A_1262 = tpu.vector_load %arg11[%swap3A_1261] {strides = array<i32>} : memref<640xf32, #tpu.memory_space<vmem>>, vector<16xf32>,
    tpu.vector_store %arg11[%swap3A_1261], %gather3A_1260 {strides = array<i32>} : memref<640xf32, #tpu.memory_space<vmem>>, vector<16xf32>,
    %add3A_1263 = arith.constant 1 : i32
    %add3A_1264 = vector.broadcast %add3A_1263 : i32 to vector<16xi32>
    %add3A_1265 = arith.addi %mul3A_1253, %add3A_1264 : vector<16xi32>
    %gather3A_1266 = tpu.vector_load_idx %arg9[%add3A_1265, %add3A_1256] : memref<324x128xf32, #tpu.memory_space<vmem>>[vector<16xi32>, vector<16xi32>], vector<16xf32>,
    %swap3A_1267 = arith.constant 576 : index
    %swap3A_1268 = tpu.vector_load %arg12[%swap3A_1267] {strides = array<i32>} : memref<640xf32, #tpu.memory_space<vmem>>, vector<16xf32>,
    tpu.vector_store %arg12[%swap3A_1267], %gather3A_1266 {strides = array<i32>} : memref<640xf32, #tpu.memory_space<vmem>>, vector<16xf32>,
    %add3A_1269 = arith.constant 2 : i32
    %add3A_1270 = vector.broadcast %add3A_1269 : i32 to vector<16xi32>
    %add3A_1271 = arith.addi %mul3A_1253, %add3A_1270 : vector<16xi32>
    %gather3A_1272 = tpu.vector_load_idx %arg9[%add3A_1271, %add3A_1256] : memref<324x128xf32, #tpu.memory_space<vmem>>[vector<16xi32>, vector<16xi32>], vector<16xf32>,
    %swap3A_1273 = arith.constant 576 : index
    %swap3A_1274 = tpu.vector_load %arg13[%swap3A_1273] {strides = array<i32>} : memref<640xf32, #tpu.memory_space<vmem>>, vector<16xf32>,
    tpu.vector_store %arg13[%swap3A_1273], %gather3A_1272 {strides = array<i32>} : memref<640xf32, #tpu.memory_space<vmem>>, vector<16xf32>,
    %add3A_1275 = arith.constant 3 : i32
    %add3A_1276 = vector.broadcast %add3A_1275 : i32 to vector<16xi32>
    %add3A_1277 = arith.addi %mul3A_1253, %add3A_1276 : vector<16xi32>
    %gather3A_1278 = tpu.vector_load_idx %arg9[%add3A_1277, %add3A_1256] : memref<324x128xf32, #tpu.memory_space<vmem>>[vector<16xi32>, vector<16xi32>], vector<16xf32>,
    %swap3A_1279 = arith.constant 576 : index
    %swap3A_1280 = tpu.vector_load %arg14[%swap3A_1279] {strides = array<i32>} : memref<640xf32, #tpu.memory_space<vmem>>, vector<16xf32>,
    tpu.vector_store %arg14[%swap3A_1279], %gather3A_1278 {strides = array<i32>} : memref<640xf32, #tpu.memory_space<vmem>>, vector<16xf32>,
    %get3A_1281 = arith.constant 592 : index
    %get3A_1282 = tpu.vector_load %arg8[%get3A_1281] {strides = array<i32>} : memref<640xf32, #tpu.memory_space<vmem>>, vector<16xf32>,
    %convert_element_type3A_1283 = arith.fptosi %get3A_1282 : vector<16xf32> to vector<16xi32>
    %mul3A_1284 = arith.constant 4 : i32
    %mul3A_1285 = vector.broadcast %mul3A_1284 : i32 to vector<16xi32>
    %mul3A_1286 = arith.muli %convert_element_type3A_1283, %mul3A_1285 : vector<16xi32>
    %add3A_1287 = arith.constant 80 : i32
    %add3A_1288 = vector.broadcast %add3A_1287 : i32 to vector<16xi32>
    %add3A_1289 = arith.addi %add3A_1288, %iota3A : vector<16xi32>
    %add3A_1290 = arith.constant 0 : i32
    %add3A_1291 = vector.broadcast %add3A_1290 : i32 to vector<16xi32>
    %add3A_1292 = arith.addi %mul3A_1286, %add3A_1291 : vector<16xi32>
    %gather3A_1293 = tpu.vector_load_idx %arg9[%add3A_1292, %add3A_1289] : memref<324x128xf32, #tpu.memory_space<vmem>>[vector<16xi32>, vector<16xi32>], vector<16xf32>,
    %swap3A_1294 = arith.constant 592 : index
    %swap3A_1295 = tpu.vector_load %arg11[%swap3A_1294] {strides = array<i32>} : memref<640xf32, #tpu.memory_space<vmem>>, vector<16xf32>,
    tpu.vector_store %arg11[%swap3A_1294], %gather3A_1293 {strides = array<i32>} : memref<640xf32, #tpu.memory_space<vmem>>, vector<16xf32>,
    %add3A_1296 = arith.constant 1 : i32
    %add3A_1297 = vector.broadcast %add3A_1296 : i32 to vector<16xi32>
    %add3A_1298 = arith.addi %mul3A_1286, %add3A_1297 : vector<16xi32>
    %gather3A_1299 = tpu.vector_load_idx %arg9[%add3A_1298, %add3A_1289] : memref<324x128xf32, #tpu.memory_space<vmem>>[vector<16xi32>, vector<16xi32>], vector<16xf32>,
    %swap3A_1300 = arith.constant 592 : index
    %swap3A_1301 = tpu.vector_load %arg12[%swap3A_1300] {strides = array<i32>} : memref<640xf32, #tpu.memory_space<vmem>>, vector<16xf32>,
    tpu.vector_store %arg12[%swap3A_1300], %gather3A_1299 {strides = array<i32>} : memref<640xf32, #tpu.memory_space<vmem>>, vector<16xf32>,
    %add3A_1302 = arith.constant 2 : i32
    %add3A_1303 = vector.broadcast %add3A_1302 : i32 to vector<16xi32>
    %add3A_1304 = arith.addi %mul3A_1286, %add3A_1303 : vector<16xi32>
    %gather3A_1305 = tpu.vector_load_idx %arg9[%add3A_1304, %add3A_1289] : memref<324x128xf32, #tpu.memory_space<vmem>>[vector<16xi32>, vector<16xi32>], vector<16xf32>,
    %swap3A_1306 = arith.constant 592 : index
    %swap3A_1307 = tpu.vector_load %arg13[%swap3A_1306] {strides = array<i32>} : memref<640xf32, #tpu.memory_space<vmem>>, vector<16xf32>,
    tpu.vector_store %arg13[%swap3A_1306], %gather3A_1305 {strides = array<i32>} : memref<640xf32, #tpu.memory_space<vmem>>, vector<16xf32>,
    %add3A_1308 = arith.constant 3 : i32
    %add3A_1309 = vector.broadcast %add3A_1308 : i32 to vector<16xi32>
    %add3A_1310 = arith.addi %mul3A_1286, %add3A_1309 : vector<16xi32>
    %gather3A_1311 = tpu.vector_load_idx %arg9[%add3A_1310, %add3A_1289] : memref<324x128xf32, #tpu.memory_space<vmem>>[vector<16xi32>, vector<16xi32>], vector<16xf32>,
    %swap3A_1312 = arith.constant 592 : index
    %swap3A_1313 = tpu.vector_load %arg14[%swap3A_1312] {strides = array<i32>} : memref<640xf32, #tpu.memory_space<vmem>>, vector<16xf32>,
    tpu.vector_store %arg14[%swap3A_1312], %gather3A_1311 {strides = array<i32>} : memref<640xf32, #tpu.memory_space<vmem>>, vector<16xf32>,
    %get3A_1314 = arith.constant 608 : index
    %get3A_1315 = tpu.vector_load %arg8[%get3A_1314] {strides = array<i32>} : memref<640xf32, #tpu.memory_space<vmem>>, vector<16xf32>,
    %convert_element_type3A_1316 = arith.fptosi %get3A_1315 : vector<16xf32> to vector<16xi32>
    %mul3A_1317 = arith.constant 4 : i32
    %mul3A_1318 = vector.broadcast %mul3A_1317 : i32 to vector<16xi32>
    %mul3A_1319 = arith.muli %convert_element_type3A_1316, %mul3A_1318 : vector<16xi32>
    %add3A_1320 = arith.constant 96 : i32
    %add3A_1321 = vector.broadcast %add3A_1320 : i32 to vector<16xi32>
    %add3A_1322 = arith.addi %add3A_1321, %iota3A : vector<16xi32>
    %add3A_1323 = arith.constant 0 : i32
    %add3A_1324 = vector.broadcast %add3A_1323 : i32 to vector<16xi32>
    %add3A_1325 = arith.addi %mul3A_1319, %add3A_1324 : vector<16xi32>
    %gather3A_1326 = tpu.vector_load_idx %arg9[%add3A_1325, %add3A_1322] : memref<324x128xf32, #tpu.memory_space<vmem>>[vector<16xi32>, vector<16xi32>], vector<16xf32>,
    %swap3A_1327 = arith.constant 608 : index
    %swap3A_1328 = tpu.vector_load %arg11[%swap3A_1327] {strides = array<i32>} : memref<640xf32, #tpu.memory_space<vmem>>, vector<16xf32>,
    tpu.vector_store %arg11[%swap3A_1327], %gather3A_1326 {strides = array<i32>} : memref<640xf32, #tpu.memory_space<vmem>>, vector<16xf32>,
    %add3A_1329 = arith.constant 1 : i32
    %add3A_1330 = vector.broadcast %add3A_1329 : i32 to vector<16xi32>
    %add3A_1331 = arith.addi %mul3A_1319, %add3A_1330 : vector<16xi32>
    %gather3A_1332 = tpu.vector_load_idx %arg9[%add3A_1331, %add3A_1322] : memref<324x128xf32, #tpu.memory_space<vmem>>[vector<16xi32>, vector<16xi32>], vector<16xf32>,
    %swap3A_1333 = arith.constant 608 : index
    %swap3A_1334 = tpu.vector_load %arg12[%swap3A_1333] {strides = array<i32>} : memref<640xf32, #tpu.memory_space<vmem>>, vector<16xf32>,
    tpu.vector_store %arg12[%swap3A_1333], %gather3A_1332 {strides = array<i32>} : memref<640xf32, #tpu.memory_space<vmem>>, vector<16xf32>,
    %add3A_1335 = arith.constant 2 : i32
    %add3A_1336 = vector.broadcast %add3A_1335 : i32 to vector<16xi32>
    %add3A_1337 = arith.addi %mul3A_1319, %add3A_1336 : vector<16xi32>
    %gather3A_1338 = tpu.vector_load_idx %arg9[%add3A_1337, %add3A_1322] : memref<324x128xf32, #tpu.memory_space<vmem>>[vector<16xi32>, vector<16xi32>], vector<16xf32>,
    %swap3A_1339 = arith.constant 608 : index
    %swap3A_1340 = tpu.vector_load %arg13[%swap3A_1339] {strides = array<i32>} : memref<640xf32, #tpu.memory_space<vmem>>, vector<16xf32>,
    tpu.vector_store %arg13[%swap3A_1339], %gather3A_1338 {strides = array<i32>} : memref<640xf32, #tpu.memory_space<vmem>>, vector<16xf32>,
    %add3A_1341 = arith.constant 3 : i32
    %add3A_1342 = vector.broadcast %add3A_1341 : i32 to vector<16xi32>
    %add3A_1343 = arith.addi %mul3A_1319, %add3A_1342 : vector<16xi32>
    %gather3A_1344 = tpu.vector_load_idx %arg9[%add3A_1343, %add3A_1322] : memref<324x128xf32, #tpu.memory_space<vmem>>[vector<16xi32>, vector<16xi32>], vector<16xf32>,
    %swap3A_1345 = arith.constant 608 : index
    %swap3A_1346 = tpu.vector_load %arg14[%swap3A_1345] {strides = array<i32>} : memref<640xf32, #tpu.memory_space<vmem>>, vector<16xf32>,
    tpu.vector_store %arg14[%swap3A_1345], %gather3A_1344 {strides = array<i32>} : memref<640xf32, #tpu.memory_space<vmem>>, vector<16xf32>,
    %get3A_1347 = arith.constant 624 : index
    %get3A_1348 = tpu.vector_load %arg8[%get3A_1347] {strides = array<i32>} : memref<640xf32, #tpu.memory_space<vmem>>, vector<16xf32>,
    %convert_element_type3A_1349 = arith.fptosi %get3A_1348 : vector<16xf32> to vector<16xi32>
    %mul3A_1350 = arith.constant 4 : i32
    %mul3A_1351 = vector.broadcast %mul3A_1350 : i32 to vector<16xi32>
    %mul3A_1352 = arith.muli %convert_element_type3A_1349, %mul3A_1351 : vector<16xi32>
    %add3A_1353 = arith.constant 112 : i32
    %add3A_1354 = vector.broadcast %add3A_1353 : i32 to vector<16xi32>
    %add3A_1355 = arith.addi %add3A_1354, %iota3A : vector<16xi32>
    %add3A_1356 = arith.constant 0 : i32
    %add3A_1357 = vector.broadcast %add3A_1356 : i32 to vector<16xi32>
    %add3A_1358 = arith.addi %mul3A_1352, %add3A_1357 : vector<16xi32>
    %gather3A_1359 = tpu.vector_load_idx %arg9[%add3A_1358, %add3A_1355] : memref<324x128xf32, #tpu.memory_space<vmem>>[vector<16xi32>, vector<16xi32>], vector<16xf32>,
    %swap3A_1360 = arith.constant 624 : index
    %swap3A_1361 = tpu.vector_load %arg11[%swap3A_1360] {strides = array<i32>} : memref<640xf32, #tpu.memory_space<vmem>>, vector<16xf32>,
    tpu.vector_store %arg11[%swap3A_1360], %gather3A_1359 {strides = array<i32>} : memref<640xf32, #tpu.memory_space<vmem>>, vector<16xf32>,
    %add3A_1362 = arith.constant 1 : i32
    %add3A_1363 = vector.broadcast %add3A_1362 : i32 to vector<16xi32>
    %add3A_1364 = arith.addi %mul3A_1352, %add3A_1363 : vector<16xi32>
    %gather3A_1365 = tpu.vector_load_idx %arg9[%add3A_1364, %add3A_1355] : memref<324x128xf32, #tpu.memory_space<vmem>>[vector<16xi32>, vector<16xi32>], vector<16xf32>,
    %swap3A_1366 = arith.constant 624 : index
    %swap3A_1367 = tpu.vector_load %arg12[%swap3A_1366] {strides = array<i32>} : memref<640xf32, #tpu.memory_space<vmem>>, vector<16xf32>,
    tpu.vector_store %arg12[%swap3A_1366], %gather3A_1365 {strides = array<i32>} : memref<640xf32, #tpu.memory_space<vmem>>, vector<16xf32>,
    %add3A_1368 = arith.constant 2 : i32
    %add3A_1369 = vector.broadcast %add3A_1368 : i32 to vector<16xi32>
    %add3A_1370 = arith.addi %mul3A_1352, %add3A_1369 : vector<16xi32>
    %gather3A_1371 = tpu.vector_load_idx %arg9[%add3A_1370, %add3A_1355] : memref<324x128xf32, #tpu.memory_space<vmem>>[vector<16xi32>, vector<16xi32>], vector<16xf32>,
    %swap3A_1372 = arith.constant 624 : index
    %swap3A_1373 = tpu.vector_load %arg13[%swap3A_1372] {strides = array<i32>} : memref<640xf32, #tpu.memory_space<vmem>>, vector<16xf32>,
    tpu.vector_store %arg13[%swap3A_1372], %gather3A_1371 {strides = array<i32>} : memref<640xf32, #tpu.memory_space<vmem>>, vector<16xf32>,
    %add3A_1374 = arith.constant 3 : i32
    %add3A_1375 = vector.broadcast %add3A_1374 : i32 to vector<16xi32>
    %add3A_1376 = arith.addi %mul3A_1352, %add3A_1375 : vector<16xi32>
    %gather3A_1377 = tpu.vector_load_idx %arg9[%add3A_1376, %add3A_1355] : memref<324x128xf32, #tpu.memory_space<vmem>>[vector<16xi32>, vector<16xi32>], vector<16xf32>,
    %swap3A_1378 = arith.constant 624 : index
    %swap3A_1379 = tpu.vector_load %arg14[%swap3A_1378] {strides = array<i32>} : memref<640xf32, #tpu.memory_space<vmem>>, vector<16xf32>,
    tpu.vector_store %arg14[%swap3A_1378], %gather3A_1377 {strides = array<i32>} : memref<640xf32, #tpu.memory_space<vmem>>, vector<16xf32>,
    "tpu.region"() ({
      %run_scoped3A = tpu.sem_alloc : memref<!tpu.dma_semaphore, #tpu.memory_space<semaphore_mem>>
      %dma_start3A_1380 = tpu.memref_slice %arg4[%mul3A_2] : memref<20480xf32, #tpu.memory_space<hbm>> -> memref<640xf32, #tpu.memory_space<hbm>>
      %dma_start3A_1381 = tpu.memref_slice %arg4[%mul3A_2] : memref<20480xf32, #tpu.memory_space<hbm>> -> memref<640xf32, #tpu.memory_space<hbm>>
      tpu.enqueue_dma source(%arg11 : memref<640xf32, #tpu.memory_space<vmem>>) target(%dma_start3A_1381 : memref<640xf32, #tpu.memory_space<hbm>>) target_semaphore(%run_scoped3A : memref<!tpu.dma_semaphore, #tpu.memory_space<semaphore_mem>>)
      %dma_wait3A_1382 = tpu.memref_slice %arg4[%mul3A_2] : memref<20480xf32, #tpu.memory_space<hbm>> -> memref<640xf32, #tpu.memory_space<hbm>>
      %dma_wait3A_1383 = tpu.memref_slice %arg4[%mul3A_2] : memref<20480xf32, #tpu.memory_space<hbm>> -> memref<640xf32, #tpu.memory_space<hbm>>
      tpu.wait_dma2 semaphore(%run_scoped3A : memref<!tpu.dma_semaphore, #tpu.memory_space<semaphore_mem>>) src(%arg11 : memref<640xf32, #tpu.memory_space<vmem>>) dst(%dma_wait3A_1383 : memref<640xf32, #tpu.memory_space<hbm>>)
      tpu.yield
    }) : () -> ()
    "tpu.region"() ({
      %run_scoped3A = tpu.sem_alloc : memref<!tpu.dma_semaphore, #tpu.memory_space<semaphore_mem>>
      %dma_start3A_1380 = tpu.memref_slice %arg5[%mul3A_2] : memref<20480xf32, #tpu.memory_space<hbm>> -> memref<640xf32, #tpu.memory_space<hbm>>
      %dma_start3A_1381 = tpu.memref_slice %arg5[%mul3A_2] : memref<20480xf32, #tpu.memory_space<hbm>> -> memref<640xf32, #tpu.memory_space<hbm>>
      tpu.enqueue_dma source(%arg12 : memref<640xf32, #tpu.memory_space<vmem>>) target(%dma_start3A_1381 : memref<640xf32, #tpu.memory_space<hbm>>) target_semaphore(%run_scoped3A : memref<!tpu.dma_semaphore, #tpu.memory_space<semaphore_mem>>)
      %dma_wait3A_1382 = tpu.memref_slice %arg5[%mul3A_2] : memref<20480xf32, #tpu.memory_space<hbm>> -> memref<640xf32, #tpu.memory_space<hbm>>
      %dma_wait3A_1383 = tpu.memref_slice %arg5[%mul3A_2] : memref<20480xf32, #tpu.memory_space<hbm>> -> memref<640xf32, #tpu.memory_space<hbm>>
      tpu.wait_dma2 semaphore(%run_scoped3A : memref<!tpu.dma_semaphore, #tpu.memory_space<semaphore_mem>>) src(%arg12 : memref<640xf32, #tpu.memory_space<vmem>>) dst(%dma_wait3A_1383 : memref<640xf32, #tpu.memory_space<hbm>>)
      tpu.yield
    }) : () -> ()
    "tpu.region"() ({
      %run_scoped3A = tpu.sem_alloc : memref<!tpu.dma_semaphore, #tpu.memory_space<semaphore_mem>>
      %dma_start3A_1380 = tpu.memref_slice %arg6[%mul3A_2] : memref<20480xf32, #tpu.memory_space<hbm>> -> memref<640xf32, #tpu.memory_space<hbm>>
      %dma_start3A_1381 = tpu.memref_slice %arg6[%mul3A_2] : memref<20480xf32, #tpu.memory_space<hbm>> -> memref<640xf32, #tpu.memory_space<hbm>>
      tpu.enqueue_dma source(%arg13 : memref<640xf32, #tpu.memory_space<vmem>>) target(%dma_start3A_1381 : memref<640xf32, #tpu.memory_space<hbm>>) target_semaphore(%run_scoped3A : memref<!tpu.dma_semaphore, #tpu.memory_space<semaphore_mem>>)
      %dma_wait3A_1382 = tpu.memref_slice %arg6[%mul3A_2] : memref<20480xf32, #tpu.memory_space<hbm>> -> memref<640xf32, #tpu.memory_space<hbm>>
      %dma_wait3A_1383 = tpu.memref_slice %arg6[%mul3A_2] : memref<20480xf32, #tpu.memory_space<hbm>> -> memref<640xf32, #tpu.memory_space<hbm>>
      tpu.wait_dma2 semaphore(%run_scoped3A : memref<!tpu.dma_semaphore, #tpu.memory_space<semaphore_mem>>) src(%arg13 : memref<640xf32, #tpu.memory_space<vmem>>) dst(%dma_wait3A_1383 : memref<640xf32, #tpu.memory_space<hbm>>)
      tpu.yield
    }) : () -> ()
    "tpu.region"() ({
      %run_scoped3A = tpu.sem_alloc : memref<!tpu.dma_semaphore, #tpu.memory_space<semaphore_mem>>
      %dma_start3A_1380 = tpu.memref_slice %arg7[%mul3A_2] : memref<20480xf32, #tpu.memory_space<hbm>> -> memref<640xf32, #tpu.memory_space<hbm>>
      %dma_start3A_1381 = tpu.memref_slice %arg7[%mul3A_2] : memref<20480xf32, #tpu.memory_space<hbm>> -> memref<640xf32, #tpu.memory_space<hbm>>
      tpu.enqueue_dma source(%arg14 : memref<640xf32, #tpu.memory_space<vmem>>) target(%dma_start3A_1381 : memref<640xf32, #tpu.memory_space<hbm>>) target_semaphore(%run_scoped3A : memref<!tpu.dma_semaphore, #tpu.memory_space<semaphore_mem>>)
      %dma_wait3A_1382 = tpu.memref_slice %arg7[%mul3A_2] : memref<20480xf32, #tpu.memory_space<hbm>> -> memref<640xf32, #tpu.memory_space<hbm>>
      %dma_wait3A_1383 = tpu.memref_slice %arg7[%mul3A_2] : memref<20480xf32, #tpu.memory_space<hbm>> -> memref<640xf32, #tpu.memory_space<hbm>>
      tpu.wait_dma2 semaphore(%run_scoped3A : memref<!tpu.dma_semaphore, #tpu.memory_space<semaphore_mem>>) src(%arg14 : memref<640xf32, #tpu.memory_space<vmem>>) dst(%dma_wait3A_1383 : memref<640xf32, #tpu.memory_space<hbm>>)
      tpu.yield
    }) : () -> ()
    return
  }
}

module attributes {stable_mosaic.version = 14 : i64} {
  func.func @_nms_body(%arg0: memref<160x128xf32, #tpu.memory_space<vmem>>, %arg1: memref<160x128xf32, #tpu.memory_space<vmem>>, %arg2: memref<160x128xf32, #tpu.memory_space<vmem>>, %arg3: memref<160x128xf32, #tpu.memory_space<vmem>>, %arg4: memref<160x128xf32, #tpu.memory_space<vmem>>, %arg5: memref<160x128xf32, #tpu.memory_space<vmem>>, %arg6: memref<160x128xf32, #tpu.memory_space<vmem>>, %arg7: memref<160x128xf32, #tpu.memory_space<vmem>>, %arg8: memref<160x128xf32, #tpu.memory_space<vmem>>, %arg9: memref<160x128xf32, #tpu.memory_space<vmem>>, %arg10: memref<8x128xf32, #tpu.memory_space<vmem>>, %arg11: memref<8x128xf32, #tpu.memory_space<vmem>>, %arg12: memref<8x128xf32, #tpu.memory_space<vmem>>, %arg13: memref<8x128xf32, #tpu.memory_space<vmem>>, %arg14: memref<8x128xf32, #tpu.memory_space<vmem>>, %arg15: memref<8x128xf32, #tpu.memory_space<vmem>>) attributes {dimension_semantics = [], scalar_prefetch = 0 : i64, scratch_operands = 0 : i64, tpu.core_type = #tpu.core_type<tc>} {
    %get3A = arith.constant 0 : index
    %get3A_0 = arith.constant 0 : index
    %get3A_1 = vector.load %arg0[%get3A, %get3A_0] : memref<160x128xf32, #tpu.memory_space<vmem>>, vector<160x128xf32>
    %get3A_2 = arith.constant 0 : index
    %get3A_3 = arith.constant 0 : index
    %get3A_4 = vector.load %arg1[%get3A_2, %get3A_3] : memref<160x128xf32, #tpu.memory_space<vmem>>, vector<160x128xf32>
    %get3A_5 = arith.constant 0 : index
    %get3A_6 = arith.constant 0 : index
    %get3A_7 = vector.load %arg6[%get3A_5, %get3A_6] : memref<160x128xf32, #tpu.memory_space<vmem>>, vector<160x128xf32>
    %get3A_8 = arith.constant 0 : index
    %get3A_9 = arith.constant 0 : index
    %get3A_10 = vector.load %arg7[%get3A_8, %get3A_9] : memref<160x128xf32, #tpu.memory_space<vmem>>, vector<160x128xf32>
    %get3A_11 = arith.constant 0 : index
    %get3A_12 = arith.constant 0 : index
    %get3A_13 = vector.load %arg8[%get3A_11, %get3A_12] : memref<160x128xf32, #tpu.memory_space<vmem>>, vector<160x128xf32>
    %get3A_14 = arith.constant 0 : index
    %get3A_15 = arith.constant 0 : index
    %get3A_16 = vector.load %arg9[%get3A_14, %get3A_15] : memref<160x128xf32, #tpu.memory_space<vmem>>, vector<160x128xf32>
    %sub3A = arith.subf %get3A_13, %get3A_7 : vector<160x128xf32>
    %add3A = arith.constant 1.000000e+00 : f32
    %add3A_17 = vector.broadcast %add3A : f32 to vector<160x128xf32>
    %add3A_18 = arith.addf %sub3A, %add3A_17 : vector<160x128xf32>
    %sub3A_19 = arith.subf %get3A_16, %get3A_10 : vector<160x128xf32>
    %add3A_20 = arith.constant 1.000000e+00 : f32
    %add3A_21 = vector.broadcast %add3A_20 : f32 to vector<160x128xf32>
    %add3A_22 = arith.addf %sub3A_19, %add3A_21 : vector<160x128xf32>
    %mul3A = arith.constant 5.000000e-01 : f32
    %mul3A_23 = vector.broadcast %mul3A : f32 to vector<160x128xf32>
    %mul3A_24 = arith.mulf %mul3A_23, %add3A_18 : vector<160x128xf32>
    %add3A_25 = arith.addf %get3A_7, %mul3A_24 : vector<160x128xf32>
    %mul3A_26 = arith.constant 5.000000e-01 : f32
    %mul3A_27 = vector.broadcast %mul3A_26 : f32 to vector<160x128xf32>
    %mul3A_28 = arith.mulf %mul3A_27, %add3A_22 : vector<160x128xf32>
    %add3A_29 = arith.addf %get3A_10, %mul3A_28 : vector<160x128xf32>
    %get3A_30 = arith.constant 0 : index
    %get3A_31 = arith.constant 0 : index
    %get3A_32 = vector.load %arg2[%get3A_30, %get3A_31] : memref<160x128xf32, #tpu.memory_space<vmem>>, vector<160x128xf32>
    %div3A = arith.constant 1.000000e+01 : f32
    %div3A_33 = vector.broadcast %div3A : f32 to vector<160x128xf32>
    %div3A_34 = arith.divf %get3A_32, %div3A_33 : vector<160x128xf32>
    %get3A_35 = arith.constant 0 : index
    %get3A_36 = arith.constant 0 : index
    %get3A_37 = vector.load %arg3[%get3A_35, %get3A_36] : memref<160x128xf32, #tpu.memory_space<vmem>>, vector<160x128xf32>
    %div3A_38 = arith.constant 1.000000e+01 : f32
    %div3A_39 = vector.broadcast %div3A_38 : f32 to vector<160x128xf32>
    %div3A_40 = arith.divf %get3A_37, %div3A_39 : vector<160x128xf32>
    %get3A_41 = arith.constant 0 : index
    %get3A_42 = arith.constant 0 : index
    %get3A_43 = vector.load %arg4[%get3A_41, %get3A_42] : memref<160x128xf32, #tpu.memory_space<vmem>>, vector<160x128xf32>
    %div3A_44 = arith.constant 5.000000e+00 : f32
    %div3A_45 = vector.broadcast %div3A_44 : f32 to vector<160x128xf32>
    %div3A_46 = arith.divf %get3A_43, %div3A_45 : vector<160x128xf32>
    %min3A = arith.constant 4.13516665 : f32
    %min3A_47 = vector.broadcast %min3A : f32 to vector<160x128xf32>
    %min3A_48 = arith.minimumf %div3A_46, %min3A_47 : vector<160x128xf32>
    %get3A_49 = arith.constant 0 : index
    %get3A_50 = arith.constant 0 : index
    %get3A_51 = vector.load %arg5[%get3A_49, %get3A_50] : memref<160x128xf32, #tpu.memory_space<vmem>>, vector<160x128xf32>
    %div3A_52 = arith.constant 5.000000e+00 : f32
    %div3A_53 = vector.broadcast %div3A_52 : f32 to vector<160x128xf32>
    %div3A_54 = arith.divf %get3A_51, %div3A_53 : vector<160x128xf32>
    %min3A_55 = arith.constant 4.13516665 : f32
    %min3A_56 = vector.broadcast %min3A_55 : f32 to vector<160x128xf32>
    %min3A_57 = arith.minimumf %div3A_54, %min3A_56 : vector<160x128xf32>
    %mul3A_58 = arith.mulf %div3A_34, %add3A_18 : vector<160x128xf32>
    %add3A_59 = arith.addf %mul3A_58, %add3A_25 : vector<160x128xf32>
    %mul3A_60 = arith.mulf %div3A_40, %add3A_22 : vector<160x128xf32>
    %add3A_61 = arith.addf %mul3A_60, %add3A_29 : vector<160x128xf32>
    %exp3A = math.exp %min3A_48 : vector<160x128xf32>
    %mul3A_62 = arith.mulf %exp3A, %add3A_18 : vector<160x128xf32>
    %exp3A_63 = math.exp %min3A_57 : vector<160x128xf32>
    %mul3A_64 = arith.mulf %exp3A_63, %add3A_22 : vector<160x128xf32>
    %mul3A_65 = arith.constant 5.000000e-01 : f32
    %mul3A_66 = vector.broadcast %mul3A_65 : f32 to vector<160x128xf32>
    %mul3A_67 = arith.mulf %mul3A_66, %mul3A_62 : vector<160x128xf32>
    %sub3A_68 = arith.subf %add3A_59, %mul3A_67 : vector<160x128xf32>
    %jit3A = arith.constant 0.000000e+00 : f32
    %jit3A_69 = arith.constant 1.332000e+03 : f32
    %max3A = vector.broadcast %jit3A : f32 to vector<160x128xf32>
    %max3A_70 = arith.maximumf %max3A, %sub3A_68 : vector<160x128xf32>
    %min3A_71 = vector.broadcast %jit3A_69 : f32 to vector<160x128xf32>
    %min3A_72 = arith.minimumf %min3A_71, %max3A_70 : vector<160x128xf32>
    %mul3A_73 = arith.constant 5.000000e-01 : f32
    %mul3A_74 = vector.broadcast %mul3A_73 : f32 to vector<160x128xf32>
    %mul3A_75 = arith.mulf %mul3A_74, %mul3A_64 : vector<160x128xf32>
    %sub3A_76 = arith.subf %add3A_61, %mul3A_75 : vector<160x128xf32>
    %jit3A_77 = arith.constant 0.000000e+00 : f32
    %jit3A_78 = arith.constant 7.990000e+02 : f32
    %max3A_79 = vector.broadcast %jit3A_77 : f32 to vector<160x128xf32>
    %max3A_80 = arith.maximumf %max3A_79, %sub3A_76 : vector<160x128xf32>
    %min3A_81 = vector.broadcast %jit3A_78 : f32 to vector<160x128xf32>
    %min3A_82 = arith.minimumf %min3A_81, %max3A_80 : vector<160x128xf32>
    %mul3A_83 = arith.constant 5.000000e-01 : f32
    %mul3A_84 = vector.broadcast %mul3A_83 : f32 to vector<160x128xf32>
    %mul3A_85 = arith.mulf %mul3A_84, %mul3A_62 : vector<160x128xf32>
    %add3A_86 = arith.addf %add3A_59, %mul3A_85 : vector<160x128xf32>
    %sub3A_87 = arith.constant 1.000000e+00 : f32
    %sub3A_88 = vector.broadcast %sub3A_87 : f32 to vector<160x128xf32>
    %sub3A_89 = arith.subf %add3A_86, %sub3A_88 : vector<160x128xf32>
    %jit3A_90 = arith.constant 0.000000e+00 : f32
    %jit3A_91 = arith.constant 1.332000e+03 : f32
    %max3A_92 = vector.broadcast %jit3A_90 : f32 to vector<160x128xf32>
    %max3A_93 = arith.maximumf %max3A_92, %sub3A_89 : vector<160x128xf32>
    %min3A_94 = vector.broadcast %jit3A_91 : f32 to vector<160x128xf32>
    %min3A_95 = arith.minimumf %min3A_94, %max3A_93 : vector<160x128xf32>
    %mul3A_96 = arith.constant 5.000000e-01 : f32
    %mul3A_97 = vector.broadcast %mul3A_96 : f32 to vector<160x128xf32>
    %mul3A_98 = arith.mulf %mul3A_97, %mul3A_64 : vector<160x128xf32>
    %add3A_99 = arith.addf %add3A_61, %mul3A_98 : vector<160x128xf32>
    %sub3A_100 = arith.constant 1.000000e+00 : f32
    %sub3A_101 = vector.broadcast %sub3A_100 : f32 to vector<160x128xf32>
    %sub3A_102 = arith.subf %add3A_99, %sub3A_101 : vector<160x128xf32>
    %jit3A_103 = arith.constant 0.000000e+00 : f32
    %jit3A_104 = arith.constant 7.990000e+02 : f32
    %max3A_105 = vector.broadcast %jit3A_103 : f32 to vector<160x128xf32>
    %max3A_106 = arith.maximumf %max3A_105, %sub3A_102 : vector<160x128xf32>
    %min3A_107 = vector.broadcast %jit3A_104 : f32 to vector<160x128xf32>
    %min3A_108 = arith.minimumf %min3A_107, %max3A_106 : vector<160x128xf32>
    %sub3A_109 = arith.subf %min3A_95, %min3A_72 : vector<160x128xf32>
    %add3A_110 = arith.constant 1.000000e+00 : f32
    %add3A_111 = vector.broadcast %add3A_110 : f32 to vector<160x128xf32>
    %add3A_112 = arith.addf %sub3A_109, %add3A_111 : vector<160x128xf32>
    %sub3A_113 = arith.subf %min3A_108, %min3A_82 : vector<160x128xf32>
    %add3A_114 = arith.constant 1.000000e+00 : f32
    %add3A_115 = vector.broadcast %add3A_114 : f32 to vector<160x128xf32>
    %add3A_116 = arith.addf %sub3A_113, %add3A_115 : vector<160x128xf32>
    %mul3A_117 = arith.mulf %add3A_112, %add3A_116 : vector<160x128xf32>
    %ge3A = arith.constant 1.000000e+00 : f32
    %ge3A_118 = vector.broadcast %ge3A : f32 to vector<160x128xf32>
    %ge3A_119 = arith.cmpf oge, %get3A_4, %ge3A_118 : vector<160x128xf32>
    %gt3A = arith.constant 5.000000e-02 : f32
    %gt3A_120 = vector.broadcast %gt3A : f32 to vector<160x128xf32>
    %gt3A_121 = arith.cmpf ogt, %get3A_1, %gt3A_120 : vector<160x128xf32>
    %and3A = arith.andi %ge3A_119, %gt3A_121 : vector<160x128xi1>
    %jit3A_122 = arith.constant -1.000000e+10 : f32
    %broadcast_in_dim3A = vector.broadcast %jit3A_122 : f32 to vector<160x128xf32>
    %select_n3A = arith.select %and3A, %get3A_1, %broadcast_in_dim3A : vector<160x128xi1>, vector<160x128xf32>
    %iota3A = tpu.iota {dimensions = array<i32: 0>} : vector<160x128xi32>
    %mul3A_123 = arith.constant 128 : i32
    %mul3A_124 = vector.broadcast %mul3A_123 : i32 to vector<160x128xi32>
    %mul3A_125 = arith.muli %iota3A, %mul3A_124 : vector<160x128xi32>
    %iota3A_126 = tpu.iota {dimensions = array<i32: 1>} : vector<160x128xi32>
    %add3A_127 = arith.addi %mul3A_125, %iota3A_126 : vector<160x128xi32>
    %convert_element_type3A = arith.sitofp %add3A_127 : vector<160x128xi32> to vector<160x128xf32>
    %iota3A_128 = tpu.iota {dimensions = array<i32: 0>} : vector<8x128xi32>
    %mul3A_129 = arith.constant 128 : i32
    %mul3A_130 = vector.broadcast %mul3A_129 : i32 to vector<8x128xi32>
    %mul3A_131 = arith.muli %iota3A_128, %mul3A_130 : vector<8x128xi32>
    %iota3A_132 = tpu.iota {dimensions = array<i32: 1>} : vector<8x128xi32>
    %add3A_133 = arith.addi %mul3A_131, %iota3A_132 : vector<8x128xi32>
    %broadcast_in_dim3A_134 = arith.constant 0.000000e+00 : f32
    %broadcast_in_dim3A_135 = vector.broadcast %broadcast_in_dim3A_134 : f32 to vector<8x128xf32>
    %scan3A = arith.constant 0 : i32
    %scan3A_136 = arith.constant 100 : i32
    %scan3A_137 = arith.addi %scan3A, %scan3A_136 : i32
    %scan3A_138 = arith.constant 4 : i32
    %scan3A_139:7 = scf.for %scan3A_171 = %scan3A to %scan3A_137 step %scan3A_138 iter_args(%scan3A_172 = %select_n3A, %scan3A_173 = %broadcast_in_dim3A_135, %scan3A_174 = %broadcast_in_dim3A_135, %scan3A_175 = %broadcast_in_dim3A_135, %scan3A_176 = %broadcast_in_dim3A_135, %scan3A_177 = %broadcast_in_dim3A_135, %scan3A_178 = %broadcast_in_dim3A_135) -> (vector<160x128xf32>, vector<8x128xf32>, vector<8x128xf32>, vector<8x128xf32>, vector<8x128xf32>, vector<8x128xf32>, vector<8x128xf32>)  : i32 {
      %reduce_max3A = vector.shape_cast %scan3A_172 : vector<160x128xf32> to vector<1x160x128xf32>
      %reduce_max3A_179 = arith.constant dense<0xFF800000> : vector<1xf32>
      %reduce_max3A_180 = vector.multi_reduction <maximumf>, %reduce_max3A, %reduce_max3A_179 [1, 2] : vector<1x160x128xf32> to vector<1xf32>
      %reduce_max3A_181 = vector.shape_cast %reduce_max3A_180 : vector<1xf32> to vector<1x1x1xf32>
      %reduce_max3A_182 = vector.extract %reduce_max3A_181[0, 0, 0] : f32 from vector<1x1x1xf32>
      %eq3A = vector.broadcast %reduce_max3A_182 : f32 to vector<160x128xf32>
      %eq3A_183 = arith.cmpf oeq, %scan3A_172, %eq3A : vector<160x128xf32>
      %jit3A_184 = arith.constant 3.000000e+07 : f32
      %broadcast_in_dim3A_185 = vector.broadcast %jit3A_184 : f32 to vector<160x128xf32>
      %select_n3A_186 = arith.select %eq3A_183, %convert_element_type3A, %broadcast_in_dim3A_185 : vector<160x128xi1>, vector<160x128xf32>
      %reduce_min3A = vector.shape_cast %select_n3A_186 : vector<160x128xf32> to vector<1x160x128xf32>
      %reduce_min3A_187 = arith.constant dense<0x7F800000> : vector<1xf32>
      %reduce_min3A_188 = vector.multi_reduction <minimumf>, %reduce_min3A, %reduce_min3A_187 [1, 2] : vector<1x160x128xf32> to vector<1xf32>
      %reduce_min3A_189 = vector.shape_cast %reduce_min3A_188 : vector<1xf32> to vector<1x1x1xf32>
      %reduce_min3A_190 = vector.extract %reduce_min3A_189[0, 0, 0] : f32 from vector<1x1x1xf32>
      %eq3A_191 = vector.broadcast %reduce_min3A_190 : f32 to vector<160x128xf32>
      %eq3A_192 = arith.cmpf oeq, %convert_element_type3A, %eq3A_191 : vector<160x128xf32>
      %jit3A_193 = arith.constant 0.000000e+00 : f32
      %broadcast_in_dim3A_194 = vector.broadcast %jit3A_193 : f32 to vector<160x128xf32>
      %select_n3A_195 = arith.select %eq3A_192, %min3A_72, %broadcast_in_dim3A_194 : vector<160x128xi1>, vector<160x128xf32>
      %reduce_sum3A = vector.shape_cast %select_n3A_195 : vector<160x128xf32> to vector<1x160x128xf32>
      %reduce_sum3A_196 = arith.constant dense<0.000000e+00> : vector<1xf32>
      %reduce_sum3A_197 = vector.multi_reduction <add>, %reduce_sum3A, %reduce_sum3A_196 [1, 2] : vector<1x160x128xf32> to vector<1xf32>
      %reduce_sum3A_198 = vector.shape_cast %reduce_sum3A_197 : vector<1xf32> to vector<1x1x1xf32>
      %reduce_sum3A_199 = vector.extract %reduce_sum3A_198[0, 0, 0] : f32 from vector<1x1x1xf32>
      %jit3A_200 = arith.constant 0.000000e+00 : f32
      %broadcast_in_dim3A_201 = vector.broadcast %jit3A_200 : f32 to vector<160x128xf32>
      %select_n3A_202 = arith.select %eq3A_192, %min3A_82, %broadcast_in_dim3A_201 : vector<160x128xi1>, vector<160x128xf32>
      %reduce_sum3A_203 = vector.shape_cast %select_n3A_202 : vector<160x128xf32> to vector<1x160x128xf32>
      %reduce_sum3A_204 = arith.constant dense<0.000000e+00> : vector<1xf32>
      %reduce_sum3A_205 = vector.multi_reduction <add>, %reduce_sum3A_203, %reduce_sum3A_204 [1, 2] : vector<1x160x128xf32> to vector<1xf32>
      %reduce_sum3A_206 = vector.shape_cast %reduce_sum3A_205 : vector<1xf32> to vector<1x1x1xf32>
      %reduce_sum3A_207 = vector.extract %reduce_sum3A_206[0, 0, 0] : f32 from vector<1x1x1xf32>
      %jit3A_208 = arith.constant 0.000000e+00 : f32
      %broadcast_in_dim3A_209 = vector.broadcast %jit3A_208 : f32 to vector<160x128xf32>
      %select_n3A_210 = arith.select %eq3A_192, %min3A_95, %broadcast_in_dim3A_209 : vector<160x128xi1>, vector<160x128xf32>
      %reduce_sum3A_211 = vector.shape_cast %select_n3A_210 : vector<160x128xf32> to vector<1x160x128xf32>
      %reduce_sum3A_212 = arith.constant dense<0.000000e+00> : vector<1xf32>
      %reduce_sum3A_213 = vector.multi_reduction <add>, %reduce_sum3A_211, %reduce_sum3A_212 [1, 2] : vector<1x160x128xf32> to vector<1xf32>
      %reduce_sum3A_214 = vector.shape_cast %reduce_sum3A_213 : vector<1xf32> to vector<1x1x1xf32>
      %reduce_sum3A_215 = vector.extract %reduce_sum3A_214[0, 0, 0] : f32 from vector<1x1x1xf32>
      %jit3A_216 = arith.constant 0.000000e+00 : f32
      %broadcast_in_dim3A_217 = vector.broadcast %jit3A_216 : f32 to vector<160x128xf32>
      %select_n3A_218 = arith.select %eq3A_192, %min3A_108, %broadcast_in_dim3A_217 : vector<160x128xi1>, vector<160x128xf32>
      %reduce_sum3A_219 = vector.shape_cast %select_n3A_218 : vector<160x128xf32> to vector<1x160x128xf32>
      %reduce_sum3A_220 = arith.constant dense<0.000000e+00> : vector<1xf32>
      %reduce_sum3A_221 = vector.multi_reduction <add>, %reduce_sum3A_219, %reduce_sum3A_220 [1, 2] : vector<1x160x128xf32> to vector<1xf32>
      %reduce_sum3A_222 = vector.shape_cast %reduce_sum3A_221 : vector<1xf32> to vector<1x1x1xf32>
      %reduce_sum3A_223 = vector.extract %reduce_sum3A_222[0, 0, 0] : f32 from vector<1x1x1xf32>
      %jit3A_224 = arith.constant 0.000000e+00 : f32
      %broadcast_in_dim3A_225 = vector.broadcast %jit3A_224 : f32 to vector<160x128xf32>
      %select_n3A_226 = arith.select %eq3A_192, %get3A_4, %broadcast_in_dim3A_225 : vector<160x128xi1>, vector<160x128xf32>
      %reduce_sum3A_227 = vector.shape_cast %select_n3A_226 : vector<160x128xf32> to vector<1x160x128xf32>
      %reduce_sum3A_228 = arith.constant dense<0.000000e+00> : vector<1xf32>
      %reduce_sum3A_229 = vector.multi_reduction <add>, %reduce_sum3A_227, %reduce_sum3A_228 [1, 2] : vector<1x160x128xf32> to vector<1xf32>
      %reduce_sum3A_230 = vector.shape_cast %reduce_sum3A_229 : vector<1xf32> to vector<1x1x1xf32>
      %reduce_sum3A_231 = vector.extract %reduce_sum3A_230[0, 0, 0] : f32 from vector<1x1x1xf32>
      %sub3A_232 = arith.subf %reduce_sum3A_215, %reduce_sum3A_199 : f32
      %add3A_233 = arith.constant 1.000000e+00 : f32
      %add3A_234 = arith.addf %sub3A_232, %add3A_233 : f32
      %sub3A_235 = arith.subf %reduce_sum3A_223, %reduce_sum3A_207 : f32
      %add3A_236 = arith.constant 1.000000e+00 : f32
      %add3A_237 = arith.addf %sub3A_235, %add3A_236 : f32
      %mul3A_238 = arith.mulf %add3A_234, %add3A_237 : f32
      %min3A_239 = vector.broadcast %reduce_sum3A_215 : f32 to vector<160x128xf32>
      %min3A_240 = arith.minimumf %min3A_95, %min3A_239 : vector<160x128xf32>
      %max3A_241 = vector.broadcast %reduce_sum3A_199 : f32 to vector<160x128xf32>
      %max3A_242 = arith.maximumf %min3A_72, %max3A_241 : vector<160x128xf32>
      %sub3A_243 = arith.subf %min3A_240, %max3A_242 : vector<160x128xf32>
      %add3A_244 = arith.constant 1.000000e+00 : f32
      %add3A_245 = vector.broadcast %add3A_244 : f32 to vector<160x128xf32>
      %add3A_246 = arith.addf %sub3A_243, %add3A_245 : vector<160x128xf32>
      %max3A_247 = arith.constant 0.000000e+00 : f32
      %max3A_248 = vector.broadcast %max3A_247 : f32 to vector<160x128xf32>
      %max3A_249 = arith.maximumf %add3A_246, %max3A_248 : vector<160x128xf32>
      %min3A_250 = vector.broadcast %reduce_sum3A_223 : f32 to vector<160x128xf32>
      %min3A_251 = arith.minimumf %min3A_108, %min3A_250 : vector<160x128xf32>
      %max3A_252 = vector.broadcast %reduce_sum3A_207 : f32 to vector<160x128xf32>
      %max3A_253 = arith.maximumf %min3A_82, %max3A_252 : vector<160x128xf32>
      %sub3A_254 = arith.subf %min3A_251, %max3A_253 : vector<160x128xf32>
      %add3A_255 = arith.constant 1.000000e+00 : f32
      %add3A_256 = vector.broadcast %add3A_255 : f32 to vector<160x128xf32>
      %add3A_257 = arith.addf %sub3A_254, %add3A_256 : vector<160x128xf32>
      %max3A_258 = arith.constant 0.000000e+00 : f32
      %max3A_259 = vector.broadcast %max3A_258 : f32 to vector<160x128xf32>
      %max3A_260 = arith.maximumf %add3A_257, %max3A_259 : vector<160x128xf32>
      %mul3A_261 = arith.mulf %max3A_249, %max3A_260 : vector<160x128xf32>
      %add3A_262 = vector.broadcast %mul3A_238 : f32 to vector<160x128xf32>
      %add3A_263 = arith.addf %add3A_262, %mul3A_117 : vector<160x128xf32>
      %sub3A_264 = arith.subf %add3A_263, %mul3A_261 : vector<160x128xf32>
      %div3A_265 = arith.divf %mul3A_261, %sub3A_264 : vector<160x128xf32>
      %gt3A_266 = arith.constant 5.000000e-01 : f32
      %gt3A_267 = vector.broadcast %gt3A_266 : f32 to vector<160x128xf32>
      %gt3A_268 = arith.cmpf ogt, %div3A_265, %gt3A_267 : vector<160x128xf32>
      %jit3A_269 = arith.constant -1.000000e+10 : f32
      %broadcast_in_dim3A_270 = vector.broadcast %jit3A_269 : f32 to vector<160x128xf32>
      %select_n3A_271 = arith.select %gt3A_268, %broadcast_in_dim3A_270, %scan3A_172 : vector<160x128xi1>, vector<160x128xf32>
      %eq3A_272 = vector.broadcast %scan3A_171 : i32 to vector<8x128xi32>
      %eq3A_273 = arith.cmpi eq, %add3A_133, %eq3A_272 : vector<8x128xi32>
      %broadcast_in_dim3A_274 = vector.broadcast %reduce_max3A_182 : f32 to vector<8x128xf32>
      %select_n3A_275 = arith.select %eq3A_273, %broadcast_in_dim3A_274, %scan3A_173 : vector<8x128xi1>, vector<8x128xf32>
      %broadcast_in_dim3A_276 = vector.broadcast %reduce_sum3A_231 : f32 to vector<8x128xf32>
      %select_n3A_277 = arith.select %eq3A_273, %broadcast_in_dim3A_276, %scan3A_174 : vector<8x128xi1>, vector<8x128xf32>
      %broadcast_in_dim3A_278 = vector.broadcast %reduce_sum3A_199 : f32 to vector<8x128xf32>
      %select_n3A_279 = arith.select %eq3A_273, %broadcast_in_dim3A_278, %scan3A_175 : vector<8x128xi1>, vector<8x128xf32>
      %broadcast_in_dim3A_280 = vector.broadcast %reduce_sum3A_207 : f32 to vector<8x128xf32>
      %select_n3A_281 = arith.select %eq3A_273, %broadcast_in_dim3A_280, %scan3A_176 : vector<8x128xi1>, vector<8x128xf32>
      %broadcast_in_dim3A_282 = vector.broadcast %reduce_sum3A_215 : f32 to vector<8x128xf32>
      %select_n3A_283 = arith.select %eq3A_273, %broadcast_in_dim3A_282, %scan3A_177 : vector<8x128xi1>, vector<8x128xf32>
      %broadcast_in_dim3A_284 = vector.broadcast %reduce_sum3A_223 : f32 to vector<8x128xf32>
      %select_n3A_285 = arith.select %eq3A_273, %broadcast_in_dim3A_284, %scan3A_178 : vector<8x128xi1>, vector<8x128xf32>
      %scan3A_286 = arith.constant 1 : i32
      %scan3A_287 = arith.addi %scan3A_171, %scan3A_286 : i32
      %reduce_max3A_288 = vector.shape_cast %select_n3A_271 : vector<160x128xf32> to vector<1x160x128xf32>
      %reduce_max3A_289 = arith.constant dense<0xFF800000> : vector<1xf32>
      %reduce_max3A_290 = vector.multi_reduction <maximumf>, %reduce_max3A_288, %reduce_max3A_289 [1, 2] : vector<1x160x128xf32> to vector<1xf32>
      %reduce_max3A_291 = vector.shape_cast %reduce_max3A_290 : vector<1xf32> to vector<1x1x1xf32>
      %reduce_max3A_292 = vector.extract %reduce_max3A_291[0, 0, 0] : f32 from vector<1x1x1xf32>
      %eq3A_293 = vector.broadcast %reduce_max3A_292 : f32 to vector<160x128xf32>
      %eq3A_294 = arith.cmpf oeq, %select_n3A_271, %eq3A_293 : vector<160x128xf32>
      %jit3A_295 = arith.constant 3.000000e+07 : f32
      %broadcast_in_dim3A_296 = vector.broadcast %jit3A_295 : f32 to vector<160x128xf32>
      %select_n3A_297 = arith.select %eq3A_294, %convert_element_type3A, %broadcast_in_dim3A_296 : vector<160x128xi1>, vector<160x128xf32>
      %reduce_min3A_298 = vector.shape_cast %select_n3A_297 : vector<160x128xf32> to vector<1x160x128xf32>
      %reduce_min3A_299 = arith.constant dense<0x7F800000> : vector<1xf32>
      %reduce_min3A_300 = vector.multi_reduction <minimumf>, %reduce_min3A_298, %reduce_min3A_299 [1, 2] : vector<1x160x128xf32> to vector<1xf32>
      %reduce_min3A_301 = vector.shape_cast %reduce_min3A_300 : vector<1xf32> to vector<1x1x1xf32>
      %reduce_min3A_302 = vector.extract %reduce_min3A_301[0, 0, 0] : f32 from vector<1x1x1xf32>
      %eq3A_303 = vector.broadcast %reduce_min3A_302 : f32 to vector<160x128xf32>
      %eq3A_304 = arith.cmpf oeq, %convert_element_type3A, %eq3A_303 : vector<160x128xf32>
      %jit3A_305 = arith.constant 0.000000e+00 : f32
      %broadcast_in_dim3A_306 = vector.broadcast %jit3A_305 : f32 to vector<160x128xf32>
      %select_n3A_307 = arith.select %eq3A_304, %min3A_72, %broadcast_in_dim3A_306 : vector<160x128xi1>, vector<160x128xf32>
      %reduce_sum3A_308 = vector.shape_cast %select_n3A_307 : vector<160x128xf32> to vector<1x160x128xf32>
      %reduce_sum3A_309 = arith.constant dense<0.000000e+00> : vector<1xf32>
      %reduce_sum3A_310 = vector.multi_reduction <add>, %reduce_sum3A_308, %reduce_sum3A_309 [1, 2] : vector<1x160x128xf32> to vector<1xf32>
      %reduce_sum3A_311 = vector.shape_cast %reduce_sum3A_310 : vector<1xf32> to vector<1x1x1xf32>
      %reduce_sum3A_312 = vector.extract %reduce_sum3A_311[0, 0, 0] : f32 from vector<1x1x1xf32>
      %jit3A_313 = arith.constant 0.000000e+00 : f32
      %broadcast_in_dim3A_314 = vector.broadcast %jit3A_313 : f32 to vector<160x128xf32>
      %select_n3A_315 = arith.select %eq3A_304, %min3A_82, %broadcast_in_dim3A_314 : vector<160x128xi1>, vector<160x128xf32>
      %reduce_sum3A_316 = vector.shape_cast %select_n3A_315 : vector<160x128xf32> to vector<1x160x128xf32>
      %reduce_sum3A_317 = arith.constant dense<0.000000e+00> : vector<1xf32>
      %reduce_sum3A_318 = vector.multi_reduction <add>, %reduce_sum3A_316, %reduce_sum3A_317 [1, 2] : vector<1x160x128xf32> to vector<1xf32>
      %reduce_sum3A_319 = vector.shape_cast %reduce_sum3A_318 : vector<1xf32> to vector<1x1x1xf32>
      %reduce_sum3A_320 = vector.extract %reduce_sum3A_319[0, 0, 0] : f32 from vector<1x1x1xf32>
      %jit3A_321 = arith.constant 0.000000e+00 : f32
      %broadcast_in_dim3A_322 = vector.broadcast %jit3A_321 : f32 to vector<160x128xf32>
      %select_n3A_323 = arith.select %eq3A_304, %min3A_95, %broadcast_in_dim3A_322 : vector<160x128xi1>, vector<160x128xf32>
      %reduce_sum3A_324 = vector.shape_cast %select_n3A_323 : vector<160x128xf32> to vector<1x160x128xf32>
      %reduce_sum3A_325 = arith.constant dense<0.000000e+00> : vector<1xf32>
      %reduce_sum3A_326 = vector.multi_reduction <add>, %reduce_sum3A_324, %reduce_sum3A_325 [1, 2] : vector<1x160x128xf32> to vector<1xf32>
      %reduce_sum3A_327 = vector.shape_cast %reduce_sum3A_326 : vector<1xf32> to vector<1x1x1xf32>
      %reduce_sum3A_328 = vector.extract %reduce_sum3A_327[0, 0, 0] : f32 from vector<1x1x1xf32>
      %jit3A_329 = arith.constant 0.000000e+00 : f32
      %broadcast_in_dim3A_330 = vector.broadcast %jit3A_329 : f32 to vector<160x128xf32>
      %select_n3A_331 = arith.select %eq3A_304, %min3A_108, %broadcast_in_dim3A_330 : vector<160x128xi1>, vector<160x128xf32>
      %reduce_sum3A_332 = vector.shape_cast %select_n3A_331 : vector<160x128xf32> to vector<1x160x128xf32>
      %reduce_sum3A_333 = arith.constant dense<0.000000e+00> : vector<1xf32>
      %reduce_sum3A_334 = vector.multi_reduction <add>, %reduce_sum3A_332, %reduce_sum3A_333 [1, 2] : vector<1x160x128xf32> to vector<1xf32>
      %reduce_sum3A_335 = vector.shape_cast %reduce_sum3A_334 : vector<1xf32> to vector<1x1x1xf32>
      %reduce_sum3A_336 = vector.extract %reduce_sum3A_335[0, 0, 0] : f32 from vector<1x1x1xf32>
      %jit3A_337 = arith.constant 0.000000e+00 : f32
      %broadcast_in_dim3A_338 = vector.broadcast %jit3A_337 : f32 to vector<160x128xf32>
      %select_n3A_339 = arith.select %eq3A_304, %get3A_4, %broadcast_in_dim3A_338 : vector<160x128xi1>, vector<160x128xf32>
      %reduce_sum3A_340 = vector.shape_cast %select_n3A_339 : vector<160x128xf32> to vector<1x160x128xf32>
      %reduce_sum3A_341 = arith.constant dense<0.000000e+00> : vector<1xf32>
      %reduce_sum3A_342 = vector.multi_reduction <add>, %reduce_sum3A_340, %reduce_sum3A_341 [1, 2] : vector<1x160x128xf32> to vector<1xf32>
      %reduce_sum3A_343 = vector.shape_cast %reduce_sum3A_342 : vector<1xf32> to vector<1x1x1xf32>
      %reduce_sum3A_344 = vector.extract %reduce_sum3A_343[0, 0, 0] : f32 from vector<1x1x1xf32>
      %sub3A_345 = arith.subf %reduce_sum3A_328, %reduce_sum3A_312 : f32
      %add3A_346 = arith.constant 1.000000e+00 : f32
      %add3A_347 = arith.addf %sub3A_345, %add3A_346 : f32
      %sub3A_348 = arith.subf %reduce_sum3A_336, %reduce_sum3A_320 : f32
      %add3A_349 = arith.constant 1.000000e+00 : f32
      %add3A_350 = arith.addf %sub3A_348, %add3A_349 : f32
      %mul3A_351 = arith.mulf %add3A_347, %add3A_350 : f32
      %min3A_352 = vector.broadcast %reduce_sum3A_328 : f32 to vector<160x128xf32>
      %min3A_353 = arith.minimumf %min3A_95, %min3A_352 : vector<160x128xf32>
      %max3A_354 = vector.broadcast %reduce_sum3A_312 : f32 to vector<160x128xf32>
      %max3A_355 = arith.maximumf %min3A_72, %max3A_354 : vector<160x128xf32>
      %sub3A_356 = arith.subf %min3A_353, %max3A_355 : vector<160x128xf32>
      %add3A_357 = arith.constant 1.000000e+00 : f32
      %add3A_358 = vector.broadcast %add3A_357 : f32 to vector<160x128xf32>
      %add3A_359 = arith.addf %sub3A_356, %add3A_358 : vector<160x128xf32>
      %max3A_360 = arith.constant 0.000000e+00 : f32
      %max3A_361 = vector.broadcast %max3A_360 : f32 to vector<160x128xf32>
      %max3A_362 = arith.maximumf %add3A_359, %max3A_361 : vector<160x128xf32>
      %min3A_363 = vector.broadcast %reduce_sum3A_336 : f32 to vector<160x128xf32>
      %min3A_364 = arith.minimumf %min3A_108, %min3A_363 : vector<160x128xf32>
      %max3A_365 = vector.broadcast %reduce_sum3A_320 : f32 to vector<160x128xf32>
      %max3A_366 = arith.maximumf %min3A_82, %max3A_365 : vector<160x128xf32>
      %sub3A_367 = arith.subf %min3A_364, %max3A_366 : vector<160x128xf32>
      %add3A_368 = arith.constant 1.000000e+00 : f32
      %add3A_369 = vector.broadcast %add3A_368 : f32 to vector<160x128xf32>
      %add3A_370 = arith.addf %sub3A_367, %add3A_369 : vector<160x128xf32>
      %max3A_371 = arith.constant 0.000000e+00 : f32
      %max3A_372 = vector.broadcast %max3A_371 : f32 to vector<160x128xf32>
      %max3A_373 = arith.maximumf %add3A_370, %max3A_372 : vector<160x128xf32>
      %mul3A_374 = arith.mulf %max3A_362, %max3A_373 : vector<160x128xf32>
      %add3A_375 = vector.broadcast %mul3A_351 : f32 to vector<160x128xf32>
      %add3A_376 = arith.addf %add3A_375, %mul3A_117 : vector<160x128xf32>
      %sub3A_377 = arith.subf %add3A_376, %mul3A_374 : vector<160x128xf32>
      %div3A_378 = arith.divf %mul3A_374, %sub3A_377 : vector<160x128xf32>
      %gt3A_379 = arith.constant 5.000000e-01 : f32
      %gt3A_380 = vector.broadcast %gt3A_379 : f32 to vector<160x128xf32>
      %gt3A_381 = arith.cmpf ogt, %div3A_378, %gt3A_380 : vector<160x128xf32>
      %jit3A_382 = arith.constant -1.000000e+10 : f32
      %broadcast_in_dim3A_383 = vector.broadcast %jit3A_382 : f32 to vector<160x128xf32>
      %select_n3A_384 = arith.select %gt3A_381, %broadcast_in_dim3A_383, %select_n3A_271 : vector<160x128xi1>, vector<160x128xf32>
      %eq3A_385 = vector.broadcast %scan3A_287 : i32 to vector<8x128xi32>
      %eq3A_386 = arith.cmpi eq, %add3A_133, %eq3A_385 : vector<8x128xi32>
      %broadcast_in_dim3A_387 = vector.broadcast %reduce_max3A_292 : f32 to vector<8x128xf32>
      %select_n3A_388 = arith.select %eq3A_386, %broadcast_in_dim3A_387, %select_n3A_275 : vector<8x128xi1>, vector<8x128xf32>
      %broadcast_in_dim3A_389 = vector.broadcast %reduce_sum3A_344 : f32 to vector<8x128xf32>
      %select_n3A_390 = arith.select %eq3A_386, %broadcast_in_dim3A_389, %select_n3A_277 : vector<8x128xi1>, vector<8x128xf32>
      %broadcast_in_dim3A_391 = vector.broadcast %reduce_sum3A_312 : f32 to vector<8x128xf32>
      %select_n3A_392 = arith.select %eq3A_386, %broadcast_in_dim3A_391, %select_n3A_279 : vector<8x128xi1>, vector<8x128xf32>
      %broadcast_in_dim3A_393 = vector.broadcast %reduce_sum3A_320 : f32 to vector<8x128xf32>
      %select_n3A_394 = arith.select %eq3A_386, %broadcast_in_dim3A_393, %select_n3A_281 : vector<8x128xi1>, vector<8x128xf32>
      %broadcast_in_dim3A_395 = vector.broadcast %reduce_sum3A_328 : f32 to vector<8x128xf32>
      %select_n3A_396 = arith.select %eq3A_386, %broadcast_in_dim3A_395, %select_n3A_283 : vector<8x128xi1>, vector<8x128xf32>
      %broadcast_in_dim3A_397 = vector.broadcast %reduce_sum3A_336 : f32 to vector<8x128xf32>
      %select_n3A_398 = arith.select %eq3A_386, %broadcast_in_dim3A_397, %select_n3A_285 : vector<8x128xi1>, vector<8x128xf32>
      %scan3A_399 = arith.constant 2 : i32
      %scan3A_400 = arith.addi %scan3A_171, %scan3A_399 : i32
      %reduce_max3A_401 = vector.shape_cast %select_n3A_384 : vector<160x128xf32> to vector<1x160x128xf32>
      %reduce_max3A_402 = arith.constant dense<0xFF800000> : vector<1xf32>
      %reduce_max3A_403 = vector.multi_reduction <maximumf>, %reduce_max3A_401, %reduce_max3A_402 [1, 2] : vector<1x160x128xf32> to vector<1xf32>
      %reduce_max3A_404 = vector.shape_cast %reduce_max3A_403 : vector<1xf32> to vector<1x1x1xf32>
      %reduce_max3A_405 = vector.extract %reduce_max3A_404[0, 0, 0] : f32 from vector<1x1x1xf32>
      %eq3A_406 = vector.broadcast %reduce_max3A_405 : f32 to vector<160x128xf32>
      %eq3A_407 = arith.cmpf oeq, %select_n3A_384, %eq3A_406 : vector<160x128xf32>
      %jit3A_408 = arith.constant 3.000000e+07 : f32
      %broadcast_in_dim3A_409 = vector.broadcast %jit3A_408 : f32 to vector<160x128xf32>
      %select_n3A_410 = arith.select %eq3A_407, %convert_element_type3A, %broadcast_in_dim3A_409 : vector<160x128xi1>, vector<160x128xf32>
      %reduce_min3A_411 = vector.shape_cast %select_n3A_410 : vector<160x128xf32> to vector<1x160x128xf32>
      %reduce_min3A_412 = arith.constant dense<0x7F800000> : vector<1xf32>
      %reduce_min3A_413 = vector.multi_reduction <minimumf>, %reduce_min3A_411, %reduce_min3A_412 [1, 2] : vector<1x160x128xf32> to vector<1xf32>
      %reduce_min3A_414 = vector.shape_cast %reduce_min3A_413 : vector<1xf32> to vector<1x1x1xf32>
      %reduce_min3A_415 = vector.extract %reduce_min3A_414[0, 0, 0] : f32 from vector<1x1x1xf32>
      %eq3A_416 = vector.broadcast %reduce_min3A_415 : f32 to vector<160x128xf32>
      %eq3A_417 = arith.cmpf oeq, %convert_element_type3A, %eq3A_416 : vector<160x128xf32>
      %jit3A_418 = arith.constant 0.000000e+00 : f32
      %broadcast_in_dim3A_419 = vector.broadcast %jit3A_418 : f32 to vector<160x128xf32>
      %select_n3A_420 = arith.select %eq3A_417, %min3A_72, %broadcast_in_dim3A_419 : vector<160x128xi1>, vector<160x128xf32>
      %reduce_sum3A_421 = vector.shape_cast %select_n3A_420 : vector<160x128xf32> to vector<1x160x128xf32>
      %reduce_sum3A_422 = arith.constant dense<0.000000e+00> : vector<1xf32>
      %reduce_sum3A_423 = vector.multi_reduction <add>, %reduce_sum3A_421, %reduce_sum3A_422 [1, 2] : vector<1x160x128xf32> to vector<1xf32>
      %reduce_sum3A_424 = vector.shape_cast %reduce_sum3A_423 : vector<1xf32> to vector<1x1x1xf32>
      %reduce_sum3A_425 = vector.extract %reduce_sum3A_424[0, 0, 0] : f32 from vector<1x1x1xf32>
      %jit3A_426 = arith.constant 0.000000e+00 : f32
      %broadcast_in_dim3A_427 = vector.broadcast %jit3A_426 : f32 to vector<160x128xf32>
      %select_n3A_428 = arith.select %eq3A_417, %min3A_82, %broadcast_in_dim3A_427 : vector<160x128xi1>, vector<160x128xf32>
      %reduce_sum3A_429 = vector.shape_cast %select_n3A_428 : vector<160x128xf32> to vector<1x160x128xf32>
      %reduce_sum3A_430 = arith.constant dense<0.000000e+00> : vector<1xf32>
      %reduce_sum3A_431 = vector.multi_reduction <add>, %reduce_sum3A_429, %reduce_sum3A_430 [1, 2] : vector<1x160x128xf32> to vector<1xf32>
      %reduce_sum3A_432 = vector.shape_cast %reduce_sum3A_431 : vector<1xf32> to vector<1x1x1xf32>
      %reduce_sum3A_433 = vector.extract %reduce_sum3A_432[0, 0, 0] : f32 from vector<1x1x1xf32>
      %jit3A_434 = arith.constant 0.000000e+00 : f32
      %broadcast_in_dim3A_435 = vector.broadcast %jit3A_434 : f32 to vector<160x128xf32>
      %select_n3A_436 = arith.select %eq3A_417, %min3A_95, %broadcast_in_dim3A_435 : vector<160x128xi1>, vector<160x128xf32>
      %reduce_sum3A_437 = vector.shape_cast %select_n3A_436 : vector<160x128xf32> to vector<1x160x128xf32>
      %reduce_sum3A_438 = arith.constant dense<0.000000e+00> : vector<1xf32>
      %reduce_sum3A_439 = vector.multi_reduction <add>, %reduce_sum3A_437, %reduce_sum3A_438 [1, 2] : vector<1x160x128xf32> to vector<1xf32>
      %reduce_sum3A_440 = vector.shape_cast %reduce_sum3A_439 : vector<1xf32> to vector<1x1x1xf32>
      %reduce_sum3A_441 = vector.extract %reduce_sum3A_440[0, 0, 0] : f32 from vector<1x1x1xf32>
      %jit3A_442 = arith.constant 0.000000e+00 : f32
      %broadcast_in_dim3A_443 = vector.broadcast %jit3A_442 : f32 to vector<160x128xf32>
      %select_n3A_444 = arith.select %eq3A_417, %min3A_108, %broadcast_in_dim3A_443 : vector<160x128xi1>, vector<160x128xf32>
      %reduce_sum3A_445 = vector.shape_cast %select_n3A_444 : vector<160x128xf32> to vector<1x160x128xf32>
      %reduce_sum3A_446 = arith.constant dense<0.000000e+00> : vector<1xf32>
      %reduce_sum3A_447 = vector.multi_reduction <add>, %reduce_sum3A_445, %reduce_sum3A_446 [1, 2] : vector<1x160x128xf32> to vector<1xf32>
      %reduce_sum3A_448 = vector.shape_cast %reduce_sum3A_447 : vector<1xf32> to vector<1x1x1xf32>
      %reduce_sum3A_449 = vector.extract %reduce_sum3A_448[0, 0, 0] : f32 from vector<1x1x1xf32>
      %jit3A_450 = arith.constant 0.000000e+00 : f32
      %broadcast_in_dim3A_451 = vector.broadcast %jit3A_450 : f32 to vector<160x128xf32>
      %select_n3A_452 = arith.select %eq3A_417, %get3A_4, %broadcast_in_dim3A_451 : vector<160x128xi1>, vector<160x128xf32>
      %reduce_sum3A_453 = vector.shape_cast %select_n3A_452 : vector<160x128xf32> to vector<1x160x128xf32>
      %reduce_sum3A_454 = arith.constant dense<0.000000e+00> : vector<1xf32>
      %reduce_sum3A_455 = vector.multi_reduction <add>, %reduce_sum3A_453, %reduce_sum3A_454 [1, 2] : vector<1x160x128xf32> to vector<1xf32>
      %reduce_sum3A_456 = vector.shape_cast %reduce_sum3A_455 : vector<1xf32> to vector<1x1x1xf32>
      %reduce_sum3A_457 = vector.extract %reduce_sum3A_456[0, 0, 0] : f32 from vector<1x1x1xf32>
      %sub3A_458 = arith.subf %reduce_sum3A_441, %reduce_sum3A_425 : f32
      %add3A_459 = arith.constant 1.000000e+00 : f32
      %add3A_460 = arith.addf %sub3A_458, %add3A_459 : f32
      %sub3A_461 = arith.subf %reduce_sum3A_449, %reduce_sum3A_433 : f32
      %add3A_462 = arith.constant 1.000000e+00 : f32
      %add3A_463 = arith.addf %sub3A_461, %add3A_462 : f32
      %mul3A_464 = arith.mulf %add3A_460, %add3A_463 : f32
      %min3A_465 = vector.broadcast %reduce_sum3A_441 : f32 to vector<160x128xf32>
      %min3A_466 = arith.minimumf %min3A_95, %min3A_465 : vector<160x128xf32>
      %max3A_467 = vector.broadcast %reduce_sum3A_425 : f32 to vector<160x128xf32>
      %max3A_468 = arith.maximumf %min3A_72, %max3A_467 : vector<160x128xf32>
      %sub3A_469 = arith.subf %min3A_466, %max3A_468 : vector<160x128xf32>
      %add3A_470 = arith.constant 1.000000e+00 : f32
      %add3A_471 = vector.broadcast %add3A_470 : f32 to vector<160x128xf32>
      %add3A_472 = arith.addf %sub3A_469, %add3A_471 : vector<160x128xf32>
      %max3A_473 = arith.constant 0.000000e+00 : f32
      %max3A_474 = vector.broadcast %max3A_473 : f32 to vector<160x128xf32>
      %max3A_475 = arith.maximumf %add3A_472, %max3A_474 : vector<160x128xf32>
      %min3A_476 = vector.broadcast %reduce_sum3A_449 : f32 to vector<160x128xf32>
      %min3A_477 = arith.minimumf %min3A_108, %min3A_476 : vector<160x128xf32>
      %max3A_478 = vector.broadcast %reduce_sum3A_433 : f32 to vector<160x128xf32>
      %max3A_479 = arith.maximumf %min3A_82, %max3A_478 : vector<160x128xf32>
      %sub3A_480 = arith.subf %min3A_477, %max3A_479 : vector<160x128xf32>
      %add3A_481 = arith.constant 1.000000e+00 : f32
      %add3A_482 = vector.broadcast %add3A_481 : f32 to vector<160x128xf32>
      %add3A_483 = arith.addf %sub3A_480, %add3A_482 : vector<160x128xf32>
      %max3A_484 = arith.constant 0.000000e+00 : f32
      %max3A_485 = vector.broadcast %max3A_484 : f32 to vector<160x128xf32>
      %max3A_486 = arith.maximumf %add3A_483, %max3A_485 : vector<160x128xf32>
      %mul3A_487 = arith.mulf %max3A_475, %max3A_486 : vector<160x128xf32>
      %add3A_488 = vector.broadcast %mul3A_464 : f32 to vector<160x128xf32>
      %add3A_489 = arith.addf %add3A_488, %mul3A_117 : vector<160x128xf32>
      %sub3A_490 = arith.subf %add3A_489, %mul3A_487 : vector<160x128xf32>
      %div3A_491 = arith.divf %mul3A_487, %sub3A_490 : vector<160x128xf32>
      %gt3A_492 = arith.constant 5.000000e-01 : f32
      %gt3A_493 = vector.broadcast %gt3A_492 : f32 to vector<160x128xf32>
      %gt3A_494 = arith.cmpf ogt, %div3A_491, %gt3A_493 : vector<160x128xf32>
      %jit3A_495 = arith.constant -1.000000e+10 : f32
      %broadcast_in_dim3A_496 = vector.broadcast %jit3A_495 : f32 to vector<160x128xf32>
      %select_n3A_497 = arith.select %gt3A_494, %broadcast_in_dim3A_496, %select_n3A_384 : vector<160x128xi1>, vector<160x128xf32>
      %eq3A_498 = vector.broadcast %scan3A_400 : i32 to vector<8x128xi32>
      %eq3A_499 = arith.cmpi eq, %add3A_133, %eq3A_498 : vector<8x128xi32>
      %broadcast_in_dim3A_500 = vector.broadcast %reduce_max3A_405 : f32 to vector<8x128xf32>
      %select_n3A_501 = arith.select %eq3A_499, %broadcast_in_dim3A_500, %select_n3A_388 : vector<8x128xi1>, vector<8x128xf32>
      %broadcast_in_dim3A_502 = vector.broadcast %reduce_sum3A_457 : f32 to vector<8x128xf32>
      %select_n3A_503 = arith.select %eq3A_499, %broadcast_in_dim3A_502, %select_n3A_390 : vector<8x128xi1>, vector<8x128xf32>
      %broadcast_in_dim3A_504 = vector.broadcast %reduce_sum3A_425 : f32 to vector<8x128xf32>
      %select_n3A_505 = arith.select %eq3A_499, %broadcast_in_dim3A_504, %select_n3A_392 : vector<8x128xi1>, vector<8x128xf32>
      %broadcast_in_dim3A_506 = vector.broadcast %reduce_sum3A_433 : f32 to vector<8x128xf32>
      %select_n3A_507 = arith.select %eq3A_499, %broadcast_in_dim3A_506, %select_n3A_394 : vector<8x128xi1>, vector<8x128xf32>
      %broadcast_in_dim3A_508 = vector.broadcast %reduce_sum3A_441 : f32 to vector<8x128xf32>
      %select_n3A_509 = arith.select %eq3A_499, %broadcast_in_dim3A_508, %select_n3A_396 : vector<8x128xi1>, vector<8x128xf32>
      %broadcast_in_dim3A_510 = vector.broadcast %reduce_sum3A_449 : f32 to vector<8x128xf32>
      %select_n3A_511 = arith.select %eq3A_499, %broadcast_in_dim3A_510, %select_n3A_398 : vector<8x128xi1>, vector<8x128xf32>
      %scan3A_512 = arith.constant 3 : i32
      %scan3A_513 = arith.addi %scan3A_171, %scan3A_512 : i32
      %reduce_max3A_514 = vector.shape_cast %select_n3A_497 : vector<160x128xf32> to vector<1x160x128xf32>
      %reduce_max3A_515 = arith.constant dense<0xFF800000> : vector<1xf32>
      %reduce_max3A_516 = vector.multi_reduction <maximumf>, %reduce_max3A_514, %reduce_max3A_515 [1, 2] : vector<1x160x128xf32> to vector<1xf32>
      %reduce_max3A_517 = vector.shape_cast %reduce_max3A_516 : vector<1xf32> to vector<1x1x1xf32>
      %reduce_max3A_518 = vector.extract %reduce_max3A_517[0, 0, 0] : f32 from vector<1x1x1xf32>
      %eq3A_519 = vector.broadcast %reduce_max3A_518 : f32 to vector<160x128xf32>
      %eq3A_520 = arith.cmpf oeq, %select_n3A_497, %eq3A_519 : vector<160x128xf32>
      %jit3A_521 = arith.constant 3.000000e+07 : f32
      %broadcast_in_dim3A_522 = vector.broadcast %jit3A_521 : f32 to vector<160x128xf32>
      %select_n3A_523 = arith.select %eq3A_520, %convert_element_type3A, %broadcast_in_dim3A_522 : vector<160x128xi1>, vector<160x128xf32>
      %reduce_min3A_524 = vector.shape_cast %select_n3A_523 : vector<160x128xf32> to vector<1x160x128xf32>
      %reduce_min3A_525 = arith.constant dense<0x7F800000> : vector<1xf32>
      %reduce_min3A_526 = vector.multi_reduction <minimumf>, %reduce_min3A_524, %reduce_min3A_525 [1, 2] : vector<1x160x128xf32> to vector<1xf32>
      %reduce_min3A_527 = vector.shape_cast %reduce_min3A_526 : vector<1xf32> to vector<1x1x1xf32>
      %reduce_min3A_528 = vector.extract %reduce_min3A_527[0, 0, 0] : f32 from vector<1x1x1xf32>
      %eq3A_529 = vector.broadcast %reduce_min3A_528 : f32 to vector<160x128xf32>
      %eq3A_530 = arith.cmpf oeq, %convert_element_type3A, %eq3A_529 : vector<160x128xf32>
      %jit3A_531 = arith.constant 0.000000e+00 : f32
      %broadcast_in_dim3A_532 = vector.broadcast %jit3A_531 : f32 to vector<160x128xf32>
      %select_n3A_533 = arith.select %eq3A_530, %min3A_72, %broadcast_in_dim3A_532 : vector<160x128xi1>, vector<160x128xf32>
      %reduce_sum3A_534 = vector.shape_cast %select_n3A_533 : vector<160x128xf32> to vector<1x160x128xf32>
      %reduce_sum3A_535 = arith.constant dense<0.000000e+00> : vector<1xf32>
      %reduce_sum3A_536 = vector.multi_reduction <add>, %reduce_sum3A_534, %reduce_sum3A_535 [1, 2] : vector<1x160x128xf32> to vector<1xf32>
      %reduce_sum3A_537 = vector.shape_cast %reduce_sum3A_536 : vector<1xf32> to vector<1x1x1xf32>
      %reduce_sum3A_538 = vector.extract %reduce_sum3A_537[0, 0, 0] : f32 from vector<1x1x1xf32>
      %jit3A_539 = arith.constant 0.000000e+00 : f32
      %broadcast_in_dim3A_540 = vector.broadcast %jit3A_539 : f32 to vector<160x128xf32>
      %select_n3A_541 = arith.select %eq3A_530, %min3A_82, %broadcast_in_dim3A_540 : vector<160x128xi1>, vector<160x128xf32>
      %reduce_sum3A_542 = vector.shape_cast %select_n3A_541 : vector<160x128xf32> to vector<1x160x128xf32>
      %reduce_sum3A_543 = arith.constant dense<0.000000e+00> : vector<1xf32>
      %reduce_sum3A_544 = vector.multi_reduction <add>, %reduce_sum3A_542, %reduce_sum3A_543 [1, 2] : vector<1x160x128xf32> to vector<1xf32>
      %reduce_sum3A_545 = vector.shape_cast %reduce_sum3A_544 : vector<1xf32> to vector<1x1x1xf32>
      %reduce_sum3A_546 = vector.extract %reduce_sum3A_545[0, 0, 0] : f32 from vector<1x1x1xf32>
      %jit3A_547 = arith.constant 0.000000e+00 : f32
      %broadcast_in_dim3A_548 = vector.broadcast %jit3A_547 : f32 to vector<160x128xf32>
      %select_n3A_549 = arith.select %eq3A_530, %min3A_95, %broadcast_in_dim3A_548 : vector<160x128xi1>, vector<160x128xf32>
      %reduce_sum3A_550 = vector.shape_cast %select_n3A_549 : vector<160x128xf32> to vector<1x160x128xf32>
      %reduce_sum3A_551 = arith.constant dense<0.000000e+00> : vector<1xf32>
      %reduce_sum3A_552 = vector.multi_reduction <add>, %reduce_sum3A_550, %reduce_sum3A_551 [1, 2] : vector<1x160x128xf32> to vector<1xf32>
      %reduce_sum3A_553 = vector.shape_cast %reduce_sum3A_552 : vector<1xf32> to vector<1x1x1xf32>
      %reduce_sum3A_554 = vector.extract %reduce_sum3A_553[0, 0, 0] : f32 from vector<1x1x1xf32>
      %jit3A_555 = arith.constant 0.000000e+00 : f32
      %broadcast_in_dim3A_556 = vector.broadcast %jit3A_555 : f32 to vector<160x128xf32>
      %select_n3A_557 = arith.select %eq3A_530, %min3A_108, %broadcast_in_dim3A_556 : vector<160x128xi1>, vector<160x128xf32>
      %reduce_sum3A_558 = vector.shape_cast %select_n3A_557 : vector<160x128xf32> to vector<1x160x128xf32>
      %reduce_sum3A_559 = arith.constant dense<0.000000e+00> : vector<1xf32>
      %reduce_sum3A_560 = vector.multi_reduction <add>, %reduce_sum3A_558, %reduce_sum3A_559 [1, 2] : vector<1x160x128xf32> to vector<1xf32>
      %reduce_sum3A_561 = vector.shape_cast %reduce_sum3A_560 : vector<1xf32> to vector<1x1x1xf32>
      %reduce_sum3A_562 = vector.extract %reduce_sum3A_561[0, 0, 0] : f32 from vector<1x1x1xf32>
      %jit3A_563 = arith.constant 0.000000e+00 : f32
      %broadcast_in_dim3A_564 = vector.broadcast %jit3A_563 : f32 to vector<160x128xf32>
      %select_n3A_565 = arith.select %eq3A_530, %get3A_4, %broadcast_in_dim3A_564 : vector<160x128xi1>, vector<160x128xf32>
      %reduce_sum3A_566 = vector.shape_cast %select_n3A_565 : vector<160x128xf32> to vector<1x160x128xf32>
      %reduce_sum3A_567 = arith.constant dense<0.000000e+00> : vector<1xf32>
      %reduce_sum3A_568 = vector.multi_reduction <add>, %reduce_sum3A_566, %reduce_sum3A_567 [1, 2] : vector<1x160x128xf32> to vector<1xf32>
      %reduce_sum3A_569 = vector.shape_cast %reduce_sum3A_568 : vector<1xf32> to vector<1x1x1xf32>
      %reduce_sum3A_570 = vector.extract %reduce_sum3A_569[0, 0, 0] : f32 from vector<1x1x1xf32>
      %sub3A_571 = arith.subf %reduce_sum3A_554, %reduce_sum3A_538 : f32
      %add3A_572 = arith.constant 1.000000e+00 : f32
      %add3A_573 = arith.addf %sub3A_571, %add3A_572 : f32
      %sub3A_574 = arith.subf %reduce_sum3A_562, %reduce_sum3A_546 : f32
      %add3A_575 = arith.constant 1.000000e+00 : f32
      %add3A_576 = arith.addf %sub3A_574, %add3A_575 : f32
      %mul3A_577 = arith.mulf %add3A_573, %add3A_576 : f32
      %min3A_578 = vector.broadcast %reduce_sum3A_554 : f32 to vector<160x128xf32>
      %min3A_579 = arith.minimumf %min3A_95, %min3A_578 : vector<160x128xf32>
      %max3A_580 = vector.broadcast %reduce_sum3A_538 : f32 to vector<160x128xf32>
      %max3A_581 = arith.maximumf %min3A_72, %max3A_580 : vector<160x128xf32>
      %sub3A_582 = arith.subf %min3A_579, %max3A_581 : vector<160x128xf32>
      %add3A_583 = arith.constant 1.000000e+00 : f32
      %add3A_584 = vector.broadcast %add3A_583 : f32 to vector<160x128xf32>
      %add3A_585 = arith.addf %sub3A_582, %add3A_584 : vector<160x128xf32>
      %max3A_586 = arith.constant 0.000000e+00 : f32
      %max3A_587 = vector.broadcast %max3A_586 : f32 to vector<160x128xf32>
      %max3A_588 = arith.maximumf %add3A_585, %max3A_587 : vector<160x128xf32>
      %min3A_589 = vector.broadcast %reduce_sum3A_562 : f32 to vector<160x128xf32>
      %min3A_590 = arith.minimumf %min3A_108, %min3A_589 : vector<160x128xf32>
      %max3A_591 = vector.broadcast %reduce_sum3A_546 : f32 to vector<160x128xf32>
      %max3A_592 = arith.maximumf %min3A_82, %max3A_591 : vector<160x128xf32>
      %sub3A_593 = arith.subf %min3A_590, %max3A_592 : vector<160x128xf32>
      %add3A_594 = arith.constant 1.000000e+00 : f32
      %add3A_595 = vector.broadcast %add3A_594 : f32 to vector<160x128xf32>
      %add3A_596 = arith.addf %sub3A_593, %add3A_595 : vector<160x128xf32>
      %max3A_597 = arith.constant 0.000000e+00 : f32
      %max3A_598 = vector.broadcast %max3A_597 : f32 to vector<160x128xf32>
      %max3A_599 = arith.maximumf %add3A_596, %max3A_598 : vector<160x128xf32>
      %mul3A_600 = arith.mulf %max3A_588, %max3A_599 : vector<160x128xf32>
      %add3A_601 = vector.broadcast %mul3A_577 : f32 to vector<160x128xf32>
      %add3A_602 = arith.addf %add3A_601, %mul3A_117 : vector<160x128xf32>
      %sub3A_603 = arith.subf %add3A_602, %mul3A_600 : vector<160x128xf32>
      %div3A_604 = arith.divf %mul3A_600, %sub3A_603 : vector<160x128xf32>
      %gt3A_605 = arith.constant 5.000000e-01 : f32
      %gt3A_606 = vector.broadcast %gt3A_605 : f32 to vector<160x128xf32>
      %gt3A_607 = arith.cmpf ogt, %div3A_604, %gt3A_606 : vector<160x128xf32>
      %jit3A_608 = arith.constant -1.000000e+10 : f32
      %broadcast_in_dim3A_609 = vector.broadcast %jit3A_608 : f32 to vector<160x128xf32>
      %select_n3A_610 = arith.select %gt3A_607, %broadcast_in_dim3A_609, %select_n3A_497 : vector<160x128xi1>, vector<160x128xf32>
      %eq3A_611 = vector.broadcast %scan3A_513 : i32 to vector<8x128xi32>
      %eq3A_612 = arith.cmpi eq, %add3A_133, %eq3A_611 : vector<8x128xi32>
      %broadcast_in_dim3A_613 = vector.broadcast %reduce_max3A_518 : f32 to vector<8x128xf32>
      %select_n3A_614 = arith.select %eq3A_612, %broadcast_in_dim3A_613, %select_n3A_501 : vector<8x128xi1>, vector<8x128xf32>
      %broadcast_in_dim3A_615 = vector.broadcast %reduce_sum3A_570 : f32 to vector<8x128xf32>
      %select_n3A_616 = arith.select %eq3A_612, %broadcast_in_dim3A_615, %select_n3A_503 : vector<8x128xi1>, vector<8x128xf32>
      %broadcast_in_dim3A_617 = vector.broadcast %reduce_sum3A_538 : f32 to vector<8x128xf32>
      %select_n3A_618 = arith.select %eq3A_612, %broadcast_in_dim3A_617, %select_n3A_505 : vector<8x128xi1>, vector<8x128xf32>
      %broadcast_in_dim3A_619 = vector.broadcast %reduce_sum3A_546 : f32 to vector<8x128xf32>
      %select_n3A_620 = arith.select %eq3A_612, %broadcast_in_dim3A_619, %select_n3A_507 : vector<8x128xi1>, vector<8x128xf32>
      %broadcast_in_dim3A_621 = vector.broadcast %reduce_sum3A_554 : f32 to vector<8x128xf32>
      %select_n3A_622 = arith.select %eq3A_612, %broadcast_in_dim3A_621, %select_n3A_509 : vector<8x128xi1>, vector<8x128xf32>
      %broadcast_in_dim3A_623 = vector.broadcast %reduce_sum3A_562 : f32 to vector<8x128xf32>
      %select_n3A_624 = arith.select %eq3A_612, %broadcast_in_dim3A_623, %select_n3A_511 : vector<8x128xi1>, vector<8x128xf32>
      scf.yield %select_n3A_610, %select_n3A_614, %select_n3A_616, %select_n3A_618, %select_n3A_620, %select_n3A_622, %select_n3A_624 : vector<160x128xf32>, vector<8x128xf32>, vector<8x128xf32>, vector<8x128xf32>, vector<8x128xf32>, vector<8x128xf32>, vector<8x128xf32>
    }
    %scan3A_140 = arith.constant 100 : i32
    %gt3A_141 = arith.constant 0.000000e+00 : f32
    %gt3A_142 = vector.broadcast %gt3A_141 : f32 to vector<8x128xf32>
    %gt3A_143 = arith.cmpf ogt, %scan3A_139#1, %gt3A_142 : vector<8x128xf32>
    %convert_element_type3A_144 = arith.extui %gt3A_143 : vector<8x128xi1> to vector<8x128xi32>
    %convert_element_type3A_145 = arith.sitofp %convert_element_type3A_144 : vector<8x128xi32> to vector<8x128xf32>
    %mul3A_146 = arith.mulf %scan3A_139#3, %convert_element_type3A_145 : vector<8x128xf32>
    %swap3A = arith.constant 0 : index
    %swap3A_147 = arith.constant 0 : index
    %swap3A_148 = vector.load %arg10[%swap3A, %swap3A_147] : memref<8x128xf32, #tpu.memory_space<vmem>>, vector<8x128xf32>
    tpu.vector_store %arg10[%swap3A, %swap3A_147], %mul3A_146 {strides = array<i32>} : memref<8x128xf32, #tpu.memory_space<vmem>>, vector<8x128xf32>,
    %mul3A_149 = arith.mulf %scan3A_139#4, %convert_element_type3A_145 : vector<8x128xf32>
    %swap3A_150 = arith.constant 0 : index
    %swap3A_151 = arith.constant 0 : index
    %swap3A_152 = vector.load %arg11[%swap3A_150, %swap3A_151] : memref<8x128xf32, #tpu.memory_space<vmem>>, vector<8x128xf32>
    tpu.vector_store %arg11[%swap3A_150, %swap3A_151], %mul3A_149 {strides = array<i32>} : memref<8x128xf32, #tpu.memory_space<vmem>>, vector<8x128xf32>,
    %mul3A_153 = arith.mulf %scan3A_139#5, %convert_element_type3A_145 : vector<8x128xf32>
    %swap3A_154 = arith.constant 0 : index
    %swap3A_155 = arith.constant 0 : index
    %swap3A_156 = vector.load %arg12[%swap3A_154, %swap3A_155] : memref<8x128xf32, #tpu.memory_space<vmem>>, vector<8x128xf32>
    tpu.vector_store %arg12[%swap3A_154, %swap3A_155], %mul3A_153 {strides = array<i32>} : memref<8x128xf32, #tpu.memory_space<vmem>>, vector<8x128xf32>,
    %mul3A_157 = arith.mulf %scan3A_139#6, %convert_element_type3A_145 : vector<8x128xf32>
    %swap3A_158 = arith.constant 0 : index
    %swap3A_159 = arith.constant 0 : index
    %swap3A_160 = vector.load %arg13[%swap3A_158, %swap3A_159] : memref<8x128xf32, #tpu.memory_space<vmem>>, vector<8x128xf32>
    tpu.vector_store %arg13[%swap3A_158, %swap3A_159], %mul3A_157 {strides = array<i32>} : memref<8x128xf32, #tpu.memory_space<vmem>>, vector<8x128xf32>,
    %jit3A_161 = arith.constant 0.000000e+00 : f32
    %broadcast_in_dim3A_162 = vector.broadcast %jit3A_161 : f32 to vector<8x128xf32>
    %select_n3A_163 = arith.select %gt3A_143, %scan3A_139#1, %broadcast_in_dim3A_162 : vector<8x128xi1>, vector<8x128xf32>
    %swap3A_164 = arith.constant 0 : index
    %swap3A_165 = arith.constant 0 : index
    %swap3A_166 = vector.load %arg14[%swap3A_164, %swap3A_165] : memref<8x128xf32, #tpu.memory_space<vmem>>, vector<8x128xf32>
    tpu.vector_store %arg14[%swap3A_164, %swap3A_165], %select_n3A_163 {strides = array<i32>} : memref<8x128xf32, #tpu.memory_space<vmem>>, vector<8x128xf32>,
    %mul3A_167 = arith.mulf %scan3A_139#2, %convert_element_type3A_145 : vector<8x128xf32>
    %swap3A_168 = arith.constant 0 : index
    %swap3A_169 = arith.constant 0 : index
    %swap3A_170 = vector.load %arg15[%swap3A_168, %swap3A_169] : memref<8x128xf32, #tpu.memory_space<vmem>>, vector<8x128xf32>
    tpu.vector_store %arg15[%swap3A_168, %swap3A_169], %mul3A_167 {strides = array<i32>} : memref<8x128xf32, #tpu.memory_space<vmem>>, vector<8x128xf32>,
    return
  }
}

module attributes {stable_mosaic.version = 14 : i64} {
  func.func @_cls_body(%arg0: i32, %arg1: memref<81x5120xf32, #tpu.memory_space<vmem>>, %arg2: memref<4x5120xf32, #tpu.memory_space<vmem>>, %arg3: memref<40x128xf32, #tpu.memory_space<vmem>>, %arg4: memref<40x128xf32, #tpu.memory_space<vmem>>, %arg5: memref<40x128xf32, #tpu.memory_space<vmem>>, %arg6: memref<40x128xf32, #tpu.memory_space<vmem>>, %arg7: memref<40x128xf32, #tpu.memory_space<vmem>>, %arg8: memref<40x128xf32, #tpu.memory_space<vmem>>) attributes {dimension_semantics = [#tpu.dimension_semantics<arbitrary>], iteration_bounds = array<i64: 4>, scalar_prefetch = 0 : i64, scratch_operands = 0 : i64, tpu.core_type = #tpu.core_type<tc>, window_params = [{transform_indices = @transform_0, window_bounds = array<i64: 81, 5120>}, {transform_indices = @transform_1, window_bounds = array<i64: 4, 5120>}, {transform_indices = @transform_2, window_bounds = array<i64: 40, 128>}, {transform_indices = @transform_3, window_bounds = array<i64: 40, 128>}, {transform_indices = @transform_4, window_bounds = array<i64: 40, 128>}, {transform_indices = @transform_5, window_bounds = array<i64: 40, 128>}, {transform_indices = @transform_6, window_bounds = array<i64: 40, 128>}, {transform_indices = @transform_7, window_bounds = array<i64: 40, 128>}]} {
    %get3A = arith.constant 0 : index
    %get3A_0 = arith.constant 0 : index
    %get3A_1 = vector.load %arg1[%get3A, %get3A_0] : memref<81x5120xf32, #tpu.memory_space<vmem>>, vector<81x5120xf32>
    %reduce_max3A = arith.constant dense<0xFF800000> : vector<5120xf32>
    %reduce_max3A_2 = vector.multi_reduction <maximumf>, %get3A_1, %reduce_max3A [0] : vector<81x5120xf32> to vector<5120xf32>
    %broadcast_in_dim3A = vector.shape_cast %reduce_max3A_2 : vector<5120xf32> to vector<1x5120xf32>
    %sub3A = vector.broadcast %broadcast_in_dim3A : vector<1x5120xf32> to vector<81x5120xf32>
    %sub3A_3 = arith.subf %get3A_1, %sub3A : vector<81x5120xf32>
    %exp3A = math.exp %sub3A_3 : vector<81x5120xf32>
    %reduce_sum3A = arith.constant dense<0.000000e+00> : vector<5120xf32>
    %reduce_sum3A_4 = vector.multi_reduction <add>, %exp3A, %reduce_sum3A [0] : vector<81x5120xf32> to vector<5120xf32>
    %div3A = arith.constant 1.000000e+00 : f32
    %div3A_5 = vector.broadcast %div3A : f32 to vector<5120xf32>
    %div3A_6 = arith.divf %div3A_5, %reduce_sum3A_4 : vector<5120xf32>
    %reshape3A = vector.shape_cast %div3A_6 : vector<5120xf32> to vector<40x128xf32>
    %iota3A = tpu.iota {dimensions = array<i32: 0>} : vector<81x5120xi32>
    %broadcast_in_dim3A_7 = vector.shape_cast %reduce_max3A_2 : vector<5120xf32> to vector<1x5120xf32>
    %eq3A = vector.broadcast %broadcast_in_dim3A_7 : vector<1x5120xf32> to vector<81x5120xf32>
    %eq3A_8 = arith.cmpf oeq, %get3A_1, %eq3A : vector<81x5120xf32>
    %jit3A = arith.constant 81 : i32
    %broadcast_in_dim3A_9 = vector.broadcast %jit3A : i32 to vector<81x5120xi32>
    %select_n3A = arith.select %eq3A_8, %iota3A, %broadcast_in_dim3A_9 : vector<81x5120xi1>, vector<81x5120xi32>
    %reduce_min3A = arith.constant dense<2147483647> : vector<5120xi32>
    %reduce_min3A_10 = vector.multi_reduction <minsi>, %select_n3A, %reduce_min3A [0] : vector<81x5120xi32> to vector<5120xi32>
    %reshape3A_11 = vector.shape_cast %reduce_min3A_10 : vector<5120xi32> to vector<40x128xi32>
    %mul3A = arith.constant 40 : i32
    %mul3A_12 = arith.muli %arg0, %mul3A : i32
    %iota3A_13 = tpu.iota {dimensions = array<i32: 0>} : vector<40x128xi32>
    %add3A = vector.broadcast %mul3A_12 : i32 to vector<40x128xi32>
    %add3A_14 = arith.addi %add3A, %iota3A_13 : vector<40x128xi32>
    %mul3A_15 = arith.constant 128 : i32
    %mul3A_16 = vector.broadcast %mul3A_15 : i32 to vector<40x128xi32>
    %mul3A_17 = arith.muli %add3A_14, %mul3A_16 : vector<40x128xi32>
    %iota3A_18 = tpu.iota {dimensions = array<i32: 1>} : vector<40x128xi32>
    %add3A_19 = arith.addi %mul3A_17, %iota3A_18 : vector<40x128xi32>
    %ge3A = arith.constant 20000 : i32
    %ge3A_20 = vector.broadcast %ge3A : i32 to vector<40x128xi32>
    %ge3A_21 = arith.cmpi sge, %add3A_19, %ge3A_20 : vector<40x128xi32>
    %jit3A_22 = arith.constant 0 : i32
    %broadcast_in_dim3A_23 = vector.broadcast %jit3A_22 : i32 to vector<40x128xi32>
    %select_n3A_24 = arith.select %ge3A_21, %broadcast_in_dim3A_23, %reshape3A_11 : vector<40x128xi1>, vector<40x128xi32>
    %jit3A_25 = arith.constant 0.000000e+00 : f32
    %broadcast_in_dim3A_26 = vector.broadcast %jit3A_25 : f32 to vector<40x128xf32>
    %select_n3A_27 = arith.select %ge3A_21, %broadcast_in_dim3A_26, %reshape3A : vector<40x128xi1>, vector<40x128xf32>
    %swap3A = arith.constant 0 : index
    %swap3A_28 = arith.constant 0 : index
    %swap3A_29 = vector.load %arg3[%swap3A, %swap3A_28] : memref<40x128xf32, #tpu.memory_space<vmem>>, vector<40x128xf32>
    tpu.vector_store %arg3[%swap3A, %swap3A_28], %select_n3A_27 {strides = array<i32>} : memref<40x128xf32, #tpu.memory_space<vmem>>, vector<40x128xf32>,
    %convert_element_type3A = arith.sitofp %select_n3A_24 : vector<40x128xi32> to vector<40x128xf32>
    %swap3A_30 = arith.constant 0 : index
    %swap3A_31 = arith.constant 0 : index
    %swap3A_32 = vector.load %arg4[%swap3A_30, %swap3A_31] : memref<40x128xf32, #tpu.memory_space<vmem>>, vector<40x128xf32>
    tpu.vector_store %arg4[%swap3A_30, %swap3A_31], %convert_element_type3A {strides = array<i32>} : memref<40x128xf32, #tpu.memory_space<vmem>>, vector<40x128xf32>,
    %get3A_33 = arith.constant 0 : index
    %get3A_34 = arith.constant 0 : index
    %get3A_35 = vector.load %arg2[%get3A_33, %get3A_34] : memref<4x5120xf32, #tpu.memory_space<vmem>>, vector<4x5120xf32>
    %slice3A = vector.extract_strided_slice %get3A_35 {offsets = [0, 0], sizes = [1, 5120], strides = [1, 1]} : vector<4x5120xf32> to vector<1x5120xf32>
    %squeeze3A = vector.shape_cast %slice3A : vector<1x5120xf32> to vector<5120xf32>
    %reshape3A_36 = vector.shape_cast %squeeze3A : vector<5120xf32> to vector<40x128xf32>
    %swap3A_37 = arith.constant 0 : index
    %swap3A_38 = arith.constant 0 : index
    %swap3A_39 = vector.load %arg5[%swap3A_37, %swap3A_38] : memref<40x128xf32, #tpu.memory_space<vmem>>, vector<40x128xf32>
    tpu.vector_store %arg5[%swap3A_37, %swap3A_38], %reshape3A_36 {strides = array<i32>} : memref<40x128xf32, #tpu.memory_space<vmem>>, vector<40x128xf32>,
    %slice3A_40 = vector.extract_strided_slice %get3A_35 {offsets = [1, 0], sizes = [1, 5120], strides = [1, 1]} : vector<4x5120xf32> to vector<1x5120xf32>
    %squeeze3A_41 = vector.shape_cast %slice3A_40 : vector<1x5120xf32> to vector<5120xf32>
    %reshape3A_42 = vector.shape_cast %squeeze3A_41 : vector<5120xf32> to vector<40x128xf32>
    %swap3A_43 = arith.constant 0 : index
    %swap3A_44 = arith.constant 0 : index
    %swap3A_45 = vector.load %arg6[%swap3A_43, %swap3A_44] : memref<40x128xf32, #tpu.memory_space<vmem>>, vector<40x128xf32>
    tpu.vector_store %arg6[%swap3A_43, %swap3A_44], %reshape3A_42 {strides = array<i32>} : memref<40x128xf32, #tpu.memory_space<vmem>>, vector<40x128xf32>,
    %slice3A_46 = vector.extract_strided_slice %get3A_35 {offsets = [2, 0], sizes = [1, 5120], strides = [1, 1]} : vector<4x5120xf32> to vector<1x5120xf32>
    %squeeze3A_47 = vector.shape_cast %slice3A_46 : vector<1x5120xf32> to vector<5120xf32>
    %reshape3A_48 = vector.shape_cast %squeeze3A_47 : vector<5120xf32> to vector<40x128xf32>
    %swap3A_49 = arith.constant 0 : index
    %swap3A_50 = arith.constant 0 : index
    %swap3A_51 = vector.load %arg7[%swap3A_49, %swap3A_50] : memref<40x128xf32, #tpu.memory_space<vmem>>, vector<40x128xf32>
    tpu.vector_store %arg7[%swap3A_49, %swap3A_50], %reshape3A_48 {strides = array<i32>} : memref<40x128xf32, #tpu.memory_space<vmem>>, vector<40x128xf32>,
    %slice3A_52 = vector.extract_strided_slice %get3A_35 {offsets = [3, 0], sizes = [1, 5120], strides = [1, 1]} : vector<4x5120xf32> to vector<1x5120xf32>
    %squeeze3A_53 = vector.shape_cast %slice3A_52 : vector<1x5120xf32> to vector<5120xf32>
    %reshape3A_54 = vector.shape_cast %squeeze3A_53 : vector<5120xf32> to vector<40x128xf32>
    %swap3A_55 = arith.constant 0 : index
    %swap3A_56 = arith.constant 0 : index
    %swap3A_57 = vector.load %arg8[%swap3A_55, %swap3A_56] : memref<40x128xf32, #tpu.memory_space<vmem>>, vector<40x128xf32>
    tpu.vector_store %arg8[%swap3A_55, %swap3A_56], %reshape3A_54 {strides = array<i32>} : memref<40x128xf32, #tpu.memory_space<vmem>>, vector<40x128xf32>,
    return
  }
  func.func @transform_0(%arg0: i32) -> (i32, i32) {
    %c0_i32 = arith.constant 0 : i32
    %c0_i32_0 = arith.constant 0 : i32
    return %c0_i32, %arg0 : i32, i32
  }
  func.func @transform_1(%arg0: i32) -> (i32, i32) {
    %c0_i32 = arith.constant 0 : i32
    %c0_i32_0 = arith.constant 0 : i32
    return %c0_i32, %arg0 : i32, i32
  }
  func.func @transform_2(%arg0: i32) -> (i32, i32) {
    %c0_i32 = arith.constant 0 : i32
    %c0_i32_0 = arith.constant 0 : i32
    return %arg0, %c0_i32 : i32, i32
  }
  func.func @transform_3(%arg0: i32) -> (i32, i32) {
    %c0_i32 = arith.constant 0 : i32
    %c0_i32_0 = arith.constant 0 : i32
    return %arg0, %c0_i32 : i32, i32
  }
  func.func @transform_4(%arg0: i32) -> (i32, i32) {
    %c0_i32 = arith.constant 0 : i32
    %c0_i32_0 = arith.constant 0 : i32
    return %arg0, %c0_i32 : i32, i32
  }
  func.func @transform_5(%arg0: i32) -> (i32, i32) {
    %c0_i32 = arith.constant 0 : i32
    %c0_i32_0 = arith.constant 0 : i32
    return %arg0, %c0_i32 : i32, i32
  }
  func.func @transform_6(%arg0: i32) -> (i32, i32) {
    %c0_i32 = arith.constant 0 : i32
    %c0_i32_0 = arith.constant 0 : i32
    return %arg0, %c0_i32 : i32, i32
  }
  func.func @transform_7(%arg0: i32) -> (i32, i32) {
    %c0_i32 = arith.constant 0 : i32
    %c0_i32_0 = arith.constant 0 : i32
    return %arg0, %c0_i32 : i32, i32
  }
}

</mosaic_0001>

<sc_bundles>
// kernel: kernel.5.cloned.1.call-start
scs
__scs_entry_jumppad:
0x0: {  	(pc) =	sbr.rel $0x88, $3  }
0x1: {  	(tag) =	ssettag $0x0;
	lr =	simm.s32 $0x1  }
0x2: {  	[smem:$0x3F9E] =	sst lr;
	_ =	strace $0xD0000000  }
0x3: {  	_ = 	snop  }
0x4: {  	_ = 	snop  }
0x5: {  	_ = 	snop  }
0x6: {  	_ = 	snop  }
0x7: {  	_ = 	snop  }
__scs_overlays_trampoline_lowered:
0x8: {  	[smem:$0x3FAD] =	sst s0  }
0x9: {  	[smem:$0x3FAE] =	sst s1  }
0xa: {  	[smem:$0x3FAF] =	sst s2  }
0xb: {  	[smem:$0x3FB0] =	sst s3  }
0xc: {  	[smem:$0x3FB1] =	sst s4  }
0xd: {  	[smem:$0x3FB2] =	sst s5  }
0xe: {  	[smem:$0x3FB3] =	sst s6  }
0xf: {  	[smem:$0x3FB4] =	sst s7  }
0x10: {  	[smem:$0x3FB5] =	sst s8  }
0x11: {  	[smem:$0x3FB6] =	sst s9;
	s0 =	simm.s32 @!p0 $0x0  }
0x12: {  	s1 =	sld [smem:$0x3F9C];
	s0 =	simm.s32 @p0 $0x1  }
0x13: {  	[smem:$0x3FB7] =	sst s0;
	s0 =	simm.s32 @!p1 $0x0  }
0x14: {  	s2 =	sld [smem:$0x3F9B];
	s0 =	simm.s32 @p1 $0x1  }
0x15: {  	[smem:$0x3FB8] =	sst s0;
	s0 =	simm.s32 @!p2 $0x0  }
0x16: {  	s3 =	sld [smem:$0x3FDB];
	s0 =	simm.s32 @p2 $0x1  }
0x17: {  	s4 =	simm.s32 $0x1BF5;
	[smem:$0x3FBA] =	sst s0  }
0x18: {  	s0 =	sld [smem:$0x3F9D];
	_ =	swait.ge [sflag:s4], $0x0  }
0x19: {  	s7 =	sld [smem:$0x3F9E]  }
0x1a: {  	s8 =	sadd.s32 $0xFFFFE003, lr  }
0x1b: {  	s9 =	sadd.s32 $0xFFFFFEF7, lr;
	s5 =	simm.s32 $0xFFFFFFFF;
	p2 =	slt.u32 s8, $0xFFFFF086  }
0x1c: {  	p1 =	slt.u32 s9, $0xF7A;
	s5 =	simm.s32 @!p2 $0x0  }
0x1d: {  	s5 =	simm.s32 @p1 $0x1;
	p0 =	seq.s32 s7, s2  }
0x1e: {  	s7 =	smul.u32 @!p0 $0xF7A, s2;
	p2 =	seq.s32 @!p0 s5, $0x0  }
0x1f: {  	s9 =	smul.u32 $0xF7A, s1;
	s8 =	simm.s32 @!p0 $0x1BF5;
	p2 =	por !p2, p0  }
0x20: {  	[sflag:s8] =	ssyncset.s32 @!p0 $0xFFFFF086;
	s6 =	sadd.s32 @!p0 s3, s7;
	s7 =	simm.s32 @!p0 $0x108  }
0x21: {  	s3 =	sadd.s32 s3, s9;
	s6 =	sadd.s32 @!p0 $0x88, s6;
	s7 =	simm.s32 @p2 $0x1082  }
0x22: {  	[simem:s7], [sflag:s8] =	dma.local @!p0 [hbm:s6], $0xF7A  }
0x23: {  	s9 =	sor.u32 $0xD0000000, s2;
	s6 =	simm.s32 $0x108;
	_ =	swait.ge @!p0 [sflag:s8], $0x0  }
0x24: {  	s3 =	sadd.s32 $0x88, s3;
	s6 =	simm.s32 @!p1 $0x1082;
	[sflag:s4] =	ssyncset.s32 $0xFFFFF086  }
0x25: {  	[simem:s6], [sflag:s4] =	dma.local [hbm:s3], $0xF7A  }
0x26: {  	[smem:$0x3F9E] =	sst s1;
	(tag) =	ssettag s2;
	_ =	strace s9  }
0x27: {  	s1 =	sld [smem:$0x3FAE]  }
0x28: {  	s2 =	sld [smem:$0x3FAF]  }
0x29: {  	s4 =	sld [smem:$0x3FB1]  }
0x2a: {  	p0 =	seq.s32 s5, $0x0;
	s5 =	sld [smem:$0x3FB2]  }
0x2b: {  	s6 =	sld [smem:$0x3FB3]  }
0x2c: {  	s7 =	sld [smem:$0x3FB4]  }
0x2d: {  	s3 =	simm.s32 $0x108;
	s8 =	sld [smem:$0x3FB5]  }
0x2e: {  	s3 =	simm.s32 @!p0 $0x1082;
	s9 =	sld [smem:$0x3FB6]  }
0x2f: {  	lr =	sadd.s32 s0, s3;
	s0 =	sld [smem:$0x3FAD]  }
0x30: {  	s3 =	sld [smem:$0x3FB0]  }
0x31: {  	[smem:$0x3FB9] =	sst s10  }
0x32: {  	s10 =	sld [smem:$0x3FB7];
	_ =	sdelay $0x3  }
0x33: {  	p0 =	seq.s32 s10, $0x1;
	s10 =	sld [smem:$0x3FB9];
	_ =	sdelay $0x3  }
0x34: {  	[smem:$0x3FB9] =	sst s10  }
0x35: {  	s10 =	sld [smem:$0x3FB8];
	_ =	sdelay $0x3  }
0x36: {  	p1 =	seq.s32 s10, $0x1;
	s10 =	sld [smem:$0x3FB9];
	_ =	sdelay $0x3  }
0x37: {  	[smem:$0x3FB9] =	sst s10  }
0x38: {  	s10 =	sld [smem:$0x3FBA]  }
0x39: {  	_ = 	snop;
	(pc) =	sbr.ind lr, $3  }
0x3a: {  	_ = 	snop  }
0x3b: {  	_ = 	snop  }
0x3c: {  	p2 =	seq.s32 s10, $0x1;
	s10 =	sld [smem:$0x3FB9]  }
0x3d: {  	_ =	shalt  }
0x3e: {  	_ =	shalt  }
0x3f: {  	_ =	shalt  }
0x40: {  	_ =	shalt  }
0x41: {  	_ =	shalt  }
0x42: {  	_ =	shalt  }
0x43: {  	_ =	shalt  }
0x44: {  	_ =	shalt  }
0x45: {  	_ =	shalt  }
0x46: {  	_ =	shalt  }
0x47: {  	_ =	shalt  }
0x48: {  	_ =	shalt  }
0x49: {  	_ =	shalt  }
0x4a: {  	_ =	shalt  }
0x4b: {  	_ =	shalt  }
0x4c: {  	_ =	shalt  }
0x4d: {  	_ =	shalt  }
0x4e: {  	_ =	shalt  }
0x4f: {  	_ =	shalt  }
0x50: {  	_ =	shalt  }
0x51: {  	_ =	shalt  }
0x52: {  	_ =	shalt  }
0x53: {  	_ =	shalt  }
0x54: {  	_ =	shalt  }
0x55: {  	_ =	shalt  }
0x56: {  	_ =	shalt  }
0x57: {  	_ =	shalt  }
0x58: {  	_ =	shalt  }
0x59: {  	_ =	shalt  }
0x5a: {  	_ =	shalt  }
0x5b: {  	_ =	shalt  }
0x5c: {  	_ =	shalt  }
0x5d: {  	_ =	shalt  }
0x5e: {  	_ =	shalt  }
0x5f: {  	_ =	shalt  }
0x60: {  	_ =	shalt  }
0x61: {  	_ =	shalt  }
0x62: {  	_ =	shalt  }
0x63: {  	_ =	shalt  }
0x64: {  	_ =	shalt  }
0x65: {  	_ =	shalt  }
0x66: {  	_ =	shalt  }
0x67: {  	_ =	shalt  }
0x68: {  	_ =	shalt  }
0x69: {  	_ =	shalt  }
0x6a: {  	_ =	shalt  }
0x6b: {  	_ =	shalt  }
0x6c: {  	_ =	shalt  }
0x6d: {  	_ =	shalt  }
0x6e: {  	_ =	shalt  }
0x6f: {  	_ =	shalt  }
0x70: {  	_ =	shalt  }
0x71: {  	_ =	shalt  }
0x72: {  	_ =	shalt  }
0x73: {  	_ =	shalt  }
0x74: {  	_ =	shalt  }
0x75: {  	_ =	shalt  }
0x76: {  	_ =	shalt  }
0x77: {  	_ =	shalt  }
0x78: {  	_ =	shalt  }
0x79: {  	_ =	shalt  }
0x7a: {  	_ =	shalt  }
0x7b: {  	_ =	shalt  }
0x7c: {  	_ =	shalt  }
0x7d: {  	_ =	shalt  }
0x7e: {  	_ =	shalt  }
0x7f: {  	_ =	shalt  }
0x80: {  	_ =	shalt  }
0x81: {  	_ =	shalt  }
0x82: {  	_ =	shalt  }
0x83: {  	_ =	shalt  }
0x84: {  	_ =	shalt  }
0x85: {  	_ =	shalt  }
0x86: {  	_ =	shalt  }
0x87: {  	_ =	shalt  }
.Lfunc_end0:
.L_simem_size_0:
called_computation_lowered:
.L_overlay_start_0:
0x88: {  	s2 =	sld [smem:$0x3FD9]  }
0x89: {  	s3 =	sld [smem:$0x3FFE];
	_ =	sdelay $0x1  }
0x8a: {  	s1 =	srdreg.scid  }
0x8b: {  	s0 =	sand.u32 $0x1, s1  }
0x8c: {  	s17 =	sshll.u32 s0, $0xA;
	s2 =	sadd.s32 s3, s2  }
0x8d: {  	s2 =	sadd.s32 s2, s17  }
0x8e: {  	[smem:$0x3FC5] =	sst s2  }
0x8f: {  	_ = 	snop  }
0x90: {  	s2 =	sld [smem:$0x3FC8];
	(tm) =	ssettm $0x1  }
0x91: {  	s18 =	sld [smem:$0x3FFB];
	_ =	sdelay $0x3  }
0x92: {  	_ =	strace s18  }
0x93: {  	s3 =	sld [smem:$0x3FFC];
	_ =	sdelay $0x3  }
0x94: {  	_ =	strace s3  }
0x95: {  	s3 =	sld [smem:$0x3FFD];
	_ =	sdelay $0x3  }
0x96: {  	_ =	strace s3  }
0x97: {  	_ =	strace $0x8FFFFFFF  }
0x98: {  	s19 =	sld [smem:$0x3FDB];
	_ =	sdelay $0x1  }
0x99: {  	s4 =	simm.s32 $_scs_section_size  }
0x9a: {  	s5 =	simm.s32 $_size__tile_overlayer_lowered;
	s6 =	simm.s32 $_tile_overlayer_lowered  }
0x9b: {  	s22 =	simm.s32 $0x1BFF;
	s21 =	sshll.u32 s6, $0x1;
	s3 =	sadd.s32 s4, s19  }
0x9c: {  	s7 =	simm.s32 $0x0;
	s20 =	sshll.u32 s5, $0x1;
	s5 =	sadd.s32 s21, s3  }
0x9d: {  	[timem:s7], [sflag:s22] =	dma.local [hbm:s5], s20  }
0x9e: {  	_ =	swait.ge [sflag:s22], s20  }
0x9f: {  	s4 =	ssub.s32 $0x0, s20;
	[sflag:s22] =	ssyncset.done $0x0  }
0xa0: {  	[sflag:s22] =	ssyncadd.s32 s4;
	_ =	sdelay $0x1  }
0xa1: {  	s23 =	simm.s32 $0x1B8B  }
0xa2: {  	_ =	swait.ge [sflag:s23], $0x1  }
0xa3: {  	[sflag:s23] =	ssyncset.done $0x0  }
0xa4: {  	s25 =	simm.s32 $0x1B8E;
	s24 =	sld [smem:$0x3FFE];
	[sflag:s23] =	ssyncadd.s32 $0xFFFFFFFF  }
0xa5: {  	s26 =	simm.s32 $execute0_lowered;
	[smem:$0x3FD2] =	sst s25  }
0xa6: {  	s5 =	sshll.u32 s26, $0x1;
	_ =	strace $0x80000046;
	[dreg:$0x1] =	wrdreg $0xFFFFFFFF  }
0xa7: {  	s28 =	simm.s32 $_size_execute0_lowered;
	s3 =	sadd.s32 s3, s5;
	[dreg:$0x0] =	wrdreg $0x0  }
0xa8: {  	s5 =	sshll.u32 s28, $0x1;
	[dreg:$0x2] =	wrdreg s3  }
0xa9: {  	[dreg:$0x3] =	wrdreg s5  }
0xaa: {  	[dreg:$0x4] =	wrdreg $0xC0  }
0xab: {  	_ =	task [dreg:s7], $0x5FFFF  }
0xac: {  	[dreg:$0x1] =	wrdreg $0xFFFFFFFF  }
0xad: {  	[dreg:$0x0] =	wrdreg $0x60  }
0xae: {  	[dreg:$0x2] =	wrdreg s2  }
0xaf: {  	[dreg:$0x3] =	wrdreg s24  }
0xb0: {  	[dreg:$0x4] =	wrdreg $0x9  }
0xb1: {  	_ =	task.clear_ibuf [dreg:s7], $0x5FFFF;
	_ =	strace $0x90000046  }
0xb2: {  	s29 =	simm.s32 $0x9;
	_ =	strace $0x80000048  }
0xb3: {  	_ =	swait.ge [sflag:s29], $0x1  }
0xb4: {  	[sflag:s29] =	ssyncadd.s32 $0xFFFFFFFF  }
0xb5: {  	_ =	strace $0x90000048  }
0xb6: {  	_ =	sfence  }
0xb7: {  	s30 =	sld [smem:$0x0];
	_ =	sdelay $0x2  }
0xb8: {  	s31 =	sshll.u32 s1, $0xD;
	s1 =	sshrl.u32 s1, $0x2  }
0xb9: {  	s3 =	sand.u32 $0x4000, s31;
	s1 =	sadd.s32 s1, s30  }
0xba: {  	s0 =	sor.u32 s3, s0;
	s1 =	sshll.u32 s1, $0x11  }
0xbb: {  	s0 =	sor.u32 s1, s0  }
0xbc: {  	s0 =	sadd.s32 $0x8F2B, s0  }
0xbd: {  	[sflag:s0] =	ssyncadd.remote.s32 $0x1  }
0xbe: {  	_ =	sfence.sel $0xFFFF  }
0xbf: {  	[dreg:$0x0] =	wrdreg $0xFFFFFFFF;
	(pc) =	sbr.abs _section_cstart, $3  }
0xc0: {  	[dreg:$0x1] =	wrdreg $0xFFFFFFFF  }
0xc1: {  	_ =	task.clear_ibuf [dreg:s7], $0x2FFFF;
	_ =	strace $0x9FFFFFFF  }
0xc2: {  	(tm) =	ssettm $0x7FFFFFFF  }
0xc3: {  	_ =	shalt  }
tec
execute0_lowered:
.L_overlay_start_1:
0x0: {  	(tag) =	ssettag $0x1  }
0x1: {  	s1 =	srdreg.scid;
	s7 =	rddreg [dreg:$0x0]  }
0x2: {  	s0 =	stileid.u32;
	s4 =	rddreg [dreg:$0x1]  }
0x3: {  	s2 =	simm.s32 $0x0;
	s13 =	simm.s32 $0x3;
	s14 =	simm.s32 $0x400  }
0x4: {  	s15 =	simm.s32 $0x27400;
	s16 =	simm.s32 $0x280;
	s18 =	simm.s32 $0xA280  }
0x5: {  	s19 =	simm.s32 $0xA680;
	s28 =	simm.s32 $0x14D00;
	s29 =	simm.s32 $0x14F80  }
0x6: {  	s30 =	simm.s32 $0x15200;
	s3 =	sand.u32 $0x1, s1;
	s21 =	sshll.u32 s0, $0x1  }
0x7: {  	s1 =	rddreg [dreg:$0x2];
	s5 =	sor.u32 s3, s21;
	s3 =	ssub.s32 $0x2, s3  }
0x8: {  	[smem:$0x7FF] =	sst s2;
	s5 =	smul.u32 $0x280, s5;
	s23 =	sshrl.u32 s3, $0x1  }
0x9: {  	v0 =	vlaneseq.u32;
	_ =	strace $0x80000047;
	s21 =	simm.s32 $0x14680;
	s12 =	ssub.s32 s3, s23  }
0xa: {  	v1 =	vor.u32 $0x80, v0;
	s6 =	sshrl.u32 s5, $0x3;
	s22 =	smin.u32 s5, $0x4D20;
	s3 =	sadd.s32 s7, s5  }
0xb: {  	v2 =	vor.u32 $0x100, v0;
	v3 =	vor.u32 $0x180, v0;
	v4 =	vor.u32 $0x10, v0;
	s24 =	smin.u32 s5, $0x4CA0;
	s25 =	smin.u32 s5, $0x4C20;
	s5 =	smin.u32 s5, $0x4BA0  }
0xc: {  	v5 =	vor.u32 $0x90, v0;
	v6 =	vor.u32 $0x110, v0;
	v7 =	vor.u32 $0x190, v0;
	s12 =	smax.u32 s12, $0x1;
	s11 =	sadd.s32 s6, s4;
	s4 =	sadd.s32 $0x80, s22  }
0xd: {  	v8 =	vor.u32 $0x20, v0;
	v9 =	vor.u32 $0xA0, v0;
	v10 =	vor.u32 $0x120, v0;
	s6 =	sadd.s32 $0x100, s24;
	s9 =	sadd.s32 $0x200, s5;
	s17 =	sadd.s32 $0xC4400, s3  }
0xe: {  	v11 =	vor.u32 $0x1A0, v0;
	v12 =	vor.u32 $0x30, v0;
	v13 =	vor.u32 $0xB0, v0;
	s22 =	simm.s32 $0x1;
	s24 =	simm.s32 $0x2;
	s8 =	sadd.s32 $0x2200, s11  }
0xf: {  	v14 =	vor.u32 $0x130, v0;
	v15 =	vor.u32 $0x1B0, v0;
	v16 =	vor.u32 $0x40, v0;
	s4 =	sand.u32 $0xFF80, s4;
	s6 =	sand.u32 $0xFF80, s6;
	s31 =	sand.u32 $0xFF80, s9  }
0x10: {  	v17 =	vor.u32 $0xC0, v0;
	v18 =	vor.u32 $0x140, v0;
	v19 =	vor.u32 $0x1C0, v0;
	s9 =	sadd.s32 $0x3600, s11;
	s10 =	sadd.s32 $0x4000, s11;
	[dreg:$0x3] =	wrdreg s8  }
0x11: {  	v20 =	vor.u32 $0x50, v0;
	v21 =	vor.u32 $0xD0, v0;
	v22 =	vor.u32 $0x150, v0;
	s4 =	sadd.s32 s7, s4;
	s8 =	sadd.s32 $0x180, s25;
	s5 =	sadd.s32 s7, s6  }
0x12: {  	v23 =	vor.u32 $0x1D0, v0;
	v24 =	vor.u32 $0x60, v0;
	v25 =	vor.u32 $0xE0, v0;
	s26 =	sand.u32 $0xFF80, s8;
	s8 =	sadd.s32 $0x2C00, s11;
	s11 =	sadd.s32 $0x4A00, s11  }
0x13: {  	v26 =	vor.u32 $0x160, v0;
	v27 =	vor.u32 $0x1E0, v0;
	v28 =	vor.u32 $0x70, v0;
	s20 =	sadd.s32 $0xC4400, s4;
	s23 =	sadd.s32 $0xC4400, s5;
	s6 =	sadd.s32 s7, s26  }
0x14: {  	v29 =	vor.u32 $0xF0, v0;
	v30 =	vor.u32 $0x170, v0;
	v31 =	vor.u32 $0x1F0, v0;
	s7 =	sadd.s32 s7, s31;
	s26 =	simm.s32 $0x14A80;
	s25 =	sadd.s32 $0xC4400, s6  }
.LBB2_1:
0x15: {  	s31 =	rddreg [dreg:$0x3]  }
0x16: {  	[tilespmem:s2], [sflag:$0x3] =	stream.linear.gather [hbm4b:s31+s2], $0x280, $0x38;
	[tilespmem:$0x15480] =	vst v63  }
0x17: {  	_ =	swait.ge [sflag:s13], $0x280  }
0x18: {  	[sflag:s13] =	ssyncset.done $0x0  }
0x19: {  	[sflag:s13] =	ssyncadd.s32 $0xFFFFFD80  }
0x1a: {  	[tilespmem:s16], [sflag:$0x1] =	stream.strided.gather [hbm4b:s3+s14], $0xA000, s15, s14, $0x38;
	[tilespmem:$0x15480] =	vst v63  }
0x1b: {  	_ = 	snop  }
0x1c: {  	[tilespmem:s18], [sflag:$0x1] =	stream.linear.gather [hbm4b:s17+s2], $0x200, $0x38;
	[tilespmem:$0x15480] =	vst v63  }
0x1d: {  	_ = 	snop  }
0x1e: {  	[tilespmem:s19], [sflag:$0x2] =	stream.strided.gather [hbm4b:s4+s14], $0xA000, s15, s14, $0x38;
	[tilespmem:$0x15480] =	vst v63  }
0x1f: {  	_ = 	snop  }
0x20: {  	[tilespmem:s21], [sflag:$0x2] =	stream.linear.gather [hbm4b:s20+s2], $0x200, $0x38;
	[tilespmem:$0x15480] =	vst v63  }
0x21: {  	_ =	swait.ge [sflag:s22], $0xA200  }
0x22: {  	[sflag:s22] =	ssyncset.done $0x0  }
0x23: {  	[sflag:s22] =	ssyncadd.s32 $0xFFFF5E00  }
0x24: {  	v32 =	vld [tilespmem:$0x0];
	_ =	sdelay $0x4  }
0x25: {  	v32 =	vtrunc.f32 v32  }
0x26: {  	v32 =	vcvt.f32.s32 v32;
	_ =	sdelay $0x1  }
0x27: {  	v32 =	vshll.u32 v32, $0x9  }
0x28: {  	v33 =	vor.u32 v0, v32;
	_ =	sdelay $0x4  }
0x29: {  	v33 =	vld.idx.msk [tilespmem:v33+s16+$0x0], $0xffff  }
0x2a: {  	v34 =	vor.u32 v1, v32;
	_ =	sdelay $0x3  }
0x2b: {  	[tilespmem:$0x14A80] =	vst v33  }
0x2c: {  	v33 =	vld.idx.msk [tilespmem:v34+s16+$0x0], $0xffff  }
0x2d: {  	v41 =	vor.u32 v2, v32;
	_ =	sdelay $0x2  }
0x2e: {  	v35 =	vld [tilespmem:$0x10]  }
0x2f: {  	[tilespmem:$0x14D00] =	vst v33  }
0x30: {  	v33 =	vld.idx.msk [tilespmem:v41+s16+$0x0], $0xffff  }
0x31: {  	v32 =	vor.u32 v3, v32;
	_ =	sdelay $0x1  }
0x32: {  	v42 =	vtrunc.f32 v35  }
0x33: {  	v34 =	vcvt.f32.s32 v42  }
0x34: {  	[tilespmem:$0x14F80] =	vst v33  }
0x35: {  	v43 =	vshll.u32 v34, $0x9;
	v32 =	vld.idx.msk [tilespmem:v32+s16+$0x0], $0xffff  }
0x36: {  	v34 =	vor.u32 v4, v43;
	_ =	sdelay $0x3  }
0x37: {  	[tilespmem:$0x15200] =	vst v32  }
0x38: {  	v32 =	vld.idx.msk [tilespmem:v34+s16+$0x0], $0xffff  }
0x39: {  	v44 =	vor.u32 v5, v43;
	_ =	sdelay $0x3  }
0x3a: {  	[tilespmem:$0x14A90] =	vst v32  }
0x3b: {  	v32 =	vld.idx.msk [tilespmem:v44+s16+$0x0], $0xffff  }
0x3c: {  	v45 =	vor.u32 v6, v43;
	_ =	sdelay $0x2  }
0x3d: {  	v46 =	vld [tilespmem:$0x20]  }
0x3e: {  	[tilespmem:$0x14D10] =	vst v32  }
0x3f: {  	v32 =	vld.idx.msk [tilespmem:v45+s16+$0x0], $0xffff  }
0x40: {  	v33 =	vor.u32 v7, v43;
	_ =	sdelay $0x1  }
0x41: {  	v47 =	vtrunc.f32 v46  }
0x42: {  	v34 =	vcvt.f32.s32 v47  }
0x43: {  	[tilespmem:$0x14F90] =	vst v32  }
0x44: {  	v48 =	vshll.u32 v34, $0x9;
	v32 =	vld.idx.msk [tilespmem:v33+s16+$0x0], $0xffff  }
0x45: {  	v34 =	vor.u32 v8, v48;
	_ =	sdelay $0x3  }
0x46: {  	[tilespmem:$0x15210] =	vst v32  }
0x47: {  	v32 =	vld.idx.msk [tilespmem:v34+s16+$0x0], $0xffff  }
0x48: {  	v49 =	vor.u32 v9, v48;
	_ =	sdelay $0x3  }
0x49: {  	[tilespmem:$0x14AA0] =	vst v32  }
0x4a: {  	v32 =	vld.idx.msk [tilespmem:v49+s16+$0x0], $0xffff  }
0x4b: {  	v50 =	vor.u32 v10, v48;
	_ =	sdelay $0x2  }
0x4c: {  	v51 =	vld [tilespmem:$0x30]  }
0x4d: {  	[tilespmem:$0x14D20] =	vst v32  }
0x4e: {  	v32 =	vld.idx.msk [tilespmem:v50+s16+$0x0], $0xffff  }
0x4f: {  	v33 =	vor.u32 v11, v48;
	_ =	sdelay $0x1  }
0x50: {  	v52 =	vtrunc.f32 v51  }
0x51: {  	v34 =	vcvt.f32.s32 v52  }
0x52: {  	[tilespmem:$0x14FA0] =	vst v32  }
0x53: {  	v53 =	vshll.u32 v34, $0x9;
	v32 =	vld.idx.msk [tilespmem:v33+s16+$0x0], $0xffff  }
0x54: {  	v34 =	vor.u32 v12, v53;
	_ =	sdelay $0x3  }
0x55: {  	[tilespmem:$0x15220] =	vst v32  }
0x56: {  	v32 =	vld.idx.msk [tilespmem:v34+s16+$0x0], $0xffff  }
0x57: {  	v54 =	vor.u32 v13, v53;
	_ =	sdelay $0x3  }
0x58: {  	[tilespmem:$0x14AB0] =	vst v32  }
0x59: {  	v32 =	vld.idx.msk [tilespmem:v54+s16+$0x0], $0xffff  }
0x5a: {  	v55 =	vor.u32 v14, v53;
	_ =	sdelay $0x2  }
0x5b: {  	v56 =	vld [tilespmem:$0x40]  }
0x5c: {  	[tilespmem:$0x14D30] =	vst v32  }
0x5d: {  	v32 =	vld.idx.msk [tilespmem:v55+s16+$0x0], $0xffff  }
0x5e: {  	v33 =	vor.u32 v15, v53;
	_ =	sdelay $0x1  }
0x5f: {  	v57 =	vtrunc.f32 v56  }
0x60: {  	v34 =	vcvt.f32.s32 v57  }
0x61: {  	[tilespmem:$0x14FB0] =	vst v32  }
0x62: {  	v58 =	vshll.u32 v34, $0x9;
	v32 =	vld.idx.msk [tilespmem:v33+s16+$0x0], $0xffff  }
0x63: {  	v34 =	vor.u32 v16, v58;
	_ =	sdelay $0x3  }
0x64: {  	[tilespmem:$0x15230] =	vst v32  }
0x65: {  	v32 =	vld.idx.msk [tilespmem:v34+s16+$0x0], $0xffff  }
0x66: {  	v59 =	vor.u32 v17, v58;
	_ =	sdelay $0x3  }
0x67: {  	[tilespmem:$0x14AC0] =	vst v32  }
0x68: {  	v32 =	vld.idx.msk [tilespmem:v59+s16+$0x0], $0xffff  }
0x69: {  	v60 =	vor.u32 v18, v58;
	_ =	sdelay $0x2  }
0x6a: {  	v61 =	vld [tilespmem:$0x50]  }
0x6b: {  	[tilespmem:$0x14D40] =	vst v32  }
0x6c: {  	v32 =	vld.idx.msk [tilespmem:v60+s16+$0x0], $0xffff  }
0x6d: {  	v33 =	vor.u32 v19, v58;
	_ =	sdelay $0x1  }
0x6e: {  	v62 =	vtrunc.f32 v61  }
0x6f: {  	v34 =	vcvt.f32.s32 v62  }
0x70: {  	[tilespmem:$0x14FC0] =	vst v32  }
0x71: {  	v63 =	vshll.u32 v34, $0x9;
	v32 =	vld.idx.msk [tilespmem:v33+s16+$0x0], $0xffff  }
0x72: {  	v34 =	vor.u32 v20, v63;
	_ =	sdelay $0x3  }
0x73: {  	[tilespmem:$0x15240] =	vst v32  }
0x74: {  	v32 =	vld.idx.msk [tilespmem:v34+s16+$0x0], $0xffff  }
0x75: {  	v36 =	vor.u32 v21, v63;
	_ =	sdelay $0x3  }
0x76: {  	[tilespmem:$0x14AD0] =	vst v32  }
0x77: {  	v32 =	vld.idx.msk [tilespmem:v36+s16+$0x0], $0xffff  }
0x78: {  	v37 =	vor.u32 v22, v63;
	_ =	sdelay $0x2  }
0x79: {  	v38 =	vld [tilespmem:$0x60]  }
0x7a: {  	[tilespmem:$0x14D50] =	vst v32  }
0x7b: {  	v32 =	vld.idx.msk [tilespmem:v37+s16+$0x0], $0xffff  }
0x7c: {  	v33 =	vor.u32 v23, v63;
	_ =	sdelay $0x1  }
0x7d: {  	v39 =	vtrunc.f32 v38  }
0x7e: {  	v34 =	vcvt.f32.s32 v39  }
0x7f: {  	[tilespmem:$0x14FD0] =	vst v32  }
0x80: {  	v40 =	vshll.u32 v34, $0x9;
	v32 =	vld.idx.msk [tilespmem:v33+s16+$0x0], $0xffff  }
0x81: {  	v34 =	vor.u32 v24, v40;
	_ =	sdelay $0x3  }
0x82: {  	[tilespmem:$0x15250] =	vst v32  }
0x83: {  	v32 =	vld.idx.msk [tilespmem:v34+s16+$0x0], $0xffff  }
0x84: {  	v41 =	vor.u32 v25, v40;
	_ =	sdelay $0x3  }
0x85: {  	[tilespmem:$0x14AE0] =	vst v32  }
0x86: {  	v32 =	vld.idx.msk [tilespmem:v41+s16+$0x0], $0xffff  }
0x87: {  	v42 =	vor.u32 v26, v40;
	_ =	sdelay $0x2  }
0x88: {  	v43 =	vld [tilespmem:$0x70]  }
0x89: {  	[tilespmem:$0x14D60] =	vst v32  }
0x8a: {  	v32 =	vld.idx.msk [tilespmem:v42+s16+$0x0], $0xffff  }
0x8b: {  	v33 =	vor.u32 v27, v40;
	_ =	sdelay $0x1  }
0x8c: {  	v44 =	vtrunc.f32 v43  }
0x8d: {  	v34 =	vcvt.f32.s32 v44  }
0x8e: {  	[tilespmem:$0x14FE0] =	vst v32  }
0x8f: {  	v45 =	vshll.u32 v34, $0x9;
	v32 =	vld.idx.msk [tilespmem:v33+s16+$0x0], $0xffff  }
0x90: {  	v34 =	vor.u32 v28, v45;
	_ =	sdelay $0x3  }
0x91: {  	[tilespmem:$0x15260] =	vst v32  }
0x92: {  	v32 =	vld.idx.msk [tilespmem:v34+s16+$0x0], $0xffff  }
0x93: {  	v46 =	vor.u32 v29, v45;
	_ =	sdelay $0x3  }
0x94: {  	[tilespmem:$0x14AF0] =	vst v32  }
0x95: {  	v32 =	vld.idx.msk [tilespmem:v46+s16+$0x0], $0xffff  }
0x96: {  	v47 =	vor.u32 v30, v45;
	_ =	sdelay $0x3  }
0x97: {  	[tilespmem:$0x14D70] =	vst v32  }
0x98: {  	v32 =	vld.idx.msk [tilespmem:v47+s16+$0x0], $0xffff  }
0x99: {  	v33 =	vor.u32 v31, v45;
	_ =	sdelay $0x3  }
0x9a: {  	[tilespmem:$0x14FF0] =	vst v32  }
0x9b: {  	v32 =	vld.idx.msk [tilespmem:v33+s16+$0x0], $0xffff;
	_ =	sdelay $0x4  }
0x9c: {  	[tilespmem:$0x15270] =	vst v32  }
0x9d: {  	[tilespmem:s16], [sflag:$0x1] =	stream.strided.gather [hbm4b:s5+s14], $0xA000, s15, s14, $0x38;
	[tilespmem:$0x15480] =	vst v63  }
0x9e: {  	_ = 	snop  }
0x9f: {  	[tilespmem:s18], [sflag:$0x1] =	stream.linear.gather [hbm4b:s23+s2], $0x200, $0x38;
	[tilespmem:$0x15480] =	vst v63  }
0xa0: {  	_ =	swait.ge [sflag:s24], $0xA200  }
0xa1: {  	[sflag:s24] =	ssyncset.done $0x0  }
0xa2: {  	[sflag:s24] =	ssyncadd.s32 $0xFFFF5E00  }
0xa3: {  	v48 =	vld [tilespmem:$0x80];
	_ =	sdelay $0x4  }
0xa4: {  	v32 =	vtrunc.f32 v48  }
0xa5: {  	v32 =	vcvt.f32.s32 v32;
	_ =	sdelay $0x1  }
0xa6: {  	v32 =	vshll.u32 v32, $0x9  }
0xa7: {  	v49 =	vor.u32 v0, v32;
	_ =	sdelay $0x4  }
0xa8: {  	v33 =	vld.idx.msk [tilespmem:v49+s19+$0x0], $0xffff  }
0xa9: {  	v50 =	vor.u32 v1, v32;
	_ =	sdelay $0x3  }
0xaa: {  	[tilespmem:$0x14B00] =	vst v33  }
0xab: {  	v33 =	vld.idx.msk [tilespmem:v50+s19+$0x0], $0xffff  }
0xac: {  	v51 =	vor.u32 v2, v32;
	_ =	sdelay $0x2  }
0xad: {  	v52 =	vld [tilespmem:$0x90]  }
0xae: {  	[tilespmem:$0x14D80] =	vst v33  }
0xaf: {  	v33 =	vld.idx.msk [tilespmem:v51+s19+$0x0], $0xffff  }
0xb0: {  	v32 =	vor.u32 v3, v32;
	_ =	sdelay $0x1  }
0xb1: {  	v53 =	vtrunc.f32 v52  }
0xb2: {  	v34 =	vcvt.f32.s32 v53  }
0xb3: {  	[tilespmem:$0x15000] =	vst v33  }
0xb4: {  	v54 =	vshll.u32 v34, $0x9;
	v32 =	vld.idx.msk [tilespmem:v32+s19+$0x0], $0xffff  }
0xb5: {  	v34 =	vor.u32 v4, v54;
	_ =	sdelay $0x3  }
0xb6: {  	[tilespmem:$0x15280] =	vst v32  }
0xb7: {  	v32 =	vld.idx.msk [tilespmem:v34+s19+$0x0], $0xffff  }
0xb8: {  	v55 =	vor.u32 v5, v54;
	_ =	sdelay $0x3  }
0xb9: {  	[tilespmem:$0x14B10] =	vst v32  }
0xba: {  	v32 =	vld.idx.msk [tilespmem:v55+s19+$0x0], $0xffff  }
0xbb: {  	v56 =	vor.u32 v6, v54;
	_ =	sdelay $0x2  }
0xbc: {  	v57 =	vld [tilespmem:$0xA0]  }
0xbd: {  	[tilespmem:$0x14D90] =	vst v32  }
0xbe: {  	v32 =	vld.idx.msk [tilespmem:v56+s19+$0x0], $0xffff  }
0xbf: {  	v33 =	vor.u32 v7, v54;
	_ =	sdelay $0x1  }
0xc0: {  	v58 =	vtrunc.f32 v57  }
0xc1: {  	v34 =	vcvt.f32.s32 v58  }
0xc2: {  	[tilespmem:$0x15010] =	vst v32  }
0xc3: {  	v59 =	vshll.u32 v34, $0x9;
	v32 =	vld.idx.msk [tilespmem:v33+s19+$0x0], $0xffff  }
0xc4: {  	v34 =	vor.u32 v8, v59;
	_ =	sdelay $0x3  }
0xc5: {  	[tilespmem:$0x15290] =	vst v32  }
0xc6: {  	v32 =	vld.idx.msk [tilespmem:v34+s19+$0x0], $0xffff  }
0xc7: {  	v60 =	vor.u32 v9, v59;
	_ =	sdelay $0x3  }
0xc8: {  	[tilespmem:$0x14B20] =	vst v32  }
0xc9: {  	v32 =	vld.idx.msk [tilespmem:v60+s19+$0x0], $0xffff  }
0xca: {  	v61 =	vor.u32 v10, v59;
	_ =	sdelay $0x2  }
0xcb: {  	v62 =	vld [tilespmem:$0xB0]  }
0xcc: {  	[tilespmem:$0x14DA0] =	vst v32  }
0xcd: {  	v32 =	vld.idx.msk [tilespmem:v61+s19+$0x0], $0xffff  }
0xce: {  	v33 =	vor.u32 v11, v59;
	_ =	sdelay $0x1  }
0xcf: {  	v63 =	vtrunc.f32 v62  }
0xd0: {  	v34 =	vcvt.f32.s32 v63  }
0xd1: {  	[tilespmem:$0x15020] =	vst v32  }
0xd2: {  	v36 =	vshll.u32 v34, $0x9;
	v32 =	vld.idx.msk [tilespmem:v33+s19+$0x0], $0xffff  }
0xd3: {  	v34 =	vor.u32 v12, v36;
	_ =	sdelay $0x3  }
0xd4: {  	[tilespmem:$0x152A0] =	vst v32  }
0xd5: {  	v32 =	vld.idx.msk [tilespmem:v34+s19+$0x0], $0xffff  }
0xd6: {  	v37 =	vor.u32 v13, v36;
	_ =	sdelay $0x3  }
0xd7: {  	[tilespmem:$0x14B30] =	vst v32  }
0xd8: {  	v32 =	vld.idx.msk [tilespmem:v37+s19+$0x0], $0xffff  }
0xd9: {  	v38 =	vor.u32 v14, v36;
	_ =	sdelay $0x2  }
0xda: {  	v39 =	vld [tilespmem:$0xC0]  }
0xdb: {  	[tilespmem:$0x14DB0] =	vst v32  }
0xdc: {  	v32 =	vld.idx.msk [tilespmem:v38+s19+$0x0], $0xffff  }
0xdd: {  	v33 =	vor.u32 v15, v36;
	_ =	sdelay $0x1  }
0xde: {  	v40 =	vtrunc.f32 v39  }
0xdf: {  	v34 =	vcvt.f32.s32 v40  }
0xe0: {  	[tilespmem:$0x15030] =	vst v32  }
0xe1: {  	v41 =	vshll.u32 v34, $0x9;
	v32 =	vld.idx.msk [tilespmem:v33+s19+$0x0], $0xffff  }
0xe2: {  	v34 =	vor.u32 v16, v41;
	_ =	sdelay $0x3  }
0xe3: {  	[tilespmem:$0x152B0] =	vst v32  }
0xe4: {  	v32 =	vld.idx.msk [tilespmem:v34+s19+$0x0], $0xffff  }
0xe5: {  	v42 =	vor.u32 v17, v41;
	_ =	sdelay $0x3  }
0xe6: {  	[tilespmem:$0x14B40] =	vst v32  }
0xe7: {  	v32 =	vld.idx.msk [tilespmem:v42+s19+$0x0], $0xffff  }
0xe8: {  	v43 =	vor.u32 v18, v41;
	_ =	sdelay $0x2  }
0xe9: {  	v44 =	vld [tilespmem:$0xD0]  }
0xea: {  	[tilespmem:$0x14DC0] =	vst v32  }
0xeb: {  	v32 =	vld.idx.msk [tilespmem:v43+s19+$0x0], $0xffff  }
0xec: {  	v33 =	vor.u32 v19, v41;
	_ =	sdelay $0x1  }
0xed: {  	v45 =	vtrunc.f32 v44  }
0xee: {  	v34 =	vcvt.f32.s32 v45  }
0xef: {  	[tilespmem:$0x15040] =	vst v32  }
0xf0: {  	v46 =	vshll.u32 v34, $0x9;
	v32 =	vld.idx.msk [tilespmem:v33+s19+$0x0], $0xffff  }
0xf1: {  	v34 =	vor.u32 v20, v46;
	_ =	sdelay $0x3  }
0xf2: {  	[tilespmem:$0x152C0] =	vst v32  }
0xf3: {  	v32 =	vld.idx.msk [tilespmem:v34+s19+$0x0], $0xffff  }
0xf4: {  	v47 =	vor.u32 v21, v46;
	_ =	sdelay $0x3  }
0xf5: {  	[tilespmem:$0x14B50] =	vst v32  }
0xf6: {  	v32 =	vld.idx.msk [tilespmem:v47+s19+$0x0], $0xffff  }
0xf7: {  	v48 =	vor.u32 v22, v46;
	_ =	sdelay $0x2  }
0xf8: {  	v49 =	vld [tilespmem:$0xE0]  }
0xf9: {  	[tilespmem:$0x14DD0] =	vst v32  }
0xfa: {  	v32 =	vld.idx.msk [tilespmem:v48+s19+$0x0], $0xffff  }
0xfb: {  	v33 =	vor.u32 v23, v46;
	_ =	sdelay $0x1  }
0xfc: {  	v50 =	vtrunc.f32 v49  }
0xfd: {  	v34 =	vcvt.f32.s32 v50  }
0xfe: {  	[tilespmem:$0x15050] =	vst v32  }
0xff: {  	v51 =	vshll.u32 v34, $0x9;
	v32 =	vld.idx.msk [tilespmem:v33+s19+$0x0], $0xffff  }
0x100: {  	v34 =	vor.u32 v24, v51;
	_ =	sdelay $0x3  }
0x101: {  	[tilespmem:$0x152D0] =	vst v32  }
0x102: {  	v32 =	vld.idx.msk [tilespmem:v34+s19+$0x0], $0xffff  }
0x103: {  	v52 =	vor.u32 v25, v51;
	_ =	sdelay $0x3  }
0x104: {  	[tilespmem:$0x14B60] =	vst v32  }
0x105: {  	v32 =	vld.idx.msk [tilespmem:v52+s19+$0x0], $0xffff  }
0x106: {  	v53 =	vor.u32 v26, v51;
	_ =	sdelay $0x2  }
0x107: {  	v54 =	vld [tilespmem:$0xF0]  }
0x108: {  	[tilespmem:$0x14DE0] =	vst v32  }
0x109: {  	v32 =	vld.idx.msk [tilespmem:v53+s19+$0x0], $0xffff  }
0x10a: {  	v33 =	vor.u32 v27, v51;
	_ =	sdelay $0x1  }
0x10b: {  	v55 =	vtrunc.f32 v54  }
0x10c: {  	v34 =	vcvt.f32.s32 v55  }
0x10d: {  	[tilespmem:$0x15060] =	vst v32  }
0x10e: {  	v56 =	vshll.u32 v34, $0x9;
	v32 =	vld.idx.msk [tilespmem:v33+s19+$0x0], $0xffff  }
0x10f: {  	v34 =	vor.u32 v28, v56;
	_ =	sdelay $0x3  }
0x110: {  	[tilespmem:$0x152E0] =	vst v32  }
0x111: {  	v32 =	vld.idx.msk [tilespmem:v34+s19+$0x0], $0xffff  }
0x112: {  	v57 =	vor.u32 v29, v56;
	_ =	sdelay $0x3  }
0x113: {  	[tilespmem:$0x14B70] =	vst v32  }
0x114: {  	v32 =	vld.idx.msk [tilespmem:v57+s19+$0x0], $0xffff  }
0x115: {  	v58 =	vor.u32 v30, v56;
	_ =	sdelay $0x3  }
0x116: {  	[tilespmem:$0x14DF0] =	vst v32  }
0x117: {  	v32 =	vld.idx.msk [tilespmem:v58+s19+$0x0], $0xffff  }
0x118: {  	v33 =	vor.u32 v31, v56;
	_ =	sdelay $0x3  }
0x119: {  	[tilespmem:$0x15070] =	vst v32  }
0x11a: {  	v32 =	vld.idx.msk [tilespmem:v33+s19+$0x0], $0xffff;
	_ =	sdelay $0x4  }
0x11b: {  	[tilespmem:$0x152F0] =	vst v32  }
0x11c: {  	[tilespmem:s19], [sflag:$0x2] =	stream.strided.gather [hbm4b:s6+s14], $0xA000, s15, s14, $0x38;
	[tilespmem:$0x15480] =	vst v63  }
0x11d: {  	_ = 	snop  }
0x11e: {  	[tilespmem:s21], [sflag:$0x2] =	stream.linear.gather [hbm4b:s25+s2], $0x200, $0x38;
	[tilespmem:$0x15480] =	vst v63  }
0x11f: {  	_ =	swait.ge [sflag:s22], $0xA200  }
0x120: {  	[sflag:s22] =	ssyncset.done $0x0  }
0x121: {  	[sflag:s22] =	ssyncadd.s32 $0xFFFF5E00  }
0x122: {  	v59 =	vld [tilespmem:$0x100];
	_ =	sdelay $0x4  }
0x123: {  	v32 =	vtrunc.f32 v59  }
0x124: {  	v32 =	vcvt.f32.s32 v32;
	_ =	sdelay $0x1  }
0x125: {  	v32 =	vshll.u32 v32, $0x9  }
0x126: {  	v60 =	vor.u32 v0, v32;
	_ =	sdelay $0x4  }
0x127: {  	v33 =	vld.idx.msk [tilespmem:v60+s16+$0x0], $0xffff  }
0x128: {  	v61 =	vor.u32 v1, v32;
	_ =	sdelay $0x3  }
0x129: {  	[tilespmem:$0x14B80] =	vst v33  }
0x12a: {  	v33 =	vld.idx.msk [tilespmem:v61+s16+$0x0], $0xffff  }
0x12b: {  	v62 =	vor.u32 v2, v32;
	_ =	sdelay $0x2  }
0x12c: {  	v63 =	vld [tilespmem:$0x110]  }
0x12d: {  	[tilespmem:$0x14E00] =	vst v33  }
0x12e: {  	v33 =	vld.idx.msk [tilespmem:v62+s16+$0x0], $0xffff  }
0x12f: {  	v32 =	vor.u32 v3, v32;
	_ =	sdelay $0x1  }
0x130: {  	v36 =	vtrunc.f32 v63  }
0x131: {  	v34 =	vcvt.f32.s32 v36  }
0x132: {  	[tilespmem:$0x15080] =	vst v33  }
0x133: {  	v37 =	vshll.u32 v34, $0x9;
	v32 =	vld.idx.msk [tilespmem:v32+s16+$0x0], $0xffff  }
0x134: {  	v34 =	vor.u32 v4, v37;
	_ =	sdelay $0x3  }
0x135: {  	[tilespmem:$0x15300] =	vst v32  }
0x136: {  	v32 =	vld.idx.msk [tilespmem:v34+s16+$0x0], $0xffff  }
0x137: {  	v38 =	vor.u32 v5, v37;
	_ =	sdelay $0x3  }
0x138: {  	[tilespmem:$0x14B90] =	vst v32  }
0x139: {  	v32 =	vld.idx.msk [tilespmem:v38+s16+$0x0], $0xffff  }
0x13a: {  	v39 =	vor.u32 v6, v37;
	_ =	sdelay $0x2  }
0x13b: {  	v40 =	vld [tilespmem:$0x120]  }
0x13c: {  	[tilespmem:$0x14E10] =	vst v32  }
0x13d: {  	v32 =	vld.idx.msk [tilespmem:v39+s16+$0x0], $0xffff  }
0x13e: {  	v33 =	vor.u32 v7, v37;
	_ =	sdelay $0x1  }
0x13f: {  	v41 =	vtrunc.f32 v40  }
0x140: {  	v34 =	vcvt.f32.s32 v41  }
0x141: {  	[tilespmem:$0x15090] =	vst v32  }
0x142: {  	v42 =	vshll.u32 v34, $0x9;
	v32 =	vld.idx.msk [tilespmem:v33+s16+$0x0], $0xffff  }
0x143: {  	v34 =	vor.u32 v8, v42;
	_ =	sdelay $0x3  }
0x144: {  	[tilespmem:$0x15310] =	vst v32  }
0x145: {  	v32 =	vld.idx.msk [tilespmem:v34+s16+$0x0], $0xffff  }
0x146: {  	v43 =	vor.u32 v9, v42;
	_ =	sdelay $0x3  }
0x147: {  	[tilespmem:$0x14BA0] =	vst v32  }
0x148: {  	v32 =	vld.idx.msk [tilespmem:v43+s16+$0x0], $0xffff  }
0x149: {  	v44 =	vor.u32 v10, v42;
	_ =	sdelay $0x2  }
0x14a: {  	v45 =	vld [tilespmem:$0x130]  }
0x14b: {  	[tilespmem:$0x14E20] =	vst v32  }
0x14c: {  	v32 =	vld.idx.msk [tilespmem:v44+s16+$0x0], $0xffff  }
0x14d: {  	v33 =	vor.u32 v11, v42;
	_ =	sdelay $0x1  }
0x14e: {  	v46 =	vtrunc.f32 v45  }
0x14f: {  	v34 =	vcvt.f32.s32 v46  }
0x150: {  	[tilespmem:$0x150A0] =	vst v32  }
0x151: {  	v47 =	vshll.u32 v34, $0x9;
	v32 =	vld.idx.msk [tilespmem:v33+s16+$0x0], $0xffff  }
0x152: {  	v34 =	vor.u32 v12, v47;
	_ =	sdelay $0x3  }
0x153: {  	[tilespmem:$0x15320] =	vst v32  }
0x154: {  	v32 =	vld.idx.msk [tilespmem:v34+s16+$0x0], $0xffff  }
0x155: {  	v48 =	vor.u32 v13, v47;
	_ =	sdelay $0x3  }
0x156: {  	[tilespmem:$0x14BB0] =	vst v32  }
0x157: {  	v32 =	vld.idx.msk [tilespmem:v48+s16+$0x0], $0xffff  }
0x158: {  	v49 =	vor.u32 v14, v47;
	_ =	sdelay $0x2  }
0x159: {  	v50 =	vld [tilespmem:$0x140]  }
0x15a: {  	[tilespmem:$0x14E30] =	vst v32  }
0x15b: {  	v32 =	vld.idx.msk [tilespmem:v49+s16+$0x0], $0xffff  }
0x15c: {  	v33 =	vor.u32 v15, v47;
	_ =	sdelay $0x1  }
0x15d: {  	v51 =	vtrunc.f32 v50  }
0x15e: {  	v34 =	vcvt.f32.s32 v51  }
0x15f: {  	[tilespmem:$0x150B0] =	vst v32  }
0x160: {  	v52 =	vshll.u32 v34, $0x9;
	v32 =	vld.idx.msk [tilespmem:v33+s16+$0x0], $0xffff  }
0x161: {  	v34 =	vor.u32 v16, v52;
	_ =	sdelay $0x3  }
0x162: {  	[tilespmem:$0x15330] =	vst v32  }
0x163: {  	v32 =	vld.idx.msk [tilespmem:v34+s16+$0x0], $0xffff  }
0x164: {  	v53 =	vor.u32 v17, v52;
	_ =	sdelay $0x3  }
0x165: {  	[tilespmem:$0x14BC0] =	vst v32  }
0x166: {  	v32 =	vld.idx.msk [tilespmem:v53+s16+$0x0], $0xffff  }
0x167: {  	v54 =	vor.u32 v18, v52;
	_ =	sdelay $0x2  }
0x168: {  	v55 =	vld [tilespmem:$0x150]  }
0x169: {  	[tilespmem:$0x14E40] =	vst v32  }
0x16a: {  	v32 =	vld.idx.msk [tilespmem:v54+s16+$0x0], $0xffff  }
0x16b: {  	v33 =	vor.u32 v19, v52;
	_ =	sdelay $0x1  }
0x16c: {  	v56 =	vtrunc.f32 v55  }
0x16d: {  	v34 =	vcvt.f32.s32 v56  }
0x16e: {  	[tilespmem:$0x150C0] =	vst v32  }
0x16f: {  	v57 =	vshll.u32 v34, $0x9;
	v32 =	vld.idx.msk [tilespmem:v33+s16+$0x0], $0xffff  }
0x170: {  	v34 =	vor.u32 v20, v57;
	_ =	sdelay $0x3  }
0x171: {  	[tilespmem:$0x15340] =	vst v32  }
0x172: {  	v32 =	vld.idx.msk [tilespmem:v34+s16+$0x0], $0xffff  }
0x173: {  	v58 =	vor.u32 v21, v57;
	_ =	sdelay $0x3  }
0x174: {  	[tilespmem:$0x14BD0] =	vst v32  }
0x175: {  	v32 =	vld.idx.msk [tilespmem:v58+s16+$0x0], $0xffff  }
0x176: {  	v59 =	vor.u32 v22, v57;
	_ =	sdelay $0x2  }
0x177: {  	v60 =	vld [tilespmem:$0x160]  }
0x178: {  	[tilespmem:$0x14E50] =	vst v32  }
0x179: {  	v32 =	vld.idx.msk [tilespmem:v59+s16+$0x0], $0xffff  }
0x17a: {  	v33 =	vor.u32 v23, v57;
	_ =	sdelay $0x1  }
0x17b: {  	v61 =	vtrunc.f32 v60  }
0x17c: {  	v34 =	vcvt.f32.s32 v61  }
0x17d: {  	[tilespmem:$0x150D0] =	vst v32  }
0x17e: {  	v62 =	vshll.u32 v34, $0x9;
	v32 =	vld.idx.msk [tilespmem:v33+s16+$0x0], $0xffff  }
0x17f: {  	v34 =	vor.u32 v24, v62;
	_ =	sdelay $0x3  }
0x180: {  	[tilespmem:$0x15350] =	vst v32  }
0x181: {  	v32 =	vld.idx.msk [tilespmem:v34+s16+$0x0], $0xffff  }
0x182: {  	v63 =	vor.u32 v25, v62;
	_ =	sdelay $0x3  }
0x183: {  	[tilespmem:$0x14BE0] =	vst v32  }
0x184: {  	v32 =	vld.idx.msk [tilespmem:v63+s16+$0x0], $0xffff  }
0x185: {  	v36 =	vor.u32 v26, v62;
	_ =	sdelay $0x2  }
0x186: {  	v37 =	vld [tilespmem:$0x170]  }
0x187: {  	[tilespmem:$0x14E60] =	vst v32  }
0x188: {  	v32 =	vld.idx.msk [tilespmem:v36+s16+$0x0], $0xffff  }
0x189: {  	v33 =	vor.u32 v27, v62;
	_ =	sdelay $0x1  }
0x18a: {  	v38 =	vtrunc.f32 v37  }
0x18b: {  	v34 =	vcvt.f32.s32 v38  }
0x18c: {  	[tilespmem:$0x150E0] =	vst v32  }
0x18d: {  	v39 =	vshll.u32 v34, $0x9;
	v32 =	vld.idx.msk [tilespmem:v33+s16+$0x0], $0xffff  }
0x18e: {  	v34 =	vor.u32 v28, v39;
	_ =	sdelay $0x3  }
0x18f: {  	[tilespmem:$0x15360] =	vst v32  }
0x190: {  	v32 =	vld.idx.msk [tilespmem:v34+s16+$0x0], $0xffff  }
0x191: {  	v40 =	vor.u32 v29, v39;
	_ =	sdelay $0x3  }
0x192: {  	[tilespmem:$0x14BF0] =	vst v32  }
0x193: {  	v32 =	vld.idx.msk [tilespmem:v40+s16+$0x0], $0xffff  }
0x194: {  	v41 =	vor.u32 v30, v39;
	_ =	sdelay $0x3  }
0x195: {  	[tilespmem:$0x14E70] =	vst v32  }
0x196: {  	v32 =	vld.idx.msk [tilespmem:v41+s16+$0x0], $0xffff  }
0x197: {  	v33 =	vor.u32 v31, v39;
	_ =	sdelay $0x3  }
0x198: {  	[tilespmem:$0x150F0] =	vst v32  }
0x199: {  	v32 =	vld.idx.msk [tilespmem:v33+s16+$0x0], $0xffff;
	_ =	sdelay $0x4  }
0x19a: {  	[tilespmem:$0x15370] =	vst v32  }
0x19b: {  	[tilespmem:s16], [sflag:$0x1] =	stream.strided.gather [hbm4b:s7+s14], $0xA000, s15, s14, $0x38;
	[tilespmem:$0x15480] =	vst v63  }
0x19c: {  	s31 =	sadd.s32 $0xC4400, s7  }
0x19d: {  	[tilespmem:s18], [sflag:$0x1] =	stream.linear.gather [hbm4b:s31+s2], $0x200, $0x38;
	[tilespmem:$0x15480] =	vst v63  }
0x19e: {  	_ =	swait.ge [sflag:s24], $0xA200  }
0x19f: {  	[sflag:s24] =	ssyncset.done $0x0  }
0x1a0: {  	[sflag:s24] =	ssyncadd.s32 $0xFFFF5E00  }
0x1a1: {  	v42 =	vld [tilespmem:$0x180];
	_ =	sdelay $0x4  }
0x1a2: {  	v32 =	vtrunc.f32 v42  }
0x1a3: {  	v32 =	vcvt.f32.s32 v32;
	_ =	sdelay $0x1  }
0x1a4: {  	v32 =	vshll.u32 v32, $0x9  }
0x1a5: {  	v43 =	vor.u32 v0, v32;
	_ =	sdelay $0x4  }
0x1a6: {  	v33 =	vld.idx.msk [tilespmem:v43+s19+$0x0], $0xffff  }
0x1a7: {  	v44 =	vor.u32 v1, v32;
	_ =	sdelay $0x3  }
0x1a8: {  	[tilespmem:$0x14C00] =	vst v33  }
0x1a9: {  	v33 =	vld.idx.msk [tilespmem:v44+s19+$0x0], $0xffff  }
0x1aa: {  	v45 =	vor.u32 v2, v32;
	_ =	sdelay $0x2  }
0x1ab: {  	v46 =	vld [tilespmem:$0x190]  }
0x1ac: {  	[tilespmem:$0x14E80] =	vst v33  }
0x1ad: {  	v33 =	vld.idx.msk [tilespmem:v45+s19+$0x0], $0xffff  }
0x1ae: {  	v32 =	vor.u32 v3, v32;
	_ =	sdelay $0x1  }
0x1af: {  	v47 =	vtrunc.f32 v46  }
0x1b0: {  	v34 =	vcvt.f32.s32 v47  }
0x1b1: {  	[tilespmem:$0x15100] =	vst v33  }
0x1b2: {  	v48 =	vshll.u32 v34, $0x9;
	v32 =	vld.idx.msk [tilespmem:v32+s19+$0x0], $0xffff  }
0x1b3: {  	v34 =	vor.u32 v4, v48;
	_ =	sdelay $0x3  }
0x1b4: {  	[tilespmem:$0x15380] =	vst v32  }
0x1b5: {  	v32 =	vld.idx.msk [tilespmem:v34+s19+$0x0], $0xffff  }
0x1b6: {  	v49 =	vor.u32 v5, v48;
	_ =	sdelay $0x3  }
0x1b7: {  	[tilespmem:$0x14C10] =	vst v32  }
0x1b8: {  	v32 =	vld.idx.msk [tilespmem:v49+s19+$0x0], $0xffff  }
0x1b9: {  	v50 =	vor.u32 v6, v48;
	_ =	sdelay $0x2  }
0x1ba: {  	v51 =	vld [tilespmem:$0x1A0]  }
0x1bb: {  	[tilespmem:$0x14E90] =	vst v32  }
0x1bc: {  	v32 =	vld.idx.msk [tilespmem:v50+s19+$0x0], $0xffff  }
0x1bd: {  	v33 =	vor.u32 v7, v48;
	_ =	sdelay $0x1  }
0x1be: {  	v52 =	vtrunc.f32 v51  }
0x1bf: {  	v34 =	vcvt.f32.s32 v52  }
0x1c0: {  	[tilespmem:$0x15110] =	vst v32  }
0x1c1: {  	v53 =	vshll.u32 v34, $0x9;
	v32 =	vld.idx.msk [tilespmem:v33+s19+$0x0], $0xffff  }
0x1c2: {  	v34 =	vor.u32 v8, v53;
	_ =	sdelay $0x3  }
0x1c3: {  	[tilespmem:$0x15390] =	vst v32  }
0x1c4: {  	v32 =	vld.idx.msk [tilespmem:v34+s19+$0x0], $0xffff  }
0x1c5: {  	v54 =	vor.u32 v9, v53;
	_ =	sdelay $0x3  }
0x1c6: {  	[tilespmem:$0x14C20] =	vst v32  }
0x1c7: {  	v32 =	vld.idx.msk [tilespmem:v54+s19+$0x0], $0xffff  }
0x1c8: {  	v55 =	vor.u32 v10, v53;
	_ =	sdelay $0x2  }
0x1c9: {  	v56 =	vld [tilespmem:$0x1B0]  }
0x1ca: {  	[tilespmem:$0x14EA0] =	vst v32  }
0x1cb: {  	v32 =	vld.idx.msk [tilespmem:v55+s19+$0x0], $0xffff  }
0x1cc: {  	v33 =	vor.u32 v11, v53;
	_ =	sdelay $0x1  }
0x1cd: {  	v57 =	vtrunc.f32 v56  }
0x1ce: {  	v34 =	vcvt.f32.s32 v57  }
0x1cf: {  	[tilespmem:$0x15120] =	vst v32  }
0x1d0: {  	v58 =	vshll.u32 v34, $0x9;
	v32 =	vld.idx.msk [tilespmem:v33+s19+$0x0], $0xffff  }
0x1d1: {  	v34 =	vor.u32 v12, v58;
	_ =	sdelay $0x3  }
0x1d2: {  	[tilespmem:$0x153A0] =	vst v32  }
0x1d3: {  	v32 =	vld.idx.msk [tilespmem:v34+s19+$0x0], $0xffff  }
0x1d4: {  	v59 =	vor.u32 v13, v58;
	_ =	sdelay $0x3  }
0x1d5: {  	[tilespmem:$0x14C30] =	vst v32  }
0x1d6: {  	v32 =	vld.idx.msk [tilespmem:v59+s19+$0x0], $0xffff  }
0x1d7: {  	v60 =	vor.u32 v14, v58;
	_ =	sdelay $0x2  }
0x1d8: {  	v61 =	vld [tilespmem:$0x1C0]  }
0x1d9: {  	[tilespmem:$0x14EB0] =	vst v32  }
0x1da: {  	v32 =	vld.idx.msk [tilespmem:v60+s19+$0x0], $0xffff  }
0x1db: {  	v33 =	vor.u32 v15, v58;
	_ =	sdelay $0x1  }
0x1dc: {  	v62 =	vtrunc.f32 v61  }
0x1dd: {  	v34 =	vcvt.f32.s32 v62  }
0x1de: {  	[tilespmem:$0x15130] =	vst v32  }
0x1df: {  	v63 =	vshll.u32 v34, $0x9;
	v32 =	vld.idx.msk [tilespmem:v33+s19+$0x0], $0xffff  }
0x1e0: {  	v34 =	vor.u32 v16, v63;
	_ =	sdelay $0x3  }
0x1e1: {  	[tilespmem:$0x153B0] =	vst v32  }
0x1e2: {  	v32 =	vld.idx.msk [tilespmem:v34+s19+$0x0], $0xffff  }
0x1e3: {  	v36 =	vor.u32 v17, v63;
	_ =	sdelay $0x3  }
0x1e4: {  	[tilespmem:$0x14C40] =	vst v32  }
0x1e5: {  	v32 =	vld.idx.msk [tilespmem:v36+s19+$0x0], $0xffff  }
0x1e6: {  	v37 =	vor.u32 v18, v63;
	_ =	sdelay $0x2  }
0x1e7: {  	v38 =	vld [tilespmem:$0x1D0]  }
0x1e8: {  	[tilespmem:$0x14EC0] =	vst v32  }
0x1e9: {  	v32 =	vld.idx.msk [tilespmem:v37+s19+$0x0], $0xffff  }
0x1ea: {  	v33 =	vor.u32 v19, v63;
	_ =	sdelay $0x1  }
0x1eb: {  	v39 =	vtrunc.f32 v38  }
0x1ec: {  	v34 =	vcvt.f32.s32 v39  }
0x1ed: {  	[tilespmem:$0x15140] =	vst v32  }
0x1ee: {  	v40 =	vshll.u32 v34, $0x9;
	v32 =	vld.idx.msk [tilespmem:v33+s19+$0x0], $0xffff  }
0x1ef: {  	v34 =	vor.u32 v20, v40;
	_ =	sdelay $0x3  }
0x1f0: {  	[tilespmem:$0x153C0] =	vst v32  }
0x1f1: {  	v32 =	vld.idx.msk [tilespmem:v34+s19+$0x0], $0xffff  }
0x1f2: {  	v41 =	vor.u32 v21, v40;
	_ =	sdelay $0x3  }
0x1f3: {  	[tilespmem:$0x14C50] =	vst v32  }
0x1f4: {  	v32 =	vld.idx.msk [tilespmem:v41+s19+$0x0], $0xffff  }
0x1f5: {  	v42 =	vor.u32 v22, v40;
	_ =	sdelay $0x2  }
0x1f6: {  	v43 =	vld [tilespmem:$0x1E0]  }
0x1f7: {  	[tilespmem:$0x14ED0] =	vst v32  }
0x1f8: {  	v32 =	vld.idx.msk [tilespmem:v42+s19+$0x0], $0xffff  }
0x1f9: {  	v33 =	vor.u32 v23, v40;
	_ =	sdelay $0x1  }
0x1fa: {  	v44 =	vtrunc.f32 v43  }
0x1fb: {  	v34 =	vcvt.f32.s32 v44  }
0x1fc: {  	[tilespmem:$0x15150] =	vst v32  }
0x1fd: {  	v45 =	vshll.u32 v34, $0x9;
	v32 =	vld.idx.msk [tilespmem:v33+s19+$0x0], $0xffff  }
0x1fe: {  	v34 =	vor.u32 v24, v45;
	_ =	sdelay $0x3  }
0x1ff: {  	[tilespmem:$0x153D0] =	vst v32  }
0x200: {  	v32 =	vld.idx.msk [tilespmem:v34+s19+$0x0], $0xffff  }
0x201: {  	v46 =	vor.u32 v25, v45;
	_ =	sdelay $0x3  }
0x202: {  	[tilespmem:$0x14C60] =	vst v32  }
0x203: {  	v32 =	vld.idx.msk [tilespmem:v46+s19+$0x0], $0xffff  }
0x204: {  	v47 =	vor.u32 v26, v45;
	_ =	sdelay $0x2  }
0x205: {  	v48 =	vld [tilespmem:$0x1F0]  }
0x206: {  	[tilespmem:$0x14EE0] =	vst v32  }
0x207: {  	v32 =	vld.idx.msk [tilespmem:v47+s19+$0x0], $0xffff  }
0x208: {  	v33 =	vor.u32 v27, v45;
	_ =	sdelay $0x1  }
0x209: {  	v49 =	vtrunc.f32 v48  }
0x20a: {  	v34 =	vcvt.f32.s32 v49  }
0x20b: {  	[tilespmem:$0x15160] =	vst v32  }
0x20c: {  	v50 =	vshll.u32 v34, $0x9;
	v32 =	vld.idx.msk [tilespmem:v33+s19+$0x0], $0xffff  }
0x20d: {  	v34 =	vor.u32 v28, v50;
	_ =	sdelay $0x3  }
0x20e: {  	[tilespmem:$0x153E0] =	vst v32  }
0x20f: {  	v32 =	vld.idx.msk [tilespmem:v34+s19+$0x0], $0xffff  }
0x210: {  	v51 =	vor.u32 v29, v50;
	_ =	sdelay $0x3  }
0x211: {  	[tilespmem:$0x14C70] =	vst v32  }
0x212: {  	v32 =	vld.idx.msk [tilespmem:v51+s19+$0x0], $0xffff  }
0x213: {  	v52 =	vor.u32 v30, v50;
	_ =	sdelay $0x3  }
0x214: {  	[tilespmem:$0x14EF0] =	vst v32  }
0x215: {  	v32 =	vld.idx.msk [tilespmem:v52+s19+$0x0], $0xffff  }
0x216: {  	v33 =	vor.u32 v31, v50;
	_ =	sdelay $0x3  }
0x217: {  	[tilespmem:$0x15170] =	vst v32  }
0x218: {  	v32 =	vld.idx.msk [tilespmem:v33+s19+$0x0], $0xffff;
	_ =	sdelay $0x4  }
0x219: {  	[tilespmem:$0x153F0] =	vst v32  }
0x21a: {  	_ =	swait.ge [sflag:s22], $0xA200  }
0x21b: {  	[sflag:s22] =	ssyncset.done $0x0  }
0x21c: {  	[sflag:s22] =	ssyncadd.s32 $0xFFFF5E00  }
0x21d: {  	v53 =	vld [tilespmem:$0x200];
	_ =	sdelay $0x4  }
0x21e: {  	v32 =	vtrunc.f32 v53  }
0x21f: {  	v32 =	vcvt.f32.s32 v32;
	_ =	sdelay $0x1  }
0x220: {  	v32 =	vshll.u32 v32, $0x9  }
0x221: {  	v54 =	vor.u32 v0, v32;
	_ =	sdelay $0x4  }
0x222: {  	v33 =	vld.idx.msk [tilespmem:v54+s16+$0x0], $0xffff  }
0x223: {  	v55 =	vor.u32 v1, v32;
	_ =	sdelay $0x3  }
0x224: {  	[tilespmem:$0x14C80] =	vst v33  }
0x225: {  	v33 =	vld.idx.msk [tilespmem:v55+s16+$0x0], $0xffff  }
0x226: {  	v56 =	vor.u32 v2, v32;
	_ =	sdelay $0x2  }
0x227: {  	v57 =	vld [tilespmem:$0x210]  }
0x228: {  	[tilespmem:$0x14F00] =	vst v33  }
0x229: {  	v33 =	vld.idx.msk [tilespmem:v56+s16+$0x0], $0xffff  }
0x22a: {  	v32 =	vor.u32 v3, v32;
	_ =	sdelay $0x1  }
0x22b: {  	v58 =	vtrunc.f32 v57  }
0x22c: {  	v34 =	vcvt.f32.s32 v58  }
0x22d: {  	[tilespmem:$0x15180] =	vst v33  }
0x22e: {  	v59 =	vshll.u32 v34, $0x9;
	v32 =	vld.idx.msk [tilespmem:v32+s16+$0x0], $0xffff  }
0x22f: {  	v34 =	vor.u32 v4, v59;
	_ =	sdelay $0x3  }
0x230: {  	[tilespmem:$0x15400] =	vst v32  }
0x231: {  	v32 =	vld.idx.msk [tilespmem:v34+s16+$0x0], $0xffff  }
0x232: {  	v60 =	vor.u32 v5, v59;
	_ =	sdelay $0x3  }
0x233: {  	[tilespmem:$0x14C90] =	vst v32  }
0x234: {  	v32 =	vld.idx.msk [tilespmem:v60+s16+$0x0], $0xffff  }
0x235: {  	v61 =	vor.u32 v6, v59;
	_ =	sdelay $0x2  }
0x236: {  	v62 =	vld [tilespmem:$0x220]  }
0x237: {  	[tilespmem:$0x14F10] =	vst v32  }
0x238: {  	v32 =	vld.idx.msk [tilespmem:v61+s16+$0x0], $0xffff  }
0x239: {  	v33 =	vor.u32 v7, v59;
	_ =	sdelay $0x1  }
0x23a: {  	v63 =	vtrunc.f32 v62  }
0x23b: {  	v34 =	vcvt.f32.s32 v63  }
0x23c: {  	[tilespmem:$0x15190] =	vst v32  }
0x23d: {  	v36 =	vshll.u32 v34, $0x9;
	v32 =	vld.idx.msk [tilespmem:v33+s16+$0x0], $0xffff  }
0x23e: {  	v34 =	vor.u32 v8, v36;
	_ =	sdelay $0x3  }
0x23f: {  	[tilespmem:$0x15410] =	vst v32  }
0x240: {  	v32 =	vld.idx.msk [tilespmem:v34+s16+$0x0], $0xffff  }
0x241: {  	v37 =	vor.u32 v9, v36;
	_ =	sdelay $0x3  }
0x242: {  	[tilespmem:$0x14CA0] =	vst v32  }
0x243: {  	v32 =	vld.idx.msk [tilespmem:v37+s16+$0x0], $0xffff  }
0x244: {  	v38 =	vor.u32 v10, v36;
	_ =	sdelay $0x2  }
0x245: {  	v39 =	vld [tilespmem:$0x230]  }
0x246: {  	[tilespmem:$0x14F20] =	vst v32  }
0x247: {  	v32 =	vld.idx.msk [tilespmem:v38+s16+$0x0], $0xffff  }
0x248: {  	v33 =	vor.u32 v11, v36;
	_ =	sdelay $0x1  }
0x249: {  	v40 =	vtrunc.f32 v39  }
0x24a: {  	v34 =	vcvt.f32.s32 v40  }
0x24b: {  	[tilespmem:$0x151A0] =	vst v32  }
0x24c: {  	v41 =	vshll.u32 v34, $0x9;
	v32 =	vld.idx.msk [tilespmem:v33+s16+$0x0], $0xffff  }
0x24d: {  	v34 =	vor.u32 v12, v41;
	_ =	sdelay $0x3  }
0x24e: {  	[tilespmem:$0x15420] =	vst v32  }
0x24f: {  	v32 =	vld.idx.msk [tilespmem:v34+s16+$0x0], $0xffff  }
0x250: {  	v42 =	vor.u32 v13, v41;
	_ =	sdelay $0x3  }
0x251: {  	[tilespmem:$0x14CB0] =	vst v32  }
0x252: {  	v32 =	vld.idx.msk [tilespmem:v42+s16+$0x0], $0xffff  }
0x253: {  	v43 =	vor.u32 v14, v41;
	_ =	sdelay $0x2  }
0x254: {  	v44 =	vld [tilespmem:$0x240]  }
0x255: {  	[tilespmem:$0x14F30] =	vst v32  }
0x256: {  	v32 =	vld.idx.msk [tilespmem:v43+s16+$0x0], $0xffff  }
0x257: {  	v33 =	vor.u32 v15, v41;
	_ =	sdelay $0x1  }
0x258: {  	v45 =	vtrunc.f32 v44  }
0x259: {  	v34 =	vcvt.f32.s32 v45  }
0x25a: {  	[tilespmem:$0x151B0] =	vst v32  }
0x25b: {  	v46 =	vshll.u32 v34, $0x9;
	v32 =	vld.idx.msk [tilespmem:v33+s16+$0x0], $0xffff  }
0x25c: {  	v34 =	vor.u32 v16, v46;
	_ =	sdelay $0x3  }
0x25d: {  	[tilespmem:$0x15430] =	vst v32  }
0x25e: {  	v32 =	vld.idx.msk [tilespmem:v34+s16+$0x0], $0xffff  }
0x25f: {  	v47 =	vor.u32 v17, v46;
	_ =	sdelay $0x3  }
0x260: {  	[tilespmem:$0x14CC0] =	vst v32  }
0x261: {  	v32 =	vld.idx.msk [tilespmem:v47+s16+$0x0], $0xffff  }
0x262: {  	v48 =	vor.u32 v18, v46;
	_ =	sdelay $0x2  }
0x263: {  	v49 =	vld [tilespmem:$0x250]  }
0x264: {  	[tilespmem:$0x14F40] =	vst v32  }
0x265: {  	v32 =	vld.idx.msk [tilespmem:v48+s16+$0x0], $0xffff  }
0x266: {  	v33 =	vor.u32 v19, v46;
	_ =	sdelay $0x1  }
0x267: {  	v50 =	vtrunc.f32 v49  }
0x268: {  	v34 =	vcvt.f32.s32 v50  }
0x269: {  	[tilespmem:$0x151C0] =	vst v32  }
0x26a: {  	v51 =	vshll.u32 v34, $0x9;
	v32 =	vld.idx.msk [tilespmem:v33+s16+$0x0], $0xffff  }
0x26b: {  	v34 =	vor.u32 v20, v51;
	_ =	sdelay $0x3  }
0x26c: {  	[tilespmem:$0x15440] =	vst v32  }
0x26d: {  	v32 =	vld.idx.msk [tilespmem:v34+s16+$0x0], $0xffff  }
0x26e: {  	v52 =	vor.u32 v21, v51;
	_ =	sdelay $0x3  }
0x26f: {  	[tilespmem:$0x14CD0] =	vst v32  }
0x270: {  	v32 =	vld.idx.msk [tilespmem:v52+s16+$0x0], $0xffff  }
0x271: {  	v53 =	vor.u32 v22, v51;
	_ =	sdelay $0x2  }
0x272: {  	v54 =	vld [tilespmem:$0x260]  }
0x273: {  	[tilespmem:$0x14F50] =	vst v32  }
0x274: {  	v32 =	vld.idx.msk [tilespmem:v53+s16+$0x0], $0xffff  }
0x275: {  	v33 =	vor.u32 v23, v51;
	_ =	sdelay $0x1  }
0x276: {  	v55 =	vtrunc.f32 v54  }
0x277: {  	v34 =	vcvt.f32.s32 v55  }
0x278: {  	[tilespmem:$0x151D0] =	vst v32  }
0x279: {  	v56 =	vshll.u32 v34, $0x9;
	v32 =	vld.idx.msk [tilespmem:v33+s16+$0x0], $0xffff  }
0x27a: {  	v34 =	vor.u32 v24, v56;
	_ =	sdelay $0x3  }
0x27b: {  	[tilespmem:$0x15450] =	vst v32  }
0x27c: {  	v32 =	vld.idx.msk [tilespmem:v34+s16+$0x0], $0xffff  }
0x27d: {  	v57 =	vor.u32 v25, v56;
	_ =	sdelay $0x3  }
0x27e: {  	[tilespmem:$0x14CE0] =	vst v32  }
0x27f: {  	v32 =	vld.idx.msk [tilespmem:v57+s16+$0x0], $0xffff  }
0x280: {  	v58 =	vor.u32 v26, v56;
	_ =	sdelay $0x2  }
0x281: {  	v59 =	vld [tilespmem:$0x270]  }
0x282: {  	[tilespmem:$0x14F60] =	vst v32  }
0x283: {  	v32 =	vld.idx.msk [tilespmem:v58+s16+$0x0], $0xffff  }
0x284: {  	v33 =	vor.u32 v27, v56;
	_ =	sdelay $0x1  }
0x285: {  	v60 =	vtrunc.f32 v59  }
0x286: {  	v34 =	vcvt.f32.s32 v60  }
0x287: {  	[tilespmem:$0x151E0] =	vst v32  }
0x288: {  	v61 =	vshll.u32 v34, $0x9;
	v32 =	vld.idx.msk [tilespmem:v33+s16+$0x0], $0xffff  }
0x289: {  	v34 =	vor.u32 v28, v61;
	_ =	sdelay $0x3  }
0x28a: {  	[tilespmem:$0x15460] =	vst v32  }
0x28b: {  	v32 =	vld.idx.msk [tilespmem:v34+s16+$0x0], $0xffff  }
0x28c: {  	v62 =	vor.u32 v29, v61;
	_ =	sdelay $0x3  }
0x28d: {  	[tilespmem:$0x14CF0] =	vst v32  }
0x28e: {  	v32 =	vld.idx.msk [tilespmem:v62+s16+$0x0], $0xffff  }
0x28f: {  	v63 =	vor.u32 v30, v61;
	_ =	sdelay $0x3  }
0x290: {  	[tilespmem:$0x14F70] =	vst v32  }
0x291: {  	v32 =	vld.idx.msk [tilespmem:v63+s16+$0x0], $0xffff  }
0x292: {  	v33 =	vor.u32 v31, v61;
	_ =	sdelay $0x3  }
0x293: {  	[tilespmem:$0x151F0] =	vst v32  }
0x294: {  	v32 =	vld.idx.msk [tilespmem:v33+s16+$0x0], $0xffff;
	_ =	sdelay $0x4  }
0x295: {  	[tilespmem:$0x15470] =	vst v32  }
0x296: {  	[hbm4b:s8+s2] =	stream.linear.scatter [tilespmem:s26], [sflag:$0x3], $0x280, $0x38;
	[tilespmem:$0x15480] =	vst v63  }
0x297: {  	_ =	swait.ge [sflag:s13], $0x280  }
0x298: {  	[sflag:s13] =	ssyncset.done $0x0  }
0x299: {  	[sflag:s13] =	ssyncadd.s32 $0xFFFFFD80  }
0x29a: {  	[hbm4b:s9+s2] =	stream.linear.scatter [tilespmem:s28], [sflag:$0x3], $0x280, $0x38;
	[tilespmem:$0x15480] =	vst v63  }
0x29b: {  	_ =	swait.ge [sflag:s13], $0x280  }
0x29c: {  	[sflag:s13] =	ssyncset.done $0x0  }
0x29d: {  	[sflag:s13] =	ssyncadd.s32 $0xFFFFFD80  }
0x29e: {  	[hbm4b:s10+s2] =	stream.linear.scatter [tilespmem:s29], [sflag:$0x3], $0x280, $0x38;
	[tilespmem:$0x15480] =	vst v63  }
0x29f: {  	_ =	swait.ge [sflag:s13], $0x280  }
0x2a0: {  	p0 =	sne.s32 s12, $0x1;
	[sflag:s13] =	ssyncset.done $0x0  }
.Ltmp0:
0x2a1: {  	[sflag:s13] =	ssyncadd.s32 $0xFFFFFD80;
	(pc) =	sbr.rel @p0 .LBB2_1-.Ltmp0, $4  }
0x2a2: {  	[hbm4b:s11+s2] =	stream.linear.scatter [tilespmem:s30], [sflag:$0x3], $0x280, $0x38;
	[tilespmem:$0x15480] =	vst v63  }
0x2a3: {  	_ =	swait.ge [sflag:s13], $0x280  }
0x2a4: {  	[sflag:s13] =	ssyncset.done $0x0  }
0x2a5: {  	s12 =	sadd.s32 $0xFFFFFFFF, s12;
	[sflag:s13] =	ssyncadd.s32 $0xFFFFFD80  }
0x2a6: {  	_ =	sfence.sel $0x180000  }
0x2a7: {  	[bflag:$0x0] =	sbarrier.arrive $0xFFFF  }
0x2a8: {  	p0 =	sne.s32 s0, $0x0;
	_ =	strace $0x90000047  }
0x2a9: {  	s0 =	sadd.s32 @!p0 $0x100000, s1;
	[bflag:$0x2] =	sbarrier.arrive $0xFFFF  }
0x2aa: {  	[sflag:s0] =	ssyncadd.tile.s32 @!p0 $0x1;
	_ =	shalt  }
.Lfunc_end2:
_tile_overlayer_lowered:
.L_overlay_start_2:
0x2ab: {  	(tag) =	ssettag $0x2  }
0x2ac: {  	s0 =	rddreg [dreg:$0x0];
	s2 =	stileid.u32  }
0x2ad: {  	s1 =	rddreg [dreg:$0x1];
	p0 =	sne.s32 s2, $0x0  }
0x2ae: {  	s3 =	rddreg [dreg:$0x2];
	[bflag:$0x3] =	sbarrier.arrive $0xFFFF;
	s2 =	simm.s32 @!p0 $0x1C03  }
0x2af: {  	[timem:s3], [sflag:s2] =	dma.local @!p0 [hbm:s0], s1  }
0x2b0: {  	s0 =	simm.s32 @!p0 $0x3  }
0x2b1: {  	_ =	swait.ge @!p0 [sflag:s0], s1  }
0x2b2: {  	s1 =	ssub.s32 @!p0 $0x0, s1;
	[sflag:s0] =	ssyncset.done @!p0 $0x0  }
0x2b3: {  	[sflag:s0] =	ssyncadd.s32 @!p0 s1  }
0x2b4: {  	[bflag:$0x3] =	sbarrier.arrive $0xFFFF  }
0x2b5: {  	_ =	shalt  }

</sc_bundles>
